<compile_context>
chip_gen: v7x
topology: tpu7x:2x2x1
jax: 0.10.2.dev20260603
libtpu: 0.0.44.dev20260713+nightly
codegen_flags: <defaults>
</compile_context>

<pallas_src>
import functools

import jax
import jax.numpy as jnp
from jax import lax
from jax.experimental import pallas as pl
from jax.experimental.pallas import tpu as pltpu
from jax.experimental.pallas import tpu_sc as plsc

N = 10000
NP = 10112
RPW = NP // 16
E = 320000
NW = 32
CB = 128
CH = 79
EPW = CH * CB
EP = NW * EPW
BLK = 80
GRID = N // BLK
G = 16


def _elu(z):
    return jnp.where(z > 0, z, jnp.exp(z) - 1.0)


@functools.lru_cache(maxsize=None)
def _make_spmm():
    mesh = plsc.VectorSubcoreMesh(core_axis_name="c", subcore_axis_name="s")
    scratch = [
        pltpu.VMEM((CH, CB), jnp.int32),
        pltpu.VMEM((1, CB), jnp.int32),
        pltpu.VMEM((1, CB), jnp.int32),
        pltpu.VMEM((CB, 128), jnp.float32),
        pltpu.VMEM((CB, 128), jnp.float32),
        pltpu.VMEM_SHARED((NP, 128), jnp.float32),
        pltpu.SemaphoreType.DMA,
        pltpu.SemaphoreType.DMA,
        pltpu.SemaphoreType.DMA,
        pltpu.SemaphoreType.DMA,
        pltpu.SemaphoreType.DMA,
        pltpu.SemaphoreType.DMA,
    ]

    def body(xm, src4, dst3, zf, out, dstv, srcA, srcB, gA, gB, shared,
             semA, semB, isemA, isemB, ssemA, ssemB):
        c = lax.axis_index("c")
        s = lax.axis_index("s")
        wid = s * 2 + c
        pltpu.sync_copy(dst3.at[wid], dstv)
        pltpu.sync_copy(zf, shared.at[pl.ds(s * RPW, RPW)])
        plsc.subcore_barrier()

        pltpu.sync_copy(src4.at[wid, 0], srcA)
        pltpu.sync_copy(src4.at[wid, 1], srcB)
        pltpu.async_copy(xm.at[srcA.at[0]], gA, semA)

        def pair(j, carry):
            k0 = 2 * j
            k1 = k0 + 1
            pltpu.make_async_copy(xm.at[srcA.at[0]], gA, semA).wait()

            @pl.when(j > 0)
            def _():
                pltpu.make_async_copy(gB, shared.at[dstv.at[k0]], ssemB).wait()
                pltpu.make_async_copy(src4.at[wid, k1], srcB, isemB).wait()

            pltpu.async_copy(xm.at[srcB.at[0]], gB, semB)
            pltpu.async_copy(gA, shared.at[dstv.at[k0]], ssemA, add=True)

            @pl.when(k0 + 2 < CH)
            def _():
                pltpu.async_copy(src4.at[wid, k0 + 2], srcA, isemA)

            pltpu.make_async_copy(xm.at[srcB.at[0]], gB, semB).wait()

            @pl.when(k0 + 3 < CH)
            def _():
                pltpu.async_copy(src4.at[wid, k0 + 3], srcB, isemB)

            pltpu.async_copy(gB, shared.at[dstv.at[k1]], ssemB, add=True)

            @pl.when(k0 + 2 < CH)
            def _():
                pltpu.make_async_copy(gA, shared.at[dstv.at[k0]], ssemA).wait()
                pltpu.make_async_copy(src4.at[wid, k0 + 2], srcA, isemA).wait()
                pltpu.async_copy(xm.at[srcA.at[0]], gA, semA)

            return carry

        lax.fori_loop(0, CH // 2, pair, 0)
        if CH % 2:
            pltpu.make_async_copy(xm.at[srcA.at[0]], gA, semA).wait()
            pltpu.sync_copy(gA, shared.at[dstv.at[CH - 1]], add=True)
        pltpu.make_async_copy(gB, shared.at[dstv.at[CH - 2]], ssemB).wait()
        plsc.subcore_barrier()
        pltpu.sync_copy(shared.at[pl.ds(s * RPW, RPW)],
                        out.at[c, pl.ds(s * RPW, RPW)])

    return pl.kernel(
        body, mesh=mesh,
        out_type=jax.ShapeDtypeStruct((2, NP, 128), jnp.float32),
        scratch_types=scratch)


@functools.lru_cache(maxsize=None)
def _make_eagg():
    mesh = plsc.VectorSubcoreMesh(core_axis_name="c", subcore_axis_name="s")
    scratch = [
        pltpu.VMEM((CH, CB), jnp.int32),
        pltpu.VMEM((CB, 128), jnp.float32),
        pltpu.VMEM((CB, 128), jnp.float32),
        pltpu.VMEM_SHARED((NP, 128), jnp.float32),
        pltpu.SemaphoreType.DMA,
        pltpu.SemaphoreType.DMA,
    ]

    def body(ea4, dst3, zf, out, dstv, eA, eB, shared, semA, semB):
        c = lax.axis_index("c")
        s = lax.axis_index("s")
        wid = s * 2 + c
        pltpu.sync_copy(dst3.at[wid], dstv)
        pltpu.sync_copy(zf, shared.at[pl.ds(s * RPW, RPW)])
        plsc.subcore_barrier()

        pltpu.async_copy(ea4.at[wid, 0], eA, semA)

        def pair(j, carry):
            k0 = 2 * j
            k1 = k0 + 1
            pltpu.make_async_copy(ea4.at[wid, k0], eA, semA).wait()
            pltpu.async_copy(ea4.at[wid, k1], eB, semB)
            pltpu.sync_copy(eA, shared.at[dstv.at[k0]], add=True)
            pltpu.make_async_copy(ea4.at[wid, k1], eB, semB).wait()

            @pl.when(k0 + 2 < CH)
            def _():
                pltpu.async_copy(ea4.at[wid, k0 + 2], eA, semA)

            pltpu.sync_copy(eB, shared.at[dstv.at[k1]], add=True)
            return carry

        lax.fori_loop(0, CH // 2, pair, 0)
        if CH % 2:
            pltpu.make_async_copy(ea4.at[wid, CH - 1], eA, semA).wait()
            pltpu.sync_copy(eA, shared.at[dstv.at[CH - 1]], add=True)
        plsc.subcore_barrier()
        pltpu.sync_copy(shared.at[pl.ds(s * RPW, RPW)],
                        out.at[c, pl.ds(s * RPW, RPW)])

    return pl.kernel(
        body, mesh=mesh,
        out_type=jax.ShapeDtypeStruct((2, NP, 128), jnp.float32),
        scratch_types=scratch)


def _pad128(m):
    f = m.shape[1]
    if f == 128:
        return m
    return jnp.concatenate(
        [m, jnp.zeros((m.shape[0], 128 - f), jnp.float32)], axis=1)


def _proj(x, w):
    fin, fout = w.shape

    def body(x_ref, w_ref, o_ref):
        o_ref[...] = _pad128(jnp.dot(x_ref[...], w_ref[...],
                                     preferred_element_type=jnp.float32))

    return pl.pallas_call(
        body,
        grid=(GRID,),
        in_specs=[pl.BlockSpec((BLK, fin), lambda i: (i, 0)),
                  pl.BlockSpec((fin, fout), lambda i: (0, 0))],
        out_specs=pl.BlockSpec((BLK, 128), lambda i: (i, 0)),
        out_shape=jax.ShapeDtypeStruct((N, 128), jnp.float32),
    )(x, w)


def _layer(spmm, eagg, h_in, We, Ws, Wm_next, bm, be, bs):
    fin, fout = Ws.shape
    fnext = Wm_next.shape[1]
    bm2, be2, bs2 = (b.reshape(1, fout) for b in (bm, be, bs))

    def body(sp_ref, ea_ref, h_ref, we_ref, ws_ref, wmn_ref,
             bm_ref, be_ref, bs_ref, ho_ref, xo_ref):
        sp = (sp_ref[0] + sp_ref[1])[:, :fout]
        ea = ea_ref[0] + ea_ref[1]
        z = (sp
             + jnp.dot(h_ref[...], ws_ref[...], preferred_element_type=jnp.float32)
             + jnp.dot(ea[:, :16], we_ref[...], preferred_element_type=jnp.float32)
             + ea[:, 16:17] * (bm_ref[...] + be_ref[...])
             + bs_ref[...])
        h = _elu(z)
        ho_ref[...] = h
        xo_ref[...] = _pad128(jnp.dot(h, wmn_ref[...],
                                      preferred_element_type=jnp.float32))

    return pl.pallas_call(
        body,
        grid=(GRID,),
        in_specs=[pl.BlockSpec((2, BLK, 128), lambda i: (0, i, 0)),
                  pl.BlockSpec((2, BLK, 128), lambda i: (0, i, 0)),
                  pl.BlockSpec((BLK, fin), lambda i: (i, 0)),
                  pl.BlockSpec((16, fout), lambda i: (0, 0)),
                  pl.BlockSpec((fin, fout), lambda i: (0, 0)),
                  pl.BlockSpec((fout, fnext), lambda i: (0, 0)),
                  pl.BlockSpec((1, fout), lambda i: (0, 0)),
                  pl.BlockSpec((1, fout), lambda i: (0, 0)),
                  pl.BlockSpec((1, fout), lambda i: (0, 0))],
        out_specs=[pl.BlockSpec((BLK, fout), lambda i: (i, 0)),
                   pl.BlockSpec((BLK, 128), lambda i: (i, 0))],
        out_shape=[jax.ShapeDtypeStruct((N, fout), jnp.float32),
                   jax.ShapeDtypeStruct((N, 128), jnp.float32)],
    )(spmm, eagg, h_in, We, Ws, Wm_next, bm2, be2, bs2)


def _final(spmm, eagg, h_in, We, Ws, bm, be, bs, batch3):
    fin, fout = Ws.shape
    bm2, be2, bs2 = (b.reshape(1, fout) for b in (bm, be, bs))

    def body(sp_ref, ea_ref, h_ref, we_ref, ws_ref,
             bm_ref, be_ref, bs_ref, b_ref, o_ref, acc_p, acc_c):
        i = pl.program_id(0)
        sp = (sp_ref[0] + sp_ref[1])[:, :fout]
        ea = ea_ref[0] + ea_ref[1]
        z = (sp
             + jnp.dot(h_ref[...], ws_ref[...], preferred_element_type=jnp.float32)
             + jnp.dot(ea[:, :16], we_ref[...], preferred_element_type=jnp.float32)
             + ea[:, 16:17] * (bm_ref[...] + be_ref[...])
             + bs_ref[...])
        h = _elu(z)
        onehot = (lax.broadcasted_iota(jnp.int32, (G, BLK), 0)
                  == jnp.reshape(b_ref[...], (1, BLK))).astype(jnp.float32)

        @pl.when(i == 0)
        def _():
            acc_p[...] = jnp.zeros((G, fout), jnp.float32)
            acc_c[...] = jnp.zeros((G, fout), jnp.float32)

        acc_p[...] += jnp.dot(onehot, h, preferred_element_type=jnp.float32)
        acc_c[...] += jnp.dot(onehot, jnp.ones((BLK, fout), jnp.float32),
                              preferred_element_type=jnp.float32)

        @pl.when(i == GRID - 1)
        def _():
            o_ref[...] = acc_p[...] / jnp.maximum(acc_c[...], 1.0)

    return pl.pallas_call(
        body,
        grid=(GRID,),
        in_specs=[pl.BlockSpec((2, BLK, 128), lambda i: (0, i, 0)),
                  pl.BlockSpec((2, BLK, 128), lambda i: (0, i, 0)),
                  pl.BlockSpec((BLK, fin), lambda i: (i, 0)),
                  pl.BlockSpec((16, fout), lambda i: (0, 0)),
                  pl.BlockSpec((fin, fout), lambda i: (0, 0)),
                  pl.BlockSpec((1, fout), lambda i: (0, 0)),
                  pl.BlockSpec((1, fout), lambda i: (0, 0)),
                  pl.BlockSpec((1, fout), lambda i: (0, 0)),
                  pl.BlockSpec((1, 1, BLK), lambda i: (i, 0, 0))],
        out_specs=pl.BlockSpec((G, fout), lambda i: (0, 0)),
        out_shape=jax.ShapeDtypeStruct((G, fout), jnp.float32),
        scratch_shapes=[pltpu.VMEM((G, fout), jnp.float32),
                        pltpu.VMEM((G, fout), jnp.float32)],
    )(spmm, eagg, h_in, We, Ws, bm2, be2, bs2, batch3)


def kernel(x, edge_index, edge_attr, batch,
           Wm1, bm1, We1, be1, Ws1, bs1,
           Wm2, bm2, We2, be2, Ws2, bs2,
           Wm3, bm3, We3, be3, Ws3, bs3):
    src = edge_index[0]
    dst = edge_index[1]
    epw_real = E // NW
    padw = EPW - epw_real
    dump = N + ((jnp.arange(padw, dtype=jnp.int32)[None, :]
                 + 7 * jnp.arange(NW, dtype=jnp.int32)[:, None]) % (NP - N))
    src4 = jnp.concatenate(
        [src.reshape(NW, epw_real),
         jnp.zeros((NW, padw), jnp.int32)], axis=1).reshape(NW, CH, 1, CB)
    dst3 = jnp.concatenate(
        [dst.reshape(NW, epw_real), dump], axis=1).reshape(NW, CH, CB)
    ea128 = jnp.concatenate([edge_attr,
                             jnp.ones((E, 1), jnp.float32),
                             jnp.zeros((E, 111), jnp.float32)], axis=1)
    ea4 = jnp.concatenate([ea128.reshape(NW, epw_real, 128),
                           jnp.zeros((NW, padw, 128), jnp.float32)],
                          axis=1).reshape(NW, CH, CB, 128)
    batch3 = batch.reshape(GRID, 1, BLK)
    z128 = jnp.zeros((RPW, 128), jnp.float32)

    xm1 = _proj(x, Wm1)
    eagg = _make_eagg()(ea4, dst3, z128)
    spmm1 = _make_spmm()(xm1, src4, dst3, z128)
    h1, xm2 = _layer(spmm1, eagg, x, We1, Ws1, Wm2, bm1, be1, bs1)
    spmm2 = _make_spmm()(xm2, src4, dst3, z128)
    h2, xm3 = _layer(spmm2, eagg, h1, We2, Ws2, Wm3, bm2, be2, bs2)
    spmm3 = _make_spmm()(xm3, src4, dst3, z128)
    return _final(spmm3, eagg, h2, We3, Ws3, bm3, be3, bs3, batch3)

# --- scband reference (transcript-rebuilt; emitter-appended) ---
"""Pipeline reference for scband-general-net-79216376808040 (READ-ONLY COPY).

The authoritative reference and input builder live on the scoring server;
editing this copy changes nothing except your own understanding.
"""

import jax, jax.numpy as jnp
import numpy as np

N = 10000
E = 320000
D_IN = 128
H = 64
D_EDGE = 16
G = 16  # num graphs in batch vector


def _lin_init(key, fin, fout):
    return jax.random.normal(key, (fin, fout), dtype=jnp.float32) / np.sqrt(fin)


def setup_inputs(seed: int = 0) -> dict:
    key = jax.random.key(seed)
    ks = jax.random.split(key, 16)
    inp = {}
    inp["x"] = jax.random.normal(ks[0], (N, D_IN), dtype=jnp.float32)
    inp["edge_index"] = jax.random.randint(ks[1], (2, E), 0, N, dtype=jnp.int32)
    inp["edge_attr"] = jax.random.normal(ks[2], (E, D_EDGE), dtype=jnp.float32)
    inp["batch"] = jnp.sort(jax.random.randint(ks[3], (N,), 0, G, dtype=jnp.int32))
    # GeneralConv params: lin_msg (Wm,bm), lin_edge (We,be), lin_self (Ws,bs).
    # All three convs have in_channels != out_channels, so lin_self is a real Linear.
    dims = [(D_IN, H), (H, 2 * H), (2 * H, H)]
    i = 4
    for li, (fin, fout) in enumerate(dims, 1):
        inp[f"Wm{li}"] = _lin_init(ks[i], fin, fout); i += 1
        inp[f"bm{li}"] = jnp.zeros((fout,), jnp.float32)
        inp[f"We{li}"] = _lin_init(ks[i], D_EDGE, fout); i += 1
        inp[f"be{li}"] = jnp.zeros((fout,), jnp.float32)
        inp[f"Ws{li}"] = _lin_init(ks[i], fin, fout); i += 1
        inp[f"bs{li}"] = jnp.zeros((fout,), jnp.float32)
    return inp


def _general_conv(x, src, dst, edge_attr, Wm, bm, We, be, Ws, bs):
    # message: lin_msg(x_j) + lin_edge(edge_attr), per edge (heads=1, directed)
    msg = x[src] @ Wm + bm + edge_attr @ We + be
    # aggr='add' scatter-add to destination nodes
    agg = jax.ops.segment_sum(msg, dst, num_segments=N)
    # skip connection via lin_self (in != out for all three convs)
    return agg + (x @ Ws + bs)


def reference(x, edge_index, edge_attr, batch,
              Wm1, bm1, We1, be1, Ws1, bs1,
              Wm2, bm2, We2, be2, Ws2, bs2,
              Wm3, bm3, We3, be3, Ws3, bs3):
    src = edge_index[0]
    dst = edge_index[1]
    h = jax.nn.elu(_general_conv(x, src, dst, edge_attr, Wm1, bm1, We1, be1, Ws1, bs1))
    h = jax.nn.elu(_general_conv(h, src, dst, edge_attr, Wm2, bm2, We2, be2, Ws2, bs2))
    h = jax.nn.elu(_general_conv(h, src, dst, edge_attr, Wm3, bm3, We3, be3, Ws3, bs3))
    # global mean pool over graphs in the batch vector
    sums = jax.ops.segment_sum(h, batch, num_segments=G)
    counts = jax.ops.segment_sum(jnp.ones((N,), jnp.float32), batch, num_segments=G)
    return sums / jnp.maximum(counts, 1.0)[:, None]

if __name__ == "__main__":
    import jax
    _d = setup_inputs()
    print(jax.jit(kernel)(*tuple(_d.values())))

</pallas_src>

<mosaic_0001>
#map = affine_map<(d0, d1) -> (0, 0)>
#map1 = affine_map<(d0, d1) -> (0, 0, 0, 0)>
#map2 = affine_map<(d0, d1) -> (0, 0, 0)>
module attributes {stable_mosaic.version = 14 : i64} {
  func.func @body(%arg0: i32, %arg1: i32, %arg2: memref<10000x128xf32, #tpu.memory_space<hbm>>, %arg3: memref<32x79x1x128xi32, #tpu.memory_space<hbm>>, %arg4: memref<32x79x128xi32, #tpu.memory_space<hbm>>, %arg5: memref<632x128xf32, #tpu.memory_space<hbm>>, %arg6: memref<2x10112x128xf32, #tpu.memory_space<hbm>>, %arg7: memref<79x128xi32, #tpu.memory_space<vmem>>, %arg8: memref<1x128xi32, #tpu.memory_space<vmem>>, %arg9: memref<1x128xi32, #tpu.memory_space<vmem>>, %arg10: memref<128x128xf32, #tpu.memory_space<vmem>>, %arg11: memref<128x128xf32, #tpu.memory_space<vmem>>, %arg12: memref<10112x128xf32, #tpu.memory_space<vmem_shared>>, %arg13: memref<!tpu.dma_semaphore, #tpu.memory_space<semaphore_mem>>, %arg14: memref<!tpu.dma_semaphore, #tpu.memory_space<semaphore_mem>>, %arg15: memref<!tpu.dma_semaphore, #tpu.memory_space<semaphore_mem>>, %arg16: memref<!tpu.dma_semaphore, #tpu.memory_space<semaphore_mem>>, %arg17: memref<!tpu.dma_semaphore, #tpu.memory_space<semaphore_mem>>, %arg18: memref<!tpu.dma_semaphore, #tpu.memory_space<semaphore_mem>>) attributes {dimension_semantics = [#tpu.dimension_semantics<core_parallel>, #tpu.dimension_semantics<subcore_parallel>], iteration_bounds = array<i64: 2, 16>, scalar_prefetch = 0 : i64, scratch_operands = 12 : i64, tpu.core_type = #tpu.core_type<sc_vector_subcore>, window_params = [{transform_indices = #map}, {transform_indices = #map1}, {transform_indices = #map2}, {transform_indices = #map}, {transform_indices = #map2}]} {
    %mul3A = arith.constant 2 : i32
    %mul3A_0 = arith.muli %arg1, %mul3A : i32
    %add3A = arith.addi %mul3A_0, %arg0 : i32
    "tpu.region"() ({
      %run_scoped3A_34 = tpu.sem_alloc : memref<!tpu.dma_semaphore, #tpu.memory_space<semaphore_mem>>
      %dma_start3A_35 = arith.constant 0 : i32
      %dma_start3A_36 = arith.constant 0 : i32
      %dma_start3A_37 = tpu.memref_slice %arg4[%add3A, %dma_start3A_35, %dma_start3A_36] : memref<32x79x128xi32, #tpu.memory_space<hbm>> -> memref<1x79x128xi32, #tpu.memory_space<hbm>>
      %dma_start3A_38 = tpu.memref_squeeze %dma_start3A_37 : memref<1x79x128xi32, #tpu.memory_space<hbm>> -> memref<79x128xi32, #tpu.memory_space<hbm>>
      %dma_start3A_39 = arith.constant 0 : i32
      %dma_start3A_40 = arith.constant 0 : i32
      %dma_start3A_41 = tpu.memref_slice %arg4[%add3A, %dma_start3A_39, %dma_start3A_40] : memref<32x79x128xi32, #tpu.memory_space<hbm>> -> memref<1x79x128xi32, #tpu.memory_space<hbm>>
      %dma_start3A_42 = tpu.memref_squeeze %dma_start3A_41 : memref<1x79x128xi32, #tpu.memory_space<hbm>> -> memref<79x128xi32, #tpu.memory_space<hbm>>
      tpu.enqueue_dma source(%dma_start3A_42 : memref<79x128xi32, #tpu.memory_space<hbm>>) target(%arg7 : memref<79x128xi32, #tpu.memory_space<vmem>>) target_semaphore(%run_scoped3A_34 : memref<!tpu.dma_semaphore, #tpu.memory_space<semaphore_mem>>)
      %dma_wait3A_43 = arith.constant 0 : i32
      %dma_wait3A_44 = arith.constant 0 : i32
      %dma_wait3A_45 = tpu.memref_slice %arg4[%add3A, %dma_wait3A_43, %dma_wait3A_44] : memref<32x79x128xi32, #tpu.memory_space<hbm>> -> memref<1x79x128xi32, #tpu.memory_space<hbm>>
      %dma_wait3A_46 = tpu.memref_squeeze %dma_wait3A_45 : memref<1x79x128xi32, #tpu.memory_space<hbm>> -> memref<79x128xi32, #tpu.memory_space<hbm>>
      %dma_wait3A_47 = arith.constant 0 : i32
      %dma_wait3A_48 = arith.constant 0 : i32
      %dma_wait3A_49 = tpu.memref_slice %arg4[%add3A, %dma_wait3A_47, %dma_wait3A_48] : memref<32x79x128xi32, #tpu.memory_space<hbm>> -> memref<1x79x128xi32, #tpu.memory_space<hbm>>
      %dma_wait3A_50 = tpu.memref_squeeze %dma_wait3A_49 : memref<1x79x128xi32, #tpu.memory_space<hbm>> -> memref<79x128xi32, #tpu.memory_space<hbm>>
      tpu.wait_dma2 semaphore(%run_scoped3A_34 : memref<!tpu.dma_semaphore, #tpu.memory_space<semaphore_mem>>) src(%dma_wait3A_50 : memref<79x128xi32, #tpu.memory_space<hbm>>) dst(%arg7 : memref<79x128xi32, #tpu.memory_space<vmem>>)
      tpu.yield
    }) : () -> ()
    %mul3A_1 = arith.constant 632 : i32
    %mul3A_2 = arith.muli %arg1, %mul3A_1 : i32
    "tpu.region"() ({
      %run_scoped3A_34 = tpu.sem_alloc : memref<!tpu.dma_semaphore, #tpu.memory_space<semaphore_mem>>
      %dma_start3A_35 = arith.constant 0 : i32
      %dma_start3A_36 = tpu.memref_slice %arg12[%mul3A_2, %dma_start3A_35] : memref<10112x128xf32, #tpu.memory_space<vmem_shared>> -> memref<632x128xf32, #tpu.memory_space<vmem_shared>>
      tpu.enqueue_dma source(%arg5 : memref<632x128xf32, #tpu.memory_space<hbm>>) target(%dma_start3A_36 : memref<632x128xf32, #tpu.memory_space<vmem_shared>>) target_semaphore(%run_scoped3A_34 : memref<!tpu.dma_semaphore, #tpu.memory_space<semaphore_mem>>)
      %dma_wait3A_37 = arith.constant 0 : i32
      %dma_wait3A_38 = tpu.memref_slice %arg12[%mul3A_2, %dma_wait3A_37] : memref<10112x128xf32, #tpu.memory_space<vmem_shared>> -> memref<632x128xf32, #tpu.memory_space<vmem_shared>>
      tpu.wait_dma2 semaphore(%run_scoped3A_34 : memref<!tpu.dma_semaphore, #tpu.memory_space<semaphore_mem>>) src(%arg5 : memref<632x128xf32, #tpu.memory_space<hbm>>) dst(%dma_wait3A_38 : memref<632x128xf32, #tpu.memory_space<vmem_shared>>)
      tpu.yield
    }) : () -> ()
    %barrier3A = arith.constant 0 : index
    tpu.barrier barrier_id(%barrier3A)
    %run_scoped3A = arith.constant 0 : i32
    "tpu.region"() ({
      %run_scoped3A_34 = tpu.sem_alloc : memref<!tpu.dma_semaphore, #tpu.memory_space<semaphore_mem>>
      %dma_start3A_35 = arith.constant 0 : i32
      %dma_start3A_36 = arith.constant 0 : i32
      %dma_start3A_37 = tpu.memref_slice %arg3[%add3A, %run_scoped3A, %dma_start3A_35, %dma_start3A_36] : memref<32x79x1x128xi32, #tpu.memory_space<hbm>> -> memref<1x1x1x128xi32, #tpu.memory_space<hbm>>
      %dma_start3A_38 = tpu.memref_squeeze %dma_start3A_37 : memref<1x1x1x128xi32, #tpu.memory_space<hbm>> -> memref<1x128xi32, #tpu.memory_space<hbm>>
      %dma_start3A_39 = arith.constant 0 : i32
      %dma_start3A_40 = arith.constant 0 : i32
      %dma_start3A_41 = tpu.memref_slice %arg3[%add3A, %run_scoped3A, %dma_start3A_39, %dma_start3A_40] : memref<32x79x1x128xi32, #tpu.memory_space<hbm>> -> memref<1x1x1x128xi32, #tpu.memory_space<hbm>>
      %dma_start3A_42 = tpu.memref_squeeze %dma_start3A_41 : memref<1x1x1x128xi32, #tpu.memory_space<hbm>> -> memref<1x128xi32, #tpu.memory_space<hbm>>
      tpu.enqueue_dma source(%dma_start3A_42 : memref<1x128xi32, #tpu.memory_space<hbm>>) target(%arg8 : memref<1x128xi32, #tpu.memory_space<vmem>>) target_semaphore(%run_scoped3A_34 : memref<!tpu.dma_semaphore, #tpu.memory_space<semaphore_mem>>)
      %dma_wait3A_43 = arith.constant 0 : i32
      %dma_wait3A_44 = arith.constant 0 : i32
      %dma_wait3A_45 = tpu.memref_slice %arg3[%add3A, %run_scoped3A, %dma_wait3A_43, %dma_wait3A_44] : memref<32x79x1x128xi32, #tpu.memory_space<hbm>> -> memref<1x1x1x128xi32, #tpu.memory_space<hbm>>
      %dma_wait3A_46 = tpu.memref_squeeze %dma_wait3A_45 : memref<1x1x1x128xi32, #tpu.memory_space<hbm>> -> memref<1x128xi32, #tpu.memory_space<hbm>>
      %dma_wait3A_47 = arith.constant 0 : i32
      %dma_wait3A_48 = arith.constant 0 : i32
      %dma_wait3A_49 = tpu.memref_slice %arg3[%add3A, %run_scoped3A, %dma_wait3A_47, %dma_wait3A_48] : memref<32x79x1x128xi32, #tpu.memory_space<hbm>> -> memref<1x1x1x128xi32, #tpu.memory_space<hbm>>
      %dma_wait3A_50 = tpu.memref_squeeze %dma_wait3A_49 : memref<1x1x1x128xi32, #tpu.memory_space<hbm>> -> memref<1x128xi32, #tpu.memory_space<hbm>>
      tpu.wait_dma2 semaphore(%run_scoped3A_34 : memref<!tpu.dma_semaphore, #tpu.memory_space<semaphore_mem>>) src(%dma_wait3A_50 : memref<1x128xi32, #tpu.memory_space<hbm>>) dst(%arg8 : memref<1x128xi32, #tpu.memory_space<vmem>>)
      tpu.yield
    }) : () -> ()
    %run_scoped3A_3 = arith.constant 1 : i32
    "tpu.region"() ({
      %run_scoped3A_34 = tpu.sem_alloc : memref<!tpu.dma_semaphore, #tpu.memory_space<semaphore_mem>>
      %dma_start3A_35 = arith.constant 0 : i32
      %dma_start3A_36 = arith.constant 0 : i32
      %dma_start3A_37 = tpu.memref_slice %arg3[%add3A, %run_scoped3A_3, %dma_start3A_35, %dma_start3A_36] : memref<32x79x1x128xi32, #tpu.memory_space<hbm>> -> memref<1x1x1x128xi32, #tpu.memory_space<hbm>>
      %dma_start3A_38 = tpu.memref_squeeze %dma_start3A_37 : memref<1x1x1x128xi32, #tpu.memory_space<hbm>> -> memref<1x128xi32, #tpu.memory_space<hbm>>
      %dma_start3A_39 = arith.constant 0 : i32
      %dma_start3A_40 = arith.constant 0 : i32
      %dma_start3A_41 = tpu.memref_slice %arg3[%add3A, %run_scoped3A_3, %dma_start3A_39, %dma_start3A_40] : memref<32x79x1x128xi32, #tpu.memory_space<hbm>> -> memref<1x1x1x128xi32, #tpu.memory_space<hbm>>
      %dma_start3A_42 = tpu.memref_squeeze %dma_start3A_41 : memref<1x1x1x128xi32, #tpu.memory_space<hbm>> -> memref<1x128xi32, #tpu.memory_space<hbm>>
      tpu.enqueue_dma source(%dma_start3A_42 : memref<1x128xi32, #tpu.memory_space<hbm>>) target(%arg9 : memref<1x128xi32, #tpu.memory_space<vmem>>) target_semaphore(%run_scoped3A_34 : memref<!tpu.dma_semaphore, #tpu.memory_space<semaphore_mem>>)
      %dma_wait3A_43 = arith.constant 0 : i32
      %dma_wait3A_44 = arith.constant 0 : i32
      %dma_wait3A_45 = tpu.memref_slice %arg3[%add3A, %run_scoped3A_3, %dma_wait3A_43, %dma_wait3A_44] : memref<32x79x1x128xi32, #tpu.memory_space<hbm>> -> memref<1x1x1x128xi32, #tpu.memory_space<hbm>>
      %dma_wait3A_46 = tpu.memref_squeeze %dma_wait3A_45 : memref<1x1x1x128xi32, #tpu.memory_space<hbm>> -> memref<1x128xi32, #tpu.memory_space<hbm>>
      %dma_wait3A_47 = arith.constant 0 : i32
      %dma_wait3A_48 = arith.constant 0 : i32
      %dma_wait3A_49 = tpu.memref_slice %arg3[%add3A, %run_scoped3A_3, %dma_wait3A_47, %dma_wait3A_48] : memref<32x79x1x128xi32, #tpu.memory_space<hbm>> -> memref<1x1x1x128xi32, #tpu.memory_space<hbm>>
      %dma_wait3A_50 = tpu.memref_squeeze %dma_wait3A_49 : memref<1x1x1x128xi32, #tpu.memory_space<hbm>> -> memref<1x128xi32, #tpu.memory_space<hbm>>
      tpu.wait_dma2 semaphore(%run_scoped3A_34 : memref<!tpu.dma_semaphore, #tpu.memory_space<semaphore_mem>>) src(%dma_wait3A_50 : memref<1x128xi32, #tpu.memory_space<hbm>>) dst(%arg9 : memref<1x128xi32, #tpu.memory_space<vmem>>)
      tpu.yield
    }) : () -> ()
    %dma_start3A = arith.constant 0 : i32
    %dma_start3A_4 = arith.constant 0 : i32
    %dma_start3A_5 = tpu.memref_slice %arg8[%dma_start3A, %dma_start3A_4] : memref<1x128xi32, #tpu.memory_space<vmem>> -> memref<1x128xi32, #tpu.memory_space<vmem>>
    %dma_start3A_6 = tpu.memref_squeeze %dma_start3A_5 : memref<1x128xi32, #tpu.memory_space<vmem>> -> memref<128xi32, #tpu.memory_space<vmem>>
    %dma_start3A_7 = arith.constant 0 : i32
    %dma_start3A_8 = arith.constant 0 : i32
    %dma_start3A_9 = tpu.memref_slice %arg2[%dma_start3A_7, %dma_start3A_8] : memref<10000x128xf32, #tpu.memory_space<hbm>> -> memref<10000x128xf32, #tpu.memory_space<hbm>>
    tpu.enqueue_indirect_dma source(%dma_start3A_9 : memref<10000x128xf32, #tpu.memory_space<hbm>>) target(%arg10 : memref<128x128xf32, #tpu.memory_space<vmem>>) offsets(%dma_start3A_6 : memref<128xi32, #tpu.memory_space<vmem>>) semaphore(%arg13 : memref<!tpu.dma_semaphore, #tpu.memory_space<semaphore_mem>>)
    %scan3A = arith.constant 0 : i32
    %scan3A_10 = arith.constant 0 : i32
    %scan3A_11 = arith.constant 39 : i32
    %scan3A_12 = arith.addi %scan3A_10, %scan3A_11 : i32
    %scan3A_13 = arith.constant 1 : i32
    scf.for %scan3A_34 = %scan3A_10 to %scan3A_12 step %scan3A_13  : i32 {
      %mul3A_35 = arith.constant 2 : i32
      %mul3A_36 = arith.muli %mul3A_35, %scan3A_34 : i32
      %add3A_37 = arith.constant 1 : i32
      %add3A_38 = arith.addi %mul3A_36, %add3A_37 : i32
      %dma_wait3A_39 = arith.constant 0 : i32
      %dma_wait3A_40 = arith.constant 0 : i32
      %dma_wait3A_41 = tpu.memref_slice %arg8[%dma_wait3A_39, %dma_wait3A_40] : memref<1x128xi32, #tpu.memory_space<vmem>> -> memref<1x128xi32, #tpu.memory_space<vmem>>
      %dma_wait3A_42 = tpu.memref_squeeze %dma_wait3A_41 : memref<1x128xi32, #tpu.memory_space<vmem>> -> memref<128xi32, #tpu.memory_space<vmem>>
      %dma_wait3A_43 = arith.constant 0 : i32
      %dma_wait3A_44 = arith.constant 0 : i32
      %dma_wait3A_45 = tpu.memref_slice %arg2[%dma_wait3A_43, %dma_wait3A_44] : memref<10000x128xf32, #tpu.memory_space<hbm>> -> memref<10000x128xf32, #tpu.memory_space<hbm>>
      tpu.wait_indirect_dma semaphore(%arg13 : memref<!tpu.dma_semaphore, #tpu.memory_space<semaphore_mem>>) src(%dma_wait3A_45 : memref<10000x128xf32, #tpu.memory_space<hbm>>) dst(%arg10 : memref<128x128xf32, #tpu.memory_space<vmem>>)
      %gt3A = arith.constant 0 : i32
      %gt3A_46 = arith.cmpi sgt, %scan3A_34, %gt3A : i32
      %convert_element_type3A = arith.extui %gt3A_46 : i1 to i32
      %cond3A = arith.constant 0 : i32
      %cond3A_47 = arith.cmpi ne, %convert_element_type3A, %cond3A : i32
      scf.if %cond3A_47 {
        %dma_wait3A_94 = arith.constant 0 : i32
        %dma_wait3A_95 = tpu.memref_slice %arg7[%mul3A_36, %dma_wait3A_94] : memref<79x128xi32, #tpu.memory_space<vmem>> -> memref<1x128xi32, #tpu.memory_space<vmem>>
        %dma_wait3A_96 = tpu.memref_squeeze %dma_wait3A_95 : memref<1x128xi32, #tpu.memory_space<vmem>> -> memref<128xi32, #tpu.memory_space<vmem>>
        %dma_wait3A_97 = arith.constant 0 : i32
        %dma_wait3A_98 = arith.constant 0 : i32
        %dma_wait3A_99 = tpu.memref_slice %arg12[%dma_wait3A_97, %dma_wait3A_98] : memref<10112x128xf32, #tpu.memory_space<vmem_shared>> -> memref<10112x128xf32, #tpu.memory_space<vmem_shared>>
        tpu.wait_indirect_dma semaphore(%arg18 : memref<!tpu.dma_semaphore, #tpu.memory_space<semaphore_mem>>) src(%arg11 : memref<128x128xf32, #tpu.memory_space<vmem>>) dst(%dma_wait3A_99 : memref<10112x128xf32, #tpu.memory_space<vmem_shared>>)
        %dma_wait3A_100 = arith.constant 0 : i32
        %dma_wait3A_101 = arith.constant 0 : i32
        %dma_wait3A_102 = tpu.memref_slice %arg3[%add3A, %add3A_38, %dma_wait3A_100, %dma_wait3A_101] : memref<32x79x1x128xi32, #tpu.memory_space<hbm>> -> memref<1x1x1x128xi32, #tpu.memory_space<hbm>>
        %dma_wait3A_103 = tpu.memref_squeeze %dma_wait3A_102 : memref<1x1x1x128xi32, #tpu.memory_space<hbm>> -> memref<1x128xi32, #tpu.memory_space<hbm>>
        %dma_wait3A_104 = arith.constant 0 : i32
        %dma_wait3A_105 = arith.constant 0 : i32
        %dma_wait3A_106 = tpu.memref_slice %arg3[%add3A, %add3A_38, %dma_wait3A_104, %dma_wait3A_105] : memref<32x79x1x128xi32, #tpu.memory_space<hbm>> -> memref<1x1x1x128xi32, #tpu.memory_space<hbm>>
        %dma_wait3A_107 = tpu.memref_squeeze %dma_wait3A_106 : memref<1x1x1x128xi32, #tpu.memory_space<hbm>> -> memref<1x128xi32, #tpu.memory_space<hbm>>
        tpu.wait_dma2 semaphore(%arg16 : memref<!tpu.dma_semaphore, #tpu.memory_space<semaphore_mem>>) src(%dma_wait3A_107 : memref<1x128xi32, #tpu.memory_space<hbm>>) dst(%arg9 : memref<1x128xi32, #tpu.memory_space<vmem>>)
      } else {
      }
      %dma_start3A_48 = arith.constant 0 : i32
      %dma_start3A_49 = arith.constant 0 : i32
      %dma_start3A_50 = tpu.memref_slice %arg9[%dma_start3A_48, %dma_start3A_49] : memref<1x128xi32, #tpu.memory_space<vmem>> -> memref<1x128xi32, #tpu.memory_space<vmem>>
      %dma_start3A_51 = tpu.memref_squeeze %dma_start3A_50 : memref<1x128xi32, #tpu.memory_space<vmem>> -> memref<128xi32, #tpu.memory_space<vmem>>
      %dma_start3A_52 = arith.constant 0 : i32
      %dma_start3A_53 = arith.constant 0 : i32
      %dma_start3A_54 = tpu.memref_slice %arg2[%dma_start3A_52, %dma_start3A_53] : memref<10000x128xf32, #tpu.memory_space<hbm>> -> memref<10000x128xf32, #tpu.memory_space<hbm>>
      tpu.enqueue_indirect_dma source(%dma_start3A_54 : memref<10000x128xf32, #tpu.memory_space<hbm>>) target(%arg11 : memref<128x128xf32, #tpu.memory_space<vmem>>) offsets(%dma_start3A_51 : memref<128xi32, #tpu.memory_space<vmem>>) semaphore(%arg14 : memref<!tpu.dma_semaphore, #tpu.memory_space<semaphore_mem>>)
      %dma_start3A_55 = arith.constant 0 : i32
      %dma_start3A_56 = tpu.memref_slice %arg7[%mul3A_36, %dma_start3A_55] : memref<79x128xi32, #tpu.memory_space<vmem>> -> memref<1x128xi32, #tpu.memory_space<vmem>>
      %dma_start3A_57 = tpu.memref_squeeze %dma_start3A_56 : memref<1x128xi32, #tpu.memory_space<vmem>> -> memref<128xi32, #tpu.memory_space<vmem>>
      %dma_start3A_58 = arith.constant 0 : i32
      %dma_start3A_59 = arith.constant 0 : i32
      %dma_start3A_60 = tpu.memref_slice %arg12[%dma_start3A_58, %dma_start3A_59] : memref<10112x128xf32, #tpu.memory_space<vmem_shared>> -> memref<10112x128xf32, #tpu.memory_space<vmem_shared>>
      tpu.enqueue_indirect_dma source(%arg10 : memref<128x128xf32, #tpu.memory_space<vmem>>) target(%dma_start3A_60 : memref<10112x128xf32, #tpu.memory_space<vmem_shared>>) offsets(%dma_start3A_57 : memref<128xi32, #tpu.memory_space<vmem>>) semaphore(%arg17 : memref<!tpu.dma_semaphore, #tpu.memory_space<semaphore_mem>>) {add = true}
      %add3A_61 = arith.constant 2 : i32
      %add3A_62 = arith.addi %mul3A_36, %add3A_61 : i32
      %lt3A = arith.constant 79 : i32
      %lt3A_63 = arith.cmpi slt, %add3A_62, %lt3A : i32
      %convert_element_type3A_64 = arith.extui %lt3A_63 : i1 to i32
      %cond3A_65 = arith.constant 0 : i32
      %cond3A_66 = arith.cmpi ne, %convert_element_type3A_64, %cond3A_65 : i32
      scf.if %cond3A_66 {
        %add3A_94 = arith.constant 2 : i32
        %add3A_95 = arith.addi %mul3A_36, %add3A_94 : i32
        %dma_start3A_96 = arith.constant 0 : i32
        %dma_start3A_97 = arith.constant 0 : i32
        %dma_start3A_98 = tpu.memref_slice %arg3[%add3A, %add3A_95, %dma_start3A_96, %dma_start3A_97] : memref<32x79x1x128xi32, #tpu.memory_space<hbm>> -> memref<1x1x1x128xi32, #tpu.memory_space<hbm>>
        %dma_start3A_99 = tpu.memref_squeeze %dma_start3A_98 : memref<1x1x1x128xi32, #tpu.memory_space<hbm>> -> memref<1x128xi32, #tpu.memory_space<hbm>>
        %dma_start3A_100 = arith.constant 0 : i32
        %dma_start3A_101 = arith.constant 0 : i32
        %dma_start3A_102 = tpu.memref_slice %arg3[%add3A, %add3A_95, %dma_start3A_100, %dma_start3A_101] : memref<32x79x1x128xi32, #tpu.memory_space<hbm>> -> memref<1x1x1x128xi32, #tpu.memory_space<hbm>>
        %dma_start3A_103 = tpu.memref_squeeze %dma_start3A_102 : memref<1x1x1x128xi32, #tpu.memory_space<hbm>> -> memref<1x128xi32, #tpu.memory_space<hbm>>
        tpu.enqueue_dma source(%dma_start3A_103 : memref<1x128xi32, #tpu.memory_space<hbm>>) target(%arg8 : memref<1x128xi32, #tpu.memory_space<vmem>>) target_semaphore(%arg15 : memref<!tpu.dma_semaphore, #tpu.memory_space<semaphore_mem>>)
      } else {
      }
      %dma_wait3A_67 = arith.constant 0 : i32
      %dma_wait3A_68 = arith.constant 0 : i32
      %dma_wait3A_69 = tpu.memref_slice %arg9[%dma_wait3A_67, %dma_wait3A_68] : memref<1x128xi32, #tpu.memory_space<vmem>> -> memref<1x128xi32, #tpu.memory_space<vmem>>
      %dma_wait3A_70 = tpu.memref_squeeze %dma_wait3A_69 : memref<1x128xi32, #tpu.memory_space<vmem>> -> memref<128xi32, #tpu.memory_space<vmem>>
      %dma_wait3A_71 = arith.constant 0 : i32
      %dma_wait3A_72 = arith.constant 0 : i32
      %dma_wait3A_73 = tpu.memref_slice %arg2[%dma_wait3A_71, %dma_wait3A_72] : memref<10000x128xf32, #tpu.memory_space<hbm>> -> memref<10000x128xf32, #tpu.memory_space<hbm>>
      tpu.wait_indirect_dma semaphore(%arg14 : memref<!tpu.dma_semaphore, #tpu.memory_space<semaphore_mem>>) src(%dma_wait3A_73 : memref<10000x128xf32, #tpu.memory_space<hbm>>) dst(%arg11 : memref<128x128xf32, #tpu.memory_space<vmem>>)
      %add3A_74 = arith.constant 3 : i32
      %add3A_75 = arith.addi %mul3A_36, %add3A_74 : i32
      %lt3A_76 = arith.constant 79 : i32
      %lt3A_77 = arith.cmpi slt, %add3A_75, %lt3A_76 : i32
      %convert_element_type3A_78 = arith.extui %lt3A_77 : i1 to i32
      %cond3A_79 = arith.constant 0 : i32
      %cond3A_80 = arith.cmpi ne, %convert_element_type3A_78, %cond3A_79 : i32
      scf.if %cond3A_80 {
        %add3A_94 = arith.constant 3 : i32
        %add3A_95 = arith.addi %mul3A_36, %add3A_94 : i32
        %dma_start3A_96 = arith.constant 0 : i32
        %dma_start3A_97 = arith.constant 0 : i32
        %dma_start3A_98 = tpu.memref_slice %arg3[%add3A, %add3A_95, %dma_start3A_96, %dma_start3A_97] : memref<32x79x1x128xi32, #tpu.memory_space<hbm>> -> memref<1x1x1x128xi32, #tpu.memory_space<hbm>>
        %dma_start3A_99 = tpu.memref_squeeze %dma_start3A_98 : memref<1x1x1x128xi32, #tpu.memory_space<hbm>> -> memref<1x128xi32, #tpu.memory_space<hbm>>
        %dma_start3A_100 = arith.constant 0 : i32
        %dma_start3A_101 = arith.constant 0 : i32
        %dma_start3A_102 = tpu.memref_slice %arg3[%add3A, %add3A_95, %dma_start3A_100, %dma_start3A_101] : memref<32x79x1x128xi32, #tpu.memory_space<hbm>> -> memref<1x1x1x128xi32, #tpu.memory_space<hbm>>
        %dma_start3A_103 = tpu.memref_squeeze %dma_start3A_102 : memref<1x1x1x128xi32, #tpu.memory_space<hbm>> -> memref<1x128xi32, #tpu.memory_space<hbm>>
        tpu.enqueue_dma source(%dma_start3A_103 : memref<1x128xi32, #tpu.memory_space<hbm>>) target(%arg9 : memref<1x128xi32, #tpu.memory_space<vmem>>) target_semaphore(%arg16 : memref<!tpu.dma_semaphore, #tpu.memory_space<semaphore_mem>>)
      } else {
      }
      %dma_start3A_81 = arith.constant 0 : i32
      %dma_start3A_82 = tpu.memref_slice %arg7[%add3A_38, %dma_start3A_81] : memref<79x128xi32, #tpu.memory_space<vmem>> -> memref<1x128xi32, #tpu.memory_space<vmem>>
      %dma_start3A_83 = tpu.memref_squeeze %dma_start3A_82 : memref<1x128xi32, #tpu.memory_space<vmem>> -> memref<128xi32, #tpu.memory_space<vmem>>
      %dma_start3A_84 = arith.constant 0 : i32
      %dma_start3A_85 = arith.constant 0 : i32
      %dma_start3A_86 = tpu.memref_slice %arg12[%dma_start3A_84, %dma_start3A_85] : memref<10112x128xf32, #tpu.memory_space<vmem_shared>> -> memref<10112x128xf32, #tpu.memory_space<vmem_shared>>
      tpu.enqueue_indirect_dma source(%arg11 : memref<128x128xf32, #tpu.memory_space<vmem>>) target(%dma_start3A_86 : memref<10112x128xf32, #tpu.memory_space<vmem_shared>>) offsets(%dma_start3A_83 : memref<128xi32, #tpu.memory_space<vmem>>) semaphore(%arg18 : memref<!tpu.dma_semaphore, #tpu.memory_space<semaphore_mem>>) {add = true}
      %add3A_87 = arith.constant 2 : i32
      %add3A_88 = arith.addi %mul3A_36, %add3A_87 : i32
      %lt3A_89 = arith.constant 79 : i32
      %lt3A_90 = arith.cmpi slt, %add3A_88, %lt3A_89 : i32
      %convert_element_type3A_91 = arith.extui %lt3A_90 : i1 to i32
      %cond3A_92 = arith.constant 0 : i32
      %cond3A_93 = arith.cmpi ne, %convert_element_type3A_91, %cond3A_92 : i32
      scf.if %cond3A_93 {
        %dma_wait3A_94 = arith.constant 0 : i32
        %dma_wait3A_95 = tpu.memref_slice %arg7[%mul3A_36, %dma_wait3A_94] : memref<79x128xi32, #tpu.memory_space<vmem>> -> memref<1x128xi32, #tpu.memory_space<vmem>>
        %dma_wait3A_96 = tpu.memref_squeeze %dma_wait3A_95 : memref<1x128xi32, #tpu.memory_space<vmem>> -> memref<128xi32, #tpu.memory_space<vmem>>
        %dma_wait3A_97 = arith.constant 0 : i32
        %dma_wait3A_98 = arith.constant 0 : i32
        %dma_wait3A_99 = tpu.memref_slice %arg12[%dma_wait3A_97, %dma_wait3A_98] : memref<10112x128xf32, #tpu.memory_space<vmem_shared>> -> memref<10112x128xf32, #tpu.memory_space<vmem_shared>>
        tpu.wait_indirect_dma semaphore(%arg17 : memref<!tpu.dma_semaphore, #tpu.memory_space<semaphore_mem>>) src(%arg10 : memref<128x128xf32, #tpu.memory_space<vmem>>) dst(%dma_wait3A_99 : memref<10112x128xf32, #tpu.memory_space<vmem_shared>>)
        %add3A_100 = arith.constant 2 : i32
        %add3A_101 = arith.addi %mul3A_36, %add3A_100 : i32
        %dma_wait3A_102 = arith.constant 0 : i32
        %dma_wait3A_103 = arith.constant 0 : i32
        %dma_wait3A_104 = tpu.memref_slice %arg3[%add3A, %add3A_101, %dma_wait3A_102, %dma_wait3A_103] : memref<32x79x1x128xi32, #tpu.memory_space<hbm>> -> memref<1x1x1x128xi32, #tpu.memory_space<hbm>>
        %dma_wait3A_105 = tpu.memref_squeeze %dma_wait3A_104 : memref<1x1x1x128xi32, #tpu.memory_space<hbm>> -> memref<1x128xi32, #tpu.memory_space<hbm>>
        %dma_wait3A_106 = arith.constant 0 : i32
        %dma_wait3A_107 = arith.constant 0 : i32
        %dma_wait3A_108 = tpu.memref_slice %arg3[%add3A, %add3A_101, %dma_wait3A_106, %dma_wait3A_107] : memref<32x79x1x128xi32, #tpu.memory_space<hbm>> -> memref<1x1x1x128xi32, #tpu.memory_space<hbm>>
        %dma_wait3A_109 = tpu.memref_squeeze %dma_wait3A_108 : memref<1x1x1x128xi32, #tpu.memory_space<hbm>> -> memref<1x128xi32, #tpu.memory_space<hbm>>
        tpu.wait_dma2 semaphore(%arg15 : memref<!tpu.dma_semaphore, #tpu.memory_space<semaphore_mem>>) src(%dma_wait3A_109 : memref<1x128xi32, #tpu.memory_space<hbm>>) dst(%arg8 : memref<1x128xi32, #tpu.memory_space<vmem>>)
        %dma_start3A_110 = arith.constant 0 : i32
        %dma_start3A_111 = arith.constant 0 : i32
        %dma_start3A_112 = tpu.memref_slice %arg8[%dma_start3A_110, %dma_start3A_111] : memref<1x128xi32, #tpu.memory_space<vmem>> -> memref<1x128xi32, #tpu.memory_space<vmem>>
        %dma_start3A_113 = tpu.memref_squeeze %dma_start3A_112 : memref<1x128xi32, #tpu.memory_space<vmem>> -> memref<128xi32, #tpu.memory_space<vmem>>
        %dma_start3A_114 = arith.constant 0 : i32
        %dma_start3A_115 = arith.constant 0 : i32
        %dma_start3A_116 = tpu.memref_slice %arg2[%dma_start3A_114, %dma_start3A_115] : memref<10000x128xf32, #tpu.memory_space<hbm>> -> memref<10000x128xf32, #tpu.memory_space<hbm>>
        tpu.enqueue_indirect_dma source(%dma_start3A_116 : memref<10000x128xf32, #tpu.memory_space<hbm>>) target(%arg10 : memref<128x128xf32, #tpu.memory_space<vmem>>) offsets(%dma_start3A_113 : memref<128xi32, #tpu.memory_space<vmem>>) semaphore(%arg13 : memref<!tpu.dma_semaphore, #tpu.memory_space<semaphore_mem>>)
      } else {
      }
    }
    %scan3A_14 = arith.constant 39 : i32
    %dma_wait3A = arith.constant 0 : i32
    %dma_wait3A_15 = arith.constant 0 : i32
    %dma_wait3A_16 = tpu.memref_slice %arg8[%dma_wait3A, %dma_wait3A_15] : memref<1x128xi32, #tpu.memory_space<vmem>> -> memref<1x128xi32, #tpu.memory_space<vmem>>
    %dma_wait3A_17 = tpu.memref_squeeze %dma_wait3A_16 : memref<1x128xi32, #tpu.memory_space<vmem>> -> memref<128xi32, #tpu.memory_space<vmem>>
    %dma_wait3A_18 = arith.constant 0 : i32
    %dma_wait3A_19 = arith.constant 0 : i32
    %dma_wait3A_20 = tpu.memref_slice %arg2[%dma_wait3A_18, %dma_wait3A_19] : memref<10000x128xf32, #tpu.memory_space<hbm>> -> memref<10000x128xf32, #tpu.memory_space<hbm>>
    tpu.wait_indirect_dma semaphore(%arg13 : memref<!tpu.dma_semaphore, #tpu.memory_space<semaphore_mem>>) src(%dma_wait3A_20 : memref<10000x128xf32, #tpu.memory_space<hbm>>) dst(%arg10 : memref<128x128xf32, #tpu.memory_space<vmem>>)
    %run_scoped3A_21 = arith.constant 78 : i32
    "tpu.region"() ({
      %run_scoped3A_34 = tpu.sem_alloc : memref<!tpu.dma_semaphore, #tpu.memory_space<semaphore_mem>>
      %dma_start3A_35 = arith.constant 0 : i32
      %dma_start3A_36 = tpu.memref_slice %arg7[%run_scoped3A_21, %dma_start3A_35] : memref<79x128xi32, #tpu.memory_space<vmem>> -> memref<1x128xi32, #tpu.memory_space<vmem>>
      %dma_start3A_37 = tpu.memref_squeeze %dma_start3A_36 : memref<1x128xi32, #tpu.memory_space<vmem>> -> memref<128xi32, #tpu.memory_space<vmem>>
      %dma_start3A_38 = arith.constant 0 : i32
      %dma_start3A_39 = arith.constant 0 : i32
      %dma_start3A_40 = tpu.memref_slice %arg12[%dma_start3A_38, %dma_start3A_39] : memref<10112x128xf32, #tpu.memory_space<vmem_shared>> -> memref<10112x128xf32, #tpu.memory_space<vmem_shared>>
      tpu.enqueue_indirect_dma source(%arg10 : memref<128x128xf32, #tpu.memory_space<vmem>>) target(%dma_start3A_40 : memref<10112x128xf32, #tpu.memory_space<vmem_shared>>) offsets(%dma_start3A_37 : memref<128xi32, #tpu.memory_space<vmem>>) semaphore(%run_scoped3A_34 : memref<!tpu.dma_semaphore, #tpu.memory_space<semaphore_mem>>) {add = true}
      %dma_wait3A_41 = arith.constant 0 : i32
      %dma_wait3A_42 = tpu.memref_slice %arg7[%run_scoped3A_21, %dma_wait3A_41] : memref<79x128xi32, #tpu.memory_space<vmem>> -> memref<1x128xi32, #tpu.memory_space<vmem>>
      %dma_wait3A_43 = tpu.memref_squeeze %dma_wait3A_42 : memref<1x128xi32, #tpu.memory_space<vmem>> -> memref<128xi32, #tpu.memory_space<vmem>>
      %dma_wait3A_44 = arith.constant 0 : i32
      %dma_wait3A_45 = arith.constant 0 : i32
      %dma_wait3A_46 = tpu.memref_slice %arg12[%dma_wait3A_44, %dma_wait3A_45] : memref<10112x128xf32, #tpu.memory_space<vmem_shared>> -> memref<10112x128xf32, #tpu.memory_space<vmem_shared>>
      tpu.wait_indirect_dma semaphore(%run_scoped3A_34 : memref<!tpu.dma_semaphore, #tpu.memory_space<semaphore_mem>>) src(%arg10 : memref<128x128xf32, #tpu.memory_space<vmem>>) dst(%dma_wait3A_46 : memref<10112x128xf32, #tpu.memory_space<vmem_shared>>)
      tpu.yield
    }) : () -> ()
    %dma_wait3A_22 = arith.constant 77 : i32
    %dma_wait3A_23 = arith.constant 0 : i32
    %dma_wait3A_24 = tpu.memref_slice %arg7[%dma_wait3A_22, %dma_wait3A_23] : memref<79x128xi32, #tpu.memory_space<vmem>> -> memref<1x128xi32, #tpu.memory_space<vmem>>
    %dma_wait3A_25 = tpu.memref_squeeze %dma_wait3A_24 : memref<1x128xi32, #tpu.memory_space<vmem>> -> memref<128xi32, #tpu.memory_space<vmem>>
    %dma_wait3A_26 = arith.constant 0 : i32
    %dma_wait3A_27 = arith.constant 0 : i32
    %dma_wait3A_28 = tpu.memref_slice %arg12[%dma_wait3A_26, %dma_wait3A_27] : memref<10112x128xf32, #tpu.memory_space<vmem_shared>> -> memref<10112x128xf32, #tpu.memory_space<vmem_shared>>
    tpu.wait_indirect_dma semaphore(%arg18 : memref<!tpu.dma_semaphore, #tpu.memory_space<semaphore_mem>>) src(%arg11 : memref<128x128xf32, #tpu.memory_space<vmem>>) dst(%dma_wait3A_28 : memref<10112x128xf32, #tpu.memory_space<vmem_shared>>)
    %barrier3A_29 = arith.constant 0 : index
    tpu.barrier barrier_id(%barrier3A_29)
    %mul3A_30 = arith.constant 632 : i32
    %mul3A_31 = arith.muli %arg1, %mul3A_30 : i32
    %mul3A_32 = arith.constant 632 : i32
    %mul3A_33 = arith.muli %arg1, %mul3A_32 : i32
    "tpu.region"() ({
      %run_scoped3A_34 = tpu.sem_alloc : memref<!tpu.dma_semaphore, #tpu.memory_space<semaphore_mem>>
      %dma_start3A_35 = arith.constant 0 : i32
      %dma_start3A_36 = tpu.memref_slice %arg6[%arg0, %mul3A_33, %dma_start3A_35] : memref<2x10112x128xf32, #tpu.memory_space<hbm>> -> memref<1x632x128xf32, #tpu.memory_space<hbm>>
      %dma_start3A_37 = tpu.memref_squeeze %dma_start3A_36 : memref<1x632x128xf32, #tpu.memory_space<hbm>> -> memref<632x128xf32, #tpu.memory_space<hbm>>
      %dma_start3A_38 = arith.constant 0 : i32
      %dma_start3A_39 = tpu.memref_slice %arg12[%mul3A_31, %dma_start3A_38] : memref<10112x128xf32, #tpu.memory_space<vmem_shared>> -> memref<632x128xf32, #tpu.memory_space<vmem_shared>>
      tpu.enqueue_dma source(%dma_start3A_39 : memref<632x128xf32, #tpu.memory_space<vmem_shared>>) target(%dma_start3A_37 : memref<632x128xf32, #tpu.memory_space<hbm>>) target_semaphore(%run_scoped3A_34 : memref<!tpu.dma_semaphore, #tpu.memory_space<semaphore_mem>>)
      %dma_wait3A_40 = arith.constant 0 : i32
      %dma_wait3A_41 = tpu.memref_slice %arg6[%arg0, %mul3A_33, %dma_wait3A_40] : memref<2x10112x128xf32, #tpu.memory_space<hbm>> -> memref<1x632x128xf32, #tpu.memory_space<hbm>>
      %dma_wait3A_42 = tpu.memref_squeeze %dma_wait3A_41 : memref<1x632x128xf32, #tpu.memory_space<hbm>> -> memref<632x128xf32, #tpu.memory_space<hbm>>
      %dma_wait3A_43 = arith.constant 0 : i32
      %dma_wait3A_44 = tpu.memref_slice %arg12[%mul3A_31, %dma_wait3A_43] : memref<10112x128xf32, #tpu.memory_space<vmem_shared>> -> memref<632x128xf32, #tpu.memory_space<vmem_shared>>
      tpu.wait_dma2 semaphore(%run_scoped3A_34 : memref<!tpu.dma_semaphore, #tpu.memory_space<semaphore_mem>>) src(%dma_wait3A_44 : memref<632x128xf32, #tpu.memory_space<vmem_shared>>) dst(%dma_wait3A_42 : memref<632x128xf32, #tpu.memory_space<hbm>>)
      tpu.yield
    }) : () -> ()
    return
  }
}

#map = affine_map<(d0, d1) -> (0, 0)>
#map1 = affine_map<(d0, d1) -> (0, 0, 0, 0)>
#map2 = affine_map<(d0, d1) -> (0, 0, 0)>
module attributes {stable_mosaic.version = 14 : i64} {
  func.func @body(%arg0: i32, %arg1: i32, %arg2: memref<10000x128xf32, #tpu.memory_space<hbm>>, %arg3: memref<32x79x1x128xi32, #tpu.memory_space<hbm>>, %arg4: memref<32x79x128xi32, #tpu.memory_space<hbm>>, %arg5: memref<632x128xf32, #tpu.memory_space<hbm>>, %arg6: memref<2x10112x128xf32, #tpu.memory_space<hbm>>, %arg7: memref<79x128xi32, #tpu.memory_space<vmem>>, %arg8: memref<1x128xi32, #tpu.memory_space<vmem>>, %arg9: memref<1x128xi32, #tpu.memory_space<vmem>>, %arg10: memref<128x128xf32, #tpu.memory_space<vmem>>, %arg11: memref<128x128xf32, #tpu.memory_space<vmem>>, %arg12: memref<10112x128xf32, #tpu.memory_space<vmem_shared>>, %arg13: memref<!tpu.dma_semaphore, #tpu.memory_space<semaphore_mem>>, %arg14: memref<!tpu.dma_semaphore, #tpu.memory_space<semaphore_mem>>, %arg15: memref<!tpu.dma_semaphore, #tpu.memory_space<semaphore_mem>>, %arg16: memref<!tpu.dma_semaphore, #tpu.memory_space<semaphore_mem>>, %arg17: memref<!tpu.dma_semaphore, #tpu.memory_space<semaphore_mem>>, %arg18: memref<!tpu.dma_semaphore, #tpu.memory_space<semaphore_mem>>) attributes {dimension_semantics = [#tpu.dimension_semantics<core_parallel>, #tpu.dimension_semantics<subcore_parallel>], iteration_bounds = array<i64: 2, 16>, scalar_prefetch = 0 : i64, scratch_operands = 12 : i64, tpu.core_type = #tpu.core_type<sc_vector_subcore>, window_params = [{transform_indices = #map}, {transform_indices = #map1}, {transform_indices = #map2}, {transform_indices = #map}, {transform_indices = #map2}]} {
    %mul3A = arith.constant 2 : i32
    %mul3A_0 = arith.muli %arg1, %mul3A : i32
    %add3A = arith.addi %mul3A_0, %arg0 : i32
    "tpu.region"() ({
      %run_scoped3A_34 = tpu.sem_alloc : memref<!tpu.dma_semaphore, #tpu.memory_space<semaphore_mem>>
      %dma_start3A_35 = arith.constant 0 : i32
      %dma_start3A_36 = arith.constant 0 : i32
      %dma_start3A_37 = tpu.memref_slice %arg4[%add3A, %dma_start3A_35, %dma_start3A_36] : memref<32x79x128xi32, #tpu.memory_space<hbm>> -> memref<1x79x128xi32, #tpu.memory_space<hbm>>
      %dma_start3A_38 = tpu.memref_squeeze %dma_start3A_37 : memref<1x79x128xi32, #tpu.memory_space<hbm>> -> memref<79x128xi32, #tpu.memory_space<hbm>>
      %dma_start3A_39 = arith.constant 0 : i32
      %dma_start3A_40 = arith.constant 0 : i32
      %dma_start3A_41 = tpu.memref_slice %arg4[%add3A, %dma_start3A_39, %dma_start3A_40] : memref<32x79x128xi32, #tpu.memory_space<hbm>> -> memref<1x79x128xi32, #tpu.memory_space<hbm>>
      %dma_start3A_42 = tpu.memref_squeeze %dma_start3A_41 : memref<1x79x128xi32, #tpu.memory_space<hbm>> -> memref<79x128xi32, #tpu.memory_space<hbm>>
      tpu.enqueue_dma source(%dma_start3A_42 : memref<79x128xi32, #tpu.memory_space<hbm>>) target(%arg7 : memref<79x128xi32, #tpu.memory_space<vmem>>) target_semaphore(%run_scoped3A_34 : memref<!tpu.dma_semaphore, #tpu.memory_space<semaphore_mem>>)
      %dma_wait3A_43 = arith.constant 0 : i32
      %dma_wait3A_44 = arith.constant 0 : i32
      %dma_wait3A_45 = tpu.memref_slice %arg4[%add3A, %dma_wait3A_43, %dma_wait3A_44] : memref<32x79x128xi32, #tpu.memory_space<hbm>> -> memref<1x79x128xi32, #tpu.memory_space<hbm>>
      %dma_wait3A_46 = tpu.memref_squeeze %dma_wait3A_45 : memref<1x79x128xi32, #tpu.memory_space<hbm>> -> memref<79x128xi32, #tpu.memory_space<hbm>>
      %dma_wait3A_47 = arith.constant 0 : i32
      %dma_wait3A_48 = arith.constant 0 : i32
      %dma_wait3A_49 = tpu.memref_slice %arg4[%add3A, %dma_wait3A_47, %dma_wait3A_48] : memref<32x79x128xi32, #tpu.memory_space<hbm>> -> memref<1x79x128xi32, #tpu.memory_space<hbm>>
      %dma_wait3A_50 = tpu.memref_squeeze %dma_wait3A_49 : memref<1x79x128xi32, #tpu.memory_space<hbm>> -> memref<79x128xi32, #tpu.memory_space<hbm>>
      tpu.wait_dma2 semaphore(%run_scoped3A_34 : memref<!tpu.dma_semaphore, #tpu.memory_space<semaphore_mem>>) src(%dma_wait3A_50 : memref<79x128xi32, #tpu.memory_space<hbm>>) dst(%arg7 : memref<79x128xi32, #tpu.memory_space<vmem>>)
      tpu.yield
    }) : () -> ()
    %mul3A_1 = arith.constant 632 : i32
    %mul3A_2 = arith.muli %arg1, %mul3A_1 : i32
    "tpu.region"() ({
      %run_scoped3A_34 = tpu.sem_alloc : memref<!tpu.dma_semaphore, #tpu.memory_space<semaphore_mem>>
      %dma_start3A_35 = arith.constant 0 : i32
      %dma_start3A_36 = tpu.memref_slice %arg12[%mul3A_2, %dma_start3A_35] : memref<10112x128xf32, #tpu.memory_space<vmem_shared>> -> memref<632x128xf32, #tpu.memory_space<vmem_shared>>
      tpu.enqueue_dma source(%arg5 : memref<632x128xf32, #tpu.memory_space<hbm>>) target(%dma_start3A_36 : memref<632x128xf32, #tpu.memory_space<vmem_shared>>) target_semaphore(%run_scoped3A_34 : memref<!tpu.dma_semaphore, #tpu.memory_space<semaphore_mem>>)
      %dma_wait3A_37 = arith.constant 0 : i32
      %dma_wait3A_38 = tpu.memref_slice %arg12[%mul3A_2, %dma_wait3A_37] : memref<10112x128xf32, #tpu.memory_space<vmem_shared>> -> memref<632x128xf32, #tpu.memory_space<vmem_shared>>
      tpu.wait_dma2 semaphore(%run_scoped3A_34 : memref<!tpu.dma_semaphore, #tpu.memory_space<semaphore_mem>>) src(%arg5 : memref<632x128xf32, #tpu.memory_space<hbm>>) dst(%dma_wait3A_38 : memref<632x128xf32, #tpu.memory_space<vmem_shared>>)
      tpu.yield
    }) : () -> ()
    %barrier3A = arith.constant 0 : index
    tpu.barrier barrier_id(%barrier3A)
    %run_scoped3A = arith.constant 0 : i32
    "tpu.region"() ({
      %run_scoped3A_34 = tpu.sem_alloc : memref<!tpu.dma_semaphore, #tpu.memory_space<semaphore_mem>>
      %dma_start3A_35 = arith.constant 0 : i32
      %dma_start3A_36 = arith.constant 0 : i32
      %dma_start3A_37 = tpu.memref_slice %arg3[%add3A, %run_scoped3A, %dma_start3A_35, %dma_start3A_36] : memref<32x79x1x128xi32, #tpu.memory_space<hbm>> -> memref<1x1x1x128xi32, #tpu.memory_space<hbm>>
      %dma_start3A_38 = tpu.memref_squeeze %dma_start3A_37 : memref<1x1x1x128xi32, #tpu.memory_space<hbm>> -> memref<1x128xi32, #tpu.memory_space<hbm>>
      %dma_start3A_39 = arith.constant 0 : i32
      %dma_start3A_40 = arith.constant 0 : i32
      %dma_start3A_41 = tpu.memref_slice %arg3[%add3A, %run_scoped3A, %dma_start3A_39, %dma_start3A_40] : memref<32x79x1x128xi32, #tpu.memory_space<hbm>> -> memref<1x1x1x128xi32, #tpu.memory_space<hbm>>
      %dma_start3A_42 = tpu.memref_squeeze %dma_start3A_41 : memref<1x1x1x128xi32, #tpu.memory_space<hbm>> -> memref<1x128xi32, #tpu.memory_space<hbm>>
      tpu.enqueue_dma source(%dma_start3A_42 : memref<1x128xi32, #tpu.memory_space<hbm>>) target(%arg8 : memref<1x128xi32, #tpu.memory_space<vmem>>) target_semaphore(%run_scoped3A_34 : memref<!tpu.dma_semaphore, #tpu.memory_space<semaphore_mem>>)
      %dma_wait3A_43 = arith.constant 0 : i32
      %dma_wait3A_44 = arith.constant 0 : i32
      %dma_wait3A_45 = tpu.memref_slice %arg3[%add3A, %run_scoped3A, %dma_wait3A_43, %dma_wait3A_44] : memref<32x79x1x128xi32, #tpu.memory_space<hbm>> -> memref<1x1x1x128xi32, #tpu.memory_space<hbm>>
      %dma_wait3A_46 = tpu.memref_squeeze %dma_wait3A_45 : memref<1x1x1x128xi32, #tpu.memory_space<hbm>> -> memref<1x128xi32, #tpu.memory_space<hbm>>
      %dma_wait3A_47 = arith.constant 0 : i32
      %dma_wait3A_48 = arith.constant 0 : i32
      %dma_wait3A_49 = tpu.memref_slice %arg3[%add3A, %run_scoped3A, %dma_wait3A_47, %dma_wait3A_48] : memref<32x79x1x128xi32, #tpu.memory_space<hbm>> -> memref<1x1x1x128xi32, #tpu.memory_space<hbm>>
      %dma_wait3A_50 = tpu.memref_squeeze %dma_wait3A_49 : memref<1x1x1x128xi32, #tpu.memory_space<hbm>> -> memref<1x128xi32, #tpu.memory_space<hbm>>
      tpu.wait_dma2 semaphore(%run_scoped3A_34 : memref<!tpu.dma_semaphore, #tpu.memory_space<semaphore_mem>>) src(%dma_wait3A_50 : memref<1x128xi32, #tpu.memory_space<hbm>>) dst(%arg8 : memref<1x128xi32, #tpu.memory_space<vmem>>)
      tpu.yield
    }) : () -> ()
    %run_scoped3A_3 = arith.constant 1 : i32
    "tpu.region"() ({
      %run_scoped3A_34 = tpu.sem_alloc : memref<!tpu.dma_semaphore, #tpu.memory_space<semaphore_mem>>
      %dma_start3A_35 = arith.constant 0 : i32
      %dma_start3A_36 = arith.constant 0 : i32
      %dma_start3A_37 = tpu.memref_slice %arg3[%add3A, %run_scoped3A_3, %dma_start3A_35, %dma_start3A_36] : memref<32x79x1x128xi32, #tpu.memory_space<hbm>> -> memref<1x1x1x128xi32, #tpu.memory_space<hbm>>
      %dma_start3A_38 = tpu.memref_squeeze %dma_start3A_37 : memref<1x1x1x128xi32, #tpu.memory_space<hbm>> -> memref<1x128xi32, #tpu.memory_space<hbm>>
      %dma_start3A_39 = arith.constant 0 : i32
      %dma_start3A_40 = arith.constant 0 : i32
      %dma_start3A_41 = tpu.memref_slice %arg3[%add3A, %run_scoped3A_3, %dma_start3A_39, %dma_start3A_40] : memref<32x79x1x128xi32, #tpu.memory_space<hbm>> -> memref<1x1x1x128xi32, #tpu.memory_space<hbm>>
      %dma_start3A_42 = tpu.memref_squeeze %dma_start3A_41 : memref<1x1x1x128xi32, #tpu.memory_space<hbm>> -> memref<1x128xi32, #tpu.memory_space<hbm>>
      tpu.enqueue_dma source(%dma_start3A_42 : memref<1x128xi32, #tpu.memory_space<hbm>>) target(%arg9 : memref<1x128xi32, #tpu.memory_space<vmem>>) target_semaphore(%run_scoped3A_34 : memref<!tpu.dma_semaphore, #tpu.memory_space<semaphore_mem>>)
      %dma_wait3A_43 = arith.constant 0 : i32
      %dma_wait3A_44 = arith.constant 0 : i32
      %dma_wait3A_45 = tpu.memref_slice %arg3[%add3A, %run_scoped3A_3, %dma_wait3A_43, %dma_wait3A_44] : memref<32x79x1x128xi32, #tpu.memory_space<hbm>> -> memref<1x1x1x128xi32, #tpu.memory_space<hbm>>
      %dma_wait3A_46 = tpu.memref_squeeze %dma_wait3A_45 : memref<1x1x1x128xi32, #tpu.memory_space<hbm>> -> memref<1x128xi32, #tpu.memory_space<hbm>>
      %dma_wait3A_47 = arith.constant 0 : i32
      %dma_wait3A_48 = arith.constant 0 : i32
      %dma_wait3A_49 = tpu.memref_slice %arg3[%add3A, %run_scoped3A_3, %dma_wait3A_47, %dma_wait3A_48] : memref<32x79x1x128xi32, #tpu.memory_space<hbm>> -> memref<1x1x1x128xi32, #tpu.memory_space<hbm>>
      %dma_wait3A_50 = tpu.memref_squeeze %dma_wait3A_49 : memref<1x1x1x128xi32, #tpu.memory_space<hbm>> -> memref<1x128xi32, #tpu.memory_space<hbm>>
      tpu.wait_dma2 semaphore(%run_scoped3A_34 : memref<!tpu.dma_semaphore, #tpu.memory_space<semaphore_mem>>) src(%dma_wait3A_50 : memref<1x128xi32, #tpu.memory_space<hbm>>) dst(%arg9 : memref<1x128xi32, #tpu.memory_space<vmem>>)
      tpu.yield
    }) : () -> ()
    %dma_start3A = arith.constant 0 : i32
    %dma_start3A_4 = arith.constant 0 : i32
    %dma_start3A_5 = tpu.memref_slice %arg8[%dma_start3A, %dma_start3A_4] : memref<1x128xi32, #tpu.memory_space<vmem>> -> memref<1x128xi32, #tpu.memory_space<vmem>>
    %dma_start3A_6 = tpu.memref_squeeze %dma_start3A_5 : memref<1x128xi32, #tpu.memory_space<vmem>> -> memref<128xi32, #tpu.memory_space<vmem>>
    %dma_start3A_7 = arith.constant 0 : i32
    %dma_start3A_8 = arith.constant 0 : i32
    %dma_start3A_9 = tpu.memref_slice %arg2[%dma_start3A_7, %dma_start3A_8] : memref<10000x128xf32, #tpu.memory_space<hbm>> -> memref<10000x128xf32, #tpu.memory_space<hbm>>
    tpu.enqueue_indirect_dma source(%dma_start3A_9 : memref<10000x128xf32, #tpu.memory_space<hbm>>) target(%arg10 : memref<128x128xf32, #tpu.memory_space<vmem>>) offsets(%dma_start3A_6 : memref<128xi32, #tpu.memory_space<vmem>>) semaphore(%arg13 : memref<!tpu.dma_semaphore, #tpu.memory_space<semaphore_mem>>)
    %scan3A = arith.constant 0 : i32
    %scan3A_10 = arith.constant 0 : i32
    %scan3A_11 = arith.constant 39 : i32
    %scan3A_12 = arith.addi %scan3A_10, %scan3A_11 : i32
    %scan3A_13 = arith.constant 1 : i32
    scf.for %scan3A_34 = %scan3A_10 to %scan3A_12 step %scan3A_13  : i32 {
      %mul3A_35 = arith.constant 2 : i32
      %mul3A_36 = arith.muli %mul3A_35, %scan3A_34 : i32
      %add3A_37 = arith.constant 1 : i32
      %add3A_38 = arith.addi %mul3A_36, %add3A_37 : i32
      %dma_wait3A_39 = arith.constant 0 : i32
      %dma_wait3A_40 = arith.constant 0 : i32
      %dma_wait3A_41 = tpu.memref_slice %arg8[%dma_wait3A_39, %dma_wait3A_40] : memref<1x128xi32, #tpu.memory_space<vmem>> -> memref<1x128xi32, #tpu.memory_space<vmem>>
      %dma_wait3A_42 = tpu.memref_squeeze %dma_wait3A_41 : memref<1x128xi32, #tpu.memory_space<vmem>> -> memref<128xi32, #tpu.memory_space<vmem>>
      %dma_wait3A_43 = arith.constant 0 : i32
      %dma_wait3A_44 = arith.constant 0 : i32
      %dma_wait3A_45 = tpu.memref_slice %arg2[%dma_wait3A_43, %dma_wait3A_44] : memref<10000x128xf32, #tpu.memory_space<hbm>> -> memref<10000x128xf32, #tpu.memory_space<hbm>>
      tpu.wait_indirect_dma semaphore(%arg13 : memref<!tpu.dma_semaphore, #tpu.memory_space<semaphore_mem>>) src(%dma_wait3A_45 : memref<10000x128xf32, #tpu.memory_space<hbm>>) dst(%arg10 : memref<128x128xf32, #tpu.memory_space<vmem>>)
      %gt3A = arith.constant 0 : i32
      %gt3A_46 = arith.cmpi sgt, %scan3A_34, %gt3A : i32
      %convert_element_type3A = arith.extui %gt3A_46 : i1 to i32
      %cond3A = arith.constant 0 : i32
      %cond3A_47 = arith.cmpi ne, %convert_element_type3A, %cond3A : i32
      scf.if %cond3A_47 {
        %dma_wait3A_94 = arith.constant 0 : i32
        %dma_wait3A_95 = tpu.memref_slice %arg7[%mul3A_36, %dma_wait3A_94] : memref<79x128xi32, #tpu.memory_space<vmem>> -> memref<1x128xi32, #tpu.memory_space<vmem>>
        %dma_wait3A_96 = tpu.memref_squeeze %dma_wait3A_95 : memref<1x128xi32, #tpu.memory_space<vmem>> -> memref<128xi32, #tpu.memory_space<vmem>>
        %dma_wait3A_97 = arith.constant 0 : i32
        %dma_wait3A_98 = arith.constant 0 : i32
        %dma_wait3A_99 = tpu.memref_slice %arg12[%dma_wait3A_97, %dma_wait3A_98] : memref<10112x128xf32, #tpu.memory_space<vmem_shared>> -> memref<10112x128xf32, #tpu.memory_space<vmem_shared>>
        tpu.wait_indirect_dma semaphore(%arg18 : memref<!tpu.dma_semaphore, #tpu.memory_space<semaphore_mem>>) src(%arg11 : memref<128x128xf32, #tpu.memory_space<vmem>>) dst(%dma_wait3A_99 : memref<10112x128xf32, #tpu.memory_space<vmem_shared>>)
        %dma_wait3A_100 = arith.constant 0 : i32
        %dma_wait3A_101 = arith.constant 0 : i32
        %dma_wait3A_102 = tpu.memref_slice %arg3[%add3A, %add3A_38, %dma_wait3A_100, %dma_wait3A_101] : memref<32x79x1x128xi32, #tpu.memory_space<hbm>> -> memref<1x1x1x128xi32, #tpu.memory_space<hbm>>
        %dma_wait3A_103 = tpu.memref_squeeze %dma_wait3A_102 : memref<1x1x1x128xi32, #tpu.memory_space<hbm>> -> memref<1x128xi32, #tpu.memory_space<hbm>>
        %dma_wait3A_104 = arith.constant 0 : i32
        %dma_wait3A_105 = arith.constant 0 : i32
        %dma_wait3A_106 = tpu.memref_slice %arg3[%add3A, %add3A_38, %dma_wait3A_104, %dma_wait3A_105] : memref<32x79x1x128xi32, #tpu.memory_space<hbm>> -> memref<1x1x1x128xi32, #tpu.memory_space<hbm>>
        %dma_wait3A_107 = tpu.memref_squeeze %dma_wait3A_106 : memref<1x1x1x128xi32, #tpu.memory_space<hbm>> -> memref<1x128xi32, #tpu.memory_space<hbm>>
        tpu.wait_dma2 semaphore(%arg16 : memref<!tpu.dma_semaphore, #tpu.memory_space<semaphore_mem>>) src(%dma_wait3A_107 : memref<1x128xi32, #tpu.memory_space<hbm>>) dst(%arg9 : memref<1x128xi32, #tpu.memory_space<vmem>>)
      } else {
      }
      %dma_start3A_48 = arith.constant 0 : i32
      %dma_start3A_49 = arith.constant 0 : i32
      %dma_start3A_50 = tpu.memref_slice %arg9[%dma_start3A_48, %dma_start3A_49] : memref<1x128xi32, #tpu.memory_space<vmem>> -> memref<1x128xi32, #tpu.memory_space<vmem>>
      %dma_start3A_51 = tpu.memref_squeeze %dma_start3A_50 : memref<1x128xi32, #tpu.memory_space<vmem>> -> memref<128xi32, #tpu.memory_space<vmem>>
      %dma_start3A_52 = arith.constant 0 : i32
      %dma_start3A_53 = arith.constant 0 : i32
      %dma_start3A_54 = tpu.memref_slice %arg2[%dma_start3A_52, %dma_start3A_53] : memref<10000x128xf32, #tpu.memory_space<hbm>> -> memref<10000x128xf32, #tpu.memory_space<hbm>>
      tpu.enqueue_indirect_dma source(%dma_start3A_54 : memref<10000x128xf32, #tpu.memory_space<hbm>>) target(%arg11 : memref<128x128xf32, #tpu.memory_space<vmem>>) offsets(%dma_start3A_51 : memref<128xi32, #tpu.memory_space<vmem>>) semaphore(%arg14 : memref<!tpu.dma_semaphore, #tpu.memory_space<semaphore_mem>>)
      %dma_start3A_55 = arith.constant 0 : i32
      %dma_start3A_56 = tpu.memref_slice %arg7[%mul3A_36, %dma_start3A_55] : memref<79x128xi32, #tpu.memory_space<vmem>> -> memref<1x128xi32, #tpu.memory_space<vmem>>
      %dma_start3A_57 = tpu.memref_squeeze %dma_start3A_56 : memref<1x128xi32, #tpu.memory_space<vmem>> -> memref<128xi32, #tpu.memory_space<vmem>>
      %dma_start3A_58 = arith.constant 0 : i32
      %dma_start3A_59 = arith.constant 0 : i32
      %dma_start3A_60 = tpu.memref_slice %arg12[%dma_start3A_58, %dma_start3A_59] : memref<10112x128xf32, #tpu.memory_space<vmem_shared>> -> memref<10112x128xf32, #tpu.memory_space<vmem_shared>>
      tpu.enqueue_indirect_dma source(%arg10 : memref<128x128xf32, #tpu.memory_space<vmem>>) target(%dma_start3A_60 : memref<10112x128xf32, #tpu.memory_space<vmem_shared>>) offsets(%dma_start3A_57 : memref<128xi32, #tpu.memory_space<vmem>>) semaphore(%arg17 : memref<!tpu.dma_semaphore, #tpu.memory_space<semaphore_mem>>) {add = true}
      %add3A_61 = arith.constant 2 : i32
      %add3A_62 = arith.addi %mul3A_36, %add3A_61 : i32
      %lt3A = arith.constant 79 : i32
      %lt3A_63 = arith.cmpi slt, %add3A_62, %lt3A : i32
      %convert_element_type3A_64 = arith.extui %lt3A_63 : i1 to i32
      %cond3A_65 = arith.constant 0 : i32
      %cond3A_66 = arith.cmpi ne, %convert_element_type3A_64, %cond3A_65 : i32
      scf.if %cond3A_66 {
        %add3A_94 = arith.constant 2 : i32
        %add3A_95 = arith.addi %mul3A_36, %add3A_94 : i32
        %dma_start3A_96 = arith.constant 0 : i32
        %dma_start3A_97 = arith.constant 0 : i32
        %dma_start3A_98 = tpu.memref_slice %arg3[%add3A, %add3A_95, %dma_start3A_96, %dma_start3A_97] : memref<32x79x1x128xi32, #tpu.memory_space<hbm>> -> memref<1x1x1x128xi32, #tpu.memory_space<hbm>>
        %dma_start3A_99 = tpu.memref_squeeze %dma_start3A_98 : memref<1x1x1x128xi32, #tpu.memory_space<hbm>> -> memref<1x128xi32, #tpu.memory_space<hbm>>
        %dma_start3A_100 = arith.constant 0 : i32
        %dma_start3A_101 = arith.constant 0 : i32
        %dma_start3A_102 = tpu.memref_slice %arg3[%add3A, %add3A_95, %dma_start3A_100, %dma_start3A_101] : memref<32x79x1x128xi32, #tpu.memory_space<hbm>> -> memref<1x1x1x128xi32, #tpu.memory_space<hbm>>
        %dma_start3A_103 = tpu.memref_squeeze %dma_start3A_102 : memref<1x1x1x128xi32, #tpu.memory_space<hbm>> -> memref<1x128xi32, #tpu.memory_space<hbm>>
        tpu.enqueue_dma source(%dma_start3A_103 : memref<1x128xi32, #tpu.memory_space<hbm>>) target(%arg8 : memref<1x128xi32, #tpu.memory_space<vmem>>) target_semaphore(%arg15 : memref<!tpu.dma_semaphore, #tpu.memory_space<semaphore_mem>>)
      } else {
      }
      %dma_wait3A_67 = arith.constant 0 : i32
      %dma_wait3A_68 = arith.constant 0 : i32
      %dma_wait3A_69 = tpu.memref_slice %arg9[%dma_wait3A_67, %dma_wait3A_68] : memref<1x128xi32, #tpu.memory_space<vmem>> -> memref<1x128xi32, #tpu.memory_space<vmem>>
      %dma_wait3A_70 = tpu.memref_squeeze %dma_wait3A_69 : memref<1x128xi32, #tpu.memory_space<vmem>> -> memref<128xi32, #tpu.memory_space<vmem>>
      %dma_wait3A_71 = arith.constant 0 : i32
      %dma_wait3A_72 = arith.constant 0 : i32
      %dma_wait3A_73 = tpu.memref_slice %arg2[%dma_wait3A_71, %dma_wait3A_72] : memref<10000x128xf32, #tpu.memory_space<hbm>> -> memref<10000x128xf32, #tpu.memory_space<hbm>>
      tpu.wait_indirect_dma semaphore(%arg14 : memref<!tpu.dma_semaphore, #tpu.memory_space<semaphore_mem>>) src(%dma_wait3A_73 : memref<10000x128xf32, #tpu.memory_space<hbm>>) dst(%arg11 : memref<128x128xf32, #tpu.memory_space<vmem>>)
      %add3A_74 = arith.constant 3 : i32
      %add3A_75 = arith.addi %mul3A_36, %add3A_74 : i32
      %lt3A_76 = arith.constant 79 : i32
      %lt3A_77 = arith.cmpi slt, %add3A_75, %lt3A_76 : i32
      %convert_element_type3A_78 = arith.extui %lt3A_77 : i1 to i32
      %cond3A_79 = arith.constant 0 : i32
      %cond3A_80 = arith.cmpi ne, %convert_element_type3A_78, %cond3A_79 : i32
      scf.if %cond3A_80 {
        %add3A_94 = arith.constant 3 : i32
        %add3A_95 = arith.addi %mul3A_36, %add3A_94 : i32
        %dma_start3A_96 = arith.constant 0 : i32
        %dma_start3A_97 = arith.constant 0 : i32
        %dma_start3A_98 = tpu.memref_slice %arg3[%add3A, %add3A_95, %dma_start3A_96, %dma_start3A_97] : memref<32x79x1x128xi32, #tpu.memory_space<hbm>> -> memref<1x1x1x128xi32, #tpu.memory_space<hbm>>
        %dma_start3A_99 = tpu.memref_squeeze %dma_start3A_98 : memref<1x1x1x128xi32, #tpu.memory_space<hbm>> -> memref<1x128xi32, #tpu.memory_space<hbm>>
        %dma_start3A_100 = arith.constant 0 : i32
        %dma_start3A_101 = arith.constant 0 : i32
        %dma_start3A_102 = tpu.memref_slice %arg3[%add3A, %add3A_95, %dma_start3A_100, %dma_start3A_101] : memref<32x79x1x128xi32, #tpu.memory_space<hbm>> -> memref<1x1x1x128xi32, #tpu.memory_space<hbm>>
        %dma_start3A_103 = tpu.memref_squeeze %dma_start3A_102 : memref<1x1x1x128xi32, #tpu.memory_space<hbm>> -> memref<1x128xi32, #tpu.memory_space<hbm>>
        tpu.enqueue_dma source(%dma_start3A_103 : memref<1x128xi32, #tpu.memory_space<hbm>>) target(%arg9 : memref<1x128xi32, #tpu.memory_space<vmem>>) target_semaphore(%arg16 : memref<!tpu.dma_semaphore, #tpu.memory_space<semaphore_mem>>)
      } else {
      }
      %dma_start3A_81 = arith.constant 0 : i32
      %dma_start3A_82 = tpu.memref_slice %arg7[%add3A_38, %dma_start3A_81] : memref<79x128xi32, #tpu.memory_space<vmem>> -> memref<1x128xi32, #tpu.memory_space<vmem>>
      %dma_start3A_83 = tpu.memref_squeeze %dma_start3A_82 : memref<1x128xi32, #tpu.memory_space<vmem>> -> memref<128xi32, #tpu.memory_space<vmem>>
      %dma_start3A_84 = arith.constant 0 : i32
      %dma_start3A_85 = arith.constant 0 : i32
      %dma_start3A_86 = tpu.memref_slice %arg12[%dma_start3A_84, %dma_start3A_85] : memref<10112x128xf32, #tpu.memory_space<vmem_shared>> -> memref<10112x128xf32, #tpu.memory_space<vmem_shared>>
      tpu.enqueue_indirect_dma source(%arg11 : memref<128x128xf32, #tpu.memory_space<vmem>>) target(%dma_start3A_86 : memref<10112x128xf32, #tpu.memory_space<vmem_shared>>) offsets(%dma_start3A_83 : memref<128xi32, #tpu.memory_space<vmem>>) semaphore(%arg18 : memref<!tpu.dma_semaphore, #tpu.memory_space<semaphore_mem>>) {add = true}
      %add3A_87 = arith.constant 2 : i32
      %add3A_88 = arith.addi %mul3A_36, %add3A_87 : i32
      %lt3A_89 = arith.constant 79 : i32
      %lt3A_90 = arith.cmpi slt, %add3A_88, %lt3A_89 : i32
      %convert_element_type3A_91 = arith.extui %lt3A_90 : i1 to i32
      %cond3A_92 = arith.constant 0 : i32
      %cond3A_93 = arith.cmpi ne, %convert_element_type3A_91, %cond3A_92 : i32
      scf.if %cond3A_93 {
        %dma_wait3A_94 = arith.constant 0 : i32
        %dma_wait3A_95 = tpu.memref_slice %arg7[%mul3A_36, %dma_wait3A_94] : memref<79x128xi32, #tpu.memory_space<vmem>> -> memref<1x128xi32, #tpu.memory_space<vmem>>
        %dma_wait3A_96 = tpu.memref_squeeze %dma_wait3A_95 : memref<1x128xi32, #tpu.memory_space<vmem>> -> memref<128xi32, #tpu.memory_space<vmem>>
        %dma_wait3A_97 = arith.constant 0 : i32
        %dma_wait3A_98 = arith.constant 0 : i32
        %dma_wait3A_99 = tpu.memref_slice %arg12[%dma_wait3A_97, %dma_wait3A_98] : memref<10112x128xf32, #tpu.memory_space<vmem_shared>> -> memref<10112x128xf32, #tpu.memory_space<vmem_shared>>
        tpu.wait_indirect_dma semaphore(%arg17 : memref<!tpu.dma_semaphore, #tpu.memory_space<semaphore_mem>>) src(%arg10 : memref<128x128xf32, #tpu.memory_space<vmem>>) dst(%dma_wait3A_99 : memref<10112x128xf32, #tpu.memory_space<vmem_shared>>)
        %add3A_100 = arith.constant 2 : i32
        %add3A_101 = arith.addi %mul3A_36, %add3A_100 : i32
        %dma_wait3A_102 = arith.constant 0 : i32
        %dma_wait3A_103 = arith.constant 0 : i32
        %dma_wait3A_104 = tpu.memref_slice %arg3[%add3A, %add3A_101, %dma_wait3A_102, %dma_wait3A_103] : memref<32x79x1x128xi32, #tpu.memory_space<hbm>> -> memref<1x1x1x128xi32, #tpu.memory_space<hbm>>
        %dma_wait3A_105 = tpu.memref_squeeze %dma_wait3A_104 : memref<1x1x1x128xi32, #tpu.memory_space<hbm>> -> memref<1x128xi32, #tpu.memory_space<hbm>>
        %dma_wait3A_106 = arith.constant 0 : i32
        %dma_wait3A_107 = arith.constant 0 : i32
        %dma_wait3A_108 = tpu.memref_slice %arg3[%add3A, %add3A_101, %dma_wait3A_106, %dma_wait3A_107] : memref<32x79x1x128xi32, #tpu.memory_space<hbm>> -> memref<1x1x1x128xi32, #tpu.memory_space<hbm>>
        %dma_wait3A_109 = tpu.memref_squeeze %dma_wait3A_108 : memref<1x1x1x128xi32, #tpu.memory_space<hbm>> -> memref<1x128xi32, #tpu.memory_space<hbm>>
        tpu.wait_dma2 semaphore(%arg15 : memref<!tpu.dma_semaphore, #tpu.memory_space<semaphore_mem>>) src(%dma_wait3A_109 : memref<1x128xi32, #tpu.memory_space<hbm>>) dst(%arg8 : memref<1x128xi32, #tpu.memory_space<vmem>>)
        %dma_start3A_110 = arith.constant 0 : i32
        %dma_start3A_111 = arith.constant 0 : i32
        %dma_start3A_112 = tpu.memref_slice %arg8[%dma_start3A_110, %dma_start3A_111] : memref<1x128xi32, #tpu.memory_space<vmem>> -> memref<1x128xi32, #tpu.memory_space<vmem>>
        %dma_start3A_113 = tpu.memref_squeeze %dma_start3A_112 : memref<1x128xi32, #tpu.memory_space<vmem>> -> memref<128xi32, #tpu.memory_space<vmem>>
        %dma_start3A_114 = arith.constant 0 : i32
        %dma_start3A_115 = arith.constant 0 : i32
        %dma_start3A_116 = tpu.memref_slice %arg2[%dma_start3A_114, %dma_start3A_115] : memref<10000x128xf32, #tpu.memory_space<hbm>> -> memref<10000x128xf32, #tpu.memory_space<hbm>>
        tpu.enqueue_indirect_dma source(%dma_start3A_116 : memref<10000x128xf32, #tpu.memory_space<hbm>>) target(%arg10 : memref<128x128xf32, #tpu.memory_space<vmem>>) offsets(%dma_start3A_113 : memref<128xi32, #tpu.memory_space<vmem>>) semaphore(%arg13 : memref<!tpu.dma_semaphore, #tpu.memory_space<semaphore_mem>>)
      } else {
      }
    }
    %scan3A_14 = arith.constant 39 : i32
    %dma_wait3A = arith.constant 0 : i32
    %dma_wait3A_15 = arith.constant 0 : i32
    %dma_wait3A_16 = tpu.memref_slice %arg8[%dma_wait3A, %dma_wait3A_15] : memref<1x128xi32, #tpu.memory_space<vmem>> -> memref<1x128xi32, #tpu.memory_space<vmem>>
    %dma_wait3A_17 = tpu.memref_squeeze %dma_wait3A_16 : memref<1x128xi32, #tpu.memory_space<vmem>> -> memref<128xi32, #tpu.memory_space<vmem>>
    %dma_wait3A_18 = arith.constant 0 : i32
    %dma_wait3A_19 = arith.constant 0 : i32
    %dma_wait3A_20 = tpu.memref_slice %arg2[%dma_wait3A_18, %dma_wait3A_19] : memref<10000x128xf32, #tpu.memory_space<hbm>> -> memref<10000x128xf32, #tpu.memory_space<hbm>>
    tpu.wait_indirect_dma semaphore(%arg13 : memref<!tpu.dma_semaphore, #tpu.memory_space<semaphore_mem>>) src(%dma_wait3A_20 : memref<10000x128xf32, #tpu.memory_space<hbm>>) dst(%arg10 : memref<128x128xf32, #tpu.memory_space<vmem>>)
    %run_scoped3A_21 = arith.constant 78 : i32
    "tpu.region"() ({
      %run_scoped3A_34 = tpu.sem_alloc : memref<!tpu.dma_semaphore, #tpu.memory_space<semaphore_mem>>
      %dma_start3A_35 = arith.constant 0 : i32
      %dma_start3A_36 = tpu.memref_slice %arg7[%run_scoped3A_21, %dma_start3A_35] : memref<79x128xi32, #tpu.memory_space<vmem>> -> memref<1x128xi32, #tpu.memory_space<vmem>>
      %dma_start3A_37 = tpu.memref_squeeze %dma_start3A_36 : memref<1x128xi32, #tpu.memory_space<vmem>> -> memref<128xi32, #tpu.memory_space<vmem>>
      %dma_start3A_38 = arith.constant 0 : i32
      %dma_start3A_39 = arith.constant 0 : i32
      %dma_start3A_40 = tpu.memref_slice %arg12[%dma_start3A_38, %dma_start3A_39] : memref<10112x128xf32, #tpu.memory_space<vmem_shared>> -> memref<10112x128xf32, #tpu.memory_space<vmem_shared>>
      tpu.enqueue_indirect_dma source(%arg10 : memref<128x128xf32, #tpu.memory_space<vmem>>) target(%dma_start3A_40 : memref<10112x128xf32, #tpu.memory_space<vmem_shared>>) offsets(%dma_start3A_37 : memref<128xi32, #tpu.memory_space<vmem>>) semaphore(%run_scoped3A_34 : memref<!tpu.dma_semaphore, #tpu.memory_space<semaphore_mem>>) {add = true}
      %dma_wait3A_41 = arith.constant 0 : i32
      %dma_wait3A_42 = tpu.memref_slice %arg7[%run_scoped3A_21, %dma_wait3A_41] : memref<79x128xi32, #tpu.memory_space<vmem>> -> memref<1x128xi32, #tpu.memory_space<vmem>>
      %dma_wait3A_43 = tpu.memref_squeeze %dma_wait3A_42 : memref<1x128xi32, #tpu.memory_space<vmem>> -> memref<128xi32, #tpu.memory_space<vmem>>
      %dma_wait3A_44 = arith.constant 0 : i32
      %dma_wait3A_45 = arith.constant 0 : i32
      %dma_wait3A_46 = tpu.memref_slice %arg12[%dma_wait3A_44, %dma_wait3A_45] : memref<10112x128xf32, #tpu.memory_space<vmem_shared>> -> memref<10112x128xf32, #tpu.memory_space<vmem_shared>>
      tpu.wait_indirect_dma semaphore(%run_scoped3A_34 : memref<!tpu.dma_semaphore, #tpu.memory_space<semaphore_mem>>) src(%arg10 : memref<128x128xf32, #tpu.memory_space<vmem>>) dst(%dma_wait3A_46 : memref<10112x128xf32, #tpu.memory_space<vmem_shared>>)
      tpu.yield
    }) : () -> ()
    %dma_wait3A_22 = arith.constant 77 : i32
    %dma_wait3A_23 = arith.constant 0 : i32
    %dma_wait3A_24 = tpu.memref_slice %arg7[%dma_wait3A_22, %dma_wait3A_23] : memref<79x128xi32, #tpu.memory_space<vmem>> -> memref<1x128xi32, #tpu.memory_space<vmem>>
    %dma_wait3A_25 = tpu.memref_squeeze %dma_wait3A_24 : memref<1x128xi32, #tpu.memory_space<vmem>> -> memref<128xi32, #tpu.memory_space<vmem>>
    %dma_wait3A_26 = arith.constant 0 : i32
    %dma_wait3A_27 = arith.constant 0 : i32
    %dma_wait3A_28 = tpu.memref_slice %arg12[%dma_wait3A_26, %dma_wait3A_27] : memref<10112x128xf32, #tpu.memory_space<vmem_shared>> -> memref<10112x128xf32, #tpu.memory_space<vmem_shared>>
    tpu.wait_indirect_dma semaphore(%arg18 : memref<!tpu.dma_semaphore, #tpu.memory_space<semaphore_mem>>) src(%arg11 : memref<128x128xf32, #tpu.memory_space<vmem>>) dst(%dma_wait3A_28 : memref<10112x128xf32, #tpu.memory_space<vmem_shared>>)
    %barrier3A_29 = arith.constant 0 : index
    tpu.barrier barrier_id(%barrier3A_29)
    %mul3A_30 = arith.constant 632 : i32
    %mul3A_31 = arith.muli %arg1, %mul3A_30 : i32
    %mul3A_32 = arith.constant 632 : i32
    %mul3A_33 = arith.muli %arg1, %mul3A_32 : i32
    "tpu.region"() ({
      %run_scoped3A_34 = tpu.sem_alloc : memref<!tpu.dma_semaphore, #tpu.memory_space<semaphore_mem>>
      %dma_start3A_35 = arith.constant 0 : i32
      %dma_start3A_36 = tpu.memref_slice %arg6[%arg0, %mul3A_33, %dma_start3A_35] : memref<2x10112x128xf32, #tpu.memory_space<hbm>> -> memref<1x632x128xf32, #tpu.memory_space<hbm>>
      %dma_start3A_37 = tpu.memref_squeeze %dma_start3A_36 : memref<1x632x128xf32, #tpu.memory_space<hbm>> -> memref<632x128xf32, #tpu.memory_space<hbm>>
      %dma_start3A_38 = arith.constant 0 : i32
      %dma_start3A_39 = tpu.memref_slice %arg12[%mul3A_31, %dma_start3A_38] : memref<10112x128xf32, #tpu.memory_space<vmem_shared>> -> memref<632x128xf32, #tpu.memory_space<vmem_shared>>
      tpu.enqueue_dma source(%dma_start3A_39 : memref<632x128xf32, #tpu.memory_space<vmem_shared>>) target(%dma_start3A_37 : memref<632x128xf32, #tpu.memory_space<hbm>>) target_semaphore(%run_scoped3A_34 : memref<!tpu.dma_semaphore, #tpu.memory_space<semaphore_mem>>)
      %dma_wait3A_40 = arith.constant 0 : i32
      %dma_wait3A_41 = tpu.memref_slice %arg6[%arg0, %mul3A_33, %dma_wait3A_40] : memref<2x10112x128xf32, #tpu.memory_space<hbm>> -> memref<1x632x128xf32, #tpu.memory_space<hbm>>
      %dma_wait3A_42 = tpu.memref_squeeze %dma_wait3A_41 : memref<1x632x128xf32, #tpu.memory_space<hbm>> -> memref<632x128xf32, #tpu.memory_space<hbm>>
      %dma_wait3A_43 = arith.constant 0 : i32
      %dma_wait3A_44 = tpu.memref_slice %arg12[%mul3A_31, %dma_wait3A_43] : memref<10112x128xf32, #tpu.memory_space<vmem_shared>> -> memref<632x128xf32, #tpu.memory_space<vmem_shared>>
      tpu.wait_dma2 semaphore(%run_scoped3A_34 : memref<!tpu.dma_semaphore, #tpu.memory_space<semaphore_mem>>) src(%dma_wait3A_44 : memref<632x128xf32, #tpu.memory_space<vmem_shared>>) dst(%dma_wait3A_42 : memref<632x128xf32, #tpu.memory_space<hbm>>)
      tpu.yield
    }) : () -> ()
    return
  }
}

#map = affine_map<(d0, d1) -> (0, 0)>
#map1 = affine_map<(d0, d1) -> (0, 0, 0, 0)>
#map2 = affine_map<(d0, d1) -> (0, 0, 0)>
module attributes {stable_mosaic.version = 14 : i64} {
  func.func @body(%arg0: i32, %arg1: i32, %arg2: memref<10000x128xf32, #tpu.memory_space<hbm>>, %arg3: memref<32x79x1x128xi32, #tpu.memory_space<hbm>>, %arg4: memref<32x79x128xi32, #tpu.memory_space<hbm>>, %arg5: memref<632x128xf32, #tpu.memory_space<hbm>>, %arg6: memref<2x10112x128xf32, #tpu.memory_space<hbm>>, %arg7: memref<79x128xi32, #tpu.memory_space<vmem>>, %arg8: memref<1x128xi32, #tpu.memory_space<vmem>>, %arg9: memref<1x128xi32, #tpu.memory_space<vmem>>, %arg10: memref<128x128xf32, #tpu.memory_space<vmem>>, %arg11: memref<128x128xf32, #tpu.memory_space<vmem>>, %arg12: memref<10112x128xf32, #tpu.memory_space<vmem_shared>>, %arg13: memref<!tpu.dma_semaphore, #tpu.memory_space<semaphore_mem>>, %arg14: memref<!tpu.dma_semaphore, #tpu.memory_space<semaphore_mem>>, %arg15: memref<!tpu.dma_semaphore, #tpu.memory_space<semaphore_mem>>, %arg16: memref<!tpu.dma_semaphore, #tpu.memory_space<semaphore_mem>>, %arg17: memref<!tpu.dma_semaphore, #tpu.memory_space<semaphore_mem>>, %arg18: memref<!tpu.dma_semaphore, #tpu.memory_space<semaphore_mem>>) attributes {dimension_semantics = [#tpu.dimension_semantics<core_parallel>, #tpu.dimension_semantics<subcore_parallel>], iteration_bounds = array<i64: 2, 16>, scalar_prefetch = 0 : i64, scratch_operands = 12 : i64, tpu.core_type = #tpu.core_type<sc_vector_subcore>, window_params = [{transform_indices = #map}, {transform_indices = #map1}, {transform_indices = #map2}, {transform_indices = #map}, {transform_indices = #map2}]} {
    %mul3A = arith.constant 2 : i32
    %mul3A_0 = arith.muli %arg1, %mul3A : i32
    %add3A = arith.addi %mul3A_0, %arg0 : i32
    "tpu.region"() ({
      %run_scoped3A_34 = tpu.sem_alloc : memref<!tpu.dma_semaphore, #tpu.memory_space<semaphore_mem>>
      %dma_start3A_35 = arith.constant 0 : i32
      %dma_start3A_36 = arith.constant 0 : i32
      %dma_start3A_37 = tpu.memref_slice %arg4[%add3A, %dma_start3A_35, %dma_start3A_36] : memref<32x79x128xi32, #tpu.memory_space<hbm>> -> memref<1x79x128xi32, #tpu.memory_space<hbm>>
      %dma_start3A_38 = tpu.memref_squeeze %dma_start3A_37 : memref<1x79x128xi32, #tpu.memory_space<hbm>> -> memref<79x128xi32, #tpu.memory_space<hbm>>
      %dma_start3A_39 = arith.constant 0 : i32
      %dma_start3A_40 = arith.constant 0 : i32
      %dma_start3A_41 = tpu.memref_slice %arg4[%add3A, %dma_start3A_39, %dma_start3A_40] : memref<32x79x128xi32, #tpu.memory_space<hbm>> -> memref<1x79x128xi32, #tpu.memory_space<hbm>>
      %dma_start3A_42 = tpu.memref_squeeze %dma_start3A_41 : memref<1x79x128xi32, #tpu.memory_space<hbm>> -> memref<79x128xi32, #tpu.memory_space<hbm>>
      tpu.enqueue_dma source(%dma_start3A_42 : memref<79x128xi32, #tpu.memory_space<hbm>>) target(%arg7 : memref<79x128xi32, #tpu.memory_space<vmem>>) target_semaphore(%run_scoped3A_34 : memref<!tpu.dma_semaphore, #tpu.memory_space<semaphore_mem>>)
      %dma_wait3A_43 = arith.constant 0 : i32
      %dma_wait3A_44 = arith.constant 0 : i32
      %dma_wait3A_45 = tpu.memref_slice %arg4[%add3A, %dma_wait3A_43, %dma_wait3A_44] : memref<32x79x128xi32, #tpu.memory_space<hbm>> -> memref<1x79x128xi32, #tpu.memory_space<hbm>>
      %dma_wait3A_46 = tpu.memref_squeeze %dma_wait3A_45 : memref<1x79x128xi32, #tpu.memory_space<hbm>> -> memref<79x128xi32, #tpu.memory_space<hbm>>
      %dma_wait3A_47 = arith.constant 0 : i32
      %dma_wait3A_48 = arith.constant 0 : i32
      %dma_wait3A_49 = tpu.memref_slice %arg4[%add3A, %dma_wait3A_47, %dma_wait3A_48] : memref<32x79x128xi32, #tpu.memory_space<hbm>> -> memref<1x79x128xi32, #tpu.memory_space<hbm>>
      %dma_wait3A_50 = tpu.memref_squeeze %dma_wait3A_49 : memref<1x79x128xi32, #tpu.memory_space<hbm>> -> memref<79x128xi32, #tpu.memory_space<hbm>>
      tpu.wait_dma2 semaphore(%run_scoped3A_34 : memref<!tpu.dma_semaphore, #tpu.memory_space<semaphore_mem>>) src(%dma_wait3A_50 : memref<79x128xi32, #tpu.memory_space<hbm>>) dst(%arg7 : memref<79x128xi32, #tpu.memory_space<vmem>>)
      tpu.yield
    }) : () -> ()
    %mul3A_1 = arith.constant 632 : i32
    %mul3A_2 = arith.muli %arg1, %mul3A_1 : i32
    "tpu.region"() ({
      %run_scoped3A_34 = tpu.sem_alloc : memref<!tpu.dma_semaphore, #tpu.memory_space<semaphore_mem>>
      %dma_start3A_35 = arith.constant 0 : i32
      %dma_start3A_36 = tpu.memref_slice %arg12[%mul3A_2, %dma_start3A_35] : memref<10112x128xf32, #tpu.memory_space<vmem_shared>> -> memref<632x128xf32, #tpu.memory_space<vmem_shared>>
      tpu.enqueue_dma source(%arg5 : memref<632x128xf32, #tpu.memory_space<hbm>>) target(%dma_start3A_36 : memref<632x128xf32, #tpu.memory_space<vmem_shared>>) target_semaphore(%run_scoped3A_34 : memref<!tpu.dma_semaphore, #tpu.memory_space<semaphore_mem>>)
      %dma_wait3A_37 = arith.constant 0 : i32
      %dma_wait3A_38 = tpu.memref_slice %arg12[%mul3A_2, %dma_wait3A_37] : memref<10112x128xf32, #tpu.memory_space<vmem_shared>> -> memref<632x128xf32, #tpu.memory_space<vmem_shared>>
      tpu.wait_dma2 semaphore(%run_scoped3A_34 : memref<!tpu.dma_semaphore, #tpu.memory_space<semaphore_mem>>) src(%arg5 : memref<632x128xf32, #tpu.memory_space<hbm>>) dst(%dma_wait3A_38 : memref<632x128xf32, #tpu.memory_space<vmem_shared>>)
      tpu.yield
    }) : () -> ()
    %barrier3A = arith.constant 0 : index
    tpu.barrier barrier_id(%barrier3A)
    %run_scoped3A = arith.constant 0 : i32
    "tpu.region"() ({
      %run_scoped3A_34 = tpu.sem_alloc : memref<!tpu.dma_semaphore, #tpu.memory_space<semaphore_mem>>
      %dma_start3A_35 = arith.constant 0 : i32
      %dma_start3A_36 = arith.constant 0 : i32
      %dma_start3A_37 = tpu.memref_slice %arg3[%add3A, %run_scoped3A, %dma_start3A_35, %dma_start3A_36] : memref<32x79x1x128xi32, #tpu.memory_space<hbm>> -> memref<1x1x1x128xi32, #tpu.memory_space<hbm>>
      %dma_start3A_38 = tpu.memref_squeeze %dma_start3A_37 : memref<1x1x1x128xi32, #tpu.memory_space<hbm>> -> memref<1x128xi32, #tpu.memory_space<hbm>>
      %dma_start3A_39 = arith.constant 0 : i32
      %dma_start3A_40 = arith.constant 0 : i32
      %dma_start3A_41 = tpu.memref_slice %arg3[%add3A, %run_scoped3A, %dma_start3A_39, %dma_start3A_40] : memref<32x79x1x128xi32, #tpu.memory_space<hbm>> -> memref<1x1x1x128xi32, #tpu.memory_space<hbm>>
      %dma_start3A_42 = tpu.memref_squeeze %dma_start3A_41 : memref<1x1x1x128xi32, #tpu.memory_space<hbm>> -> memref<1x128xi32, #tpu.memory_space<hbm>>
      tpu.enqueue_dma source(%dma_start3A_42 : memref<1x128xi32, #tpu.memory_space<hbm>>) target(%arg8 : memref<1x128xi32, #tpu.memory_space<vmem>>) target_semaphore(%run_scoped3A_34 : memref<!tpu.dma_semaphore, #tpu.memory_space<semaphore_mem>>)
      %dma_wait3A_43 = arith.constant 0 : i32
      %dma_wait3A_44 = arith.constant 0 : i32
      %dma_wait3A_45 = tpu.memref_slice %arg3[%add3A, %run_scoped3A, %dma_wait3A_43, %dma_wait3A_44] : memref<32x79x1x128xi32, #tpu.memory_space<hbm>> -> memref<1x1x1x128xi32, #tpu.memory_space<hbm>>
      %dma_wait3A_46 = tpu.memref_squeeze %dma_wait3A_45 : memref<1x1x1x128xi32, #tpu.memory_space<hbm>> -> memref<1x128xi32, #tpu.memory_space<hbm>>
      %dma_wait3A_47 = arith.constant 0 : i32
      %dma_wait3A_48 = arith.constant 0 : i32
      %dma_wait3A_49 = tpu.memref_slice %arg3[%add3A, %run_scoped3A, %dma_wait3A_47, %dma_wait3A_48] : memref<32x79x1x128xi32, #tpu.memory_space<hbm>> -> memref<1x1x1x128xi32, #tpu.memory_space<hbm>>
      %dma_wait3A_50 = tpu.memref_squeeze %dma_wait3A_49 : memref<1x1x1x128xi32, #tpu.memory_space<hbm>> -> memref<1x128xi32, #tpu.memory_space<hbm>>
      tpu.wait_dma2 semaphore(%run_scoped3A_34 : memref<!tpu.dma_semaphore, #tpu.memory_space<semaphore_mem>>) src(%dma_wait3A_50 : memref<1x128xi32, #tpu.memory_space<hbm>>) dst(%arg8 : memref<1x128xi32, #tpu.memory_space<vmem>>)
      tpu.yield
    }) : () -> ()
    %run_scoped3A_3 = arith.constant 1 : i32
    "tpu.region"() ({
      %run_scoped3A_34 = tpu.sem_alloc : memref<!tpu.dma_semaphore, #tpu.memory_space<semaphore_mem>>
      %dma_start3A_35 = arith.constant 0 : i32
      %dma_start3A_36 = arith.constant 0 : i32
      %dma_start3A_37 = tpu.memref_slice %arg3[%add3A, %run_scoped3A_3, %dma_start3A_35, %dma_start3A_36] : memref<32x79x1x128xi32, #tpu.memory_space<hbm>> -> memref<1x1x1x128xi32, #tpu.memory_space<hbm>>
      %dma_start3A_38 = tpu.memref_squeeze %dma_start3A_37 : memref<1x1x1x128xi32, #tpu.memory_space<hbm>> -> memref<1x128xi32, #tpu.memory_space<hbm>>
      %dma_start3A_39 = arith.constant 0 : i32
      %dma_start3A_40 = arith.constant 0 : i32
      %dma_start3A_41 = tpu.memref_slice %arg3[%add3A, %run_scoped3A_3, %dma_start3A_39, %dma_start3A_40] : memref<32x79x1x128xi32, #tpu.memory_space<hbm>> -> memref<1x1x1x128xi32, #tpu.memory_space<hbm>>
      %dma_start3A_42 = tpu.memref_squeeze %dma_start3A_41 : memref<1x1x1x128xi32, #tpu.memory_space<hbm>> -> memref<1x128xi32, #tpu.memory_space<hbm>>
      tpu.enqueue_dma source(%dma_start3A_42 : memref<1x128xi32, #tpu.memory_space<hbm>>) target(%arg9 : memref<1x128xi32, #tpu.memory_space<vmem>>) target_semaphore(%run_scoped3A_34 : memref<!tpu.dma_semaphore, #tpu.memory_space<semaphore_mem>>)
      %dma_wait3A_43 = arith.constant 0 : i32
      %dma_wait3A_44 = arith.constant 0 : i32
      %dma_wait3A_45 = tpu.memref_slice %arg3[%add3A, %run_scoped3A_3, %dma_wait3A_43, %dma_wait3A_44] : memref<32x79x1x128xi32, #tpu.memory_space<hbm>> -> memref<1x1x1x128xi32, #tpu.memory_space<hbm>>
      %dma_wait3A_46 = tpu.memref_squeeze %dma_wait3A_45 : memref<1x1x1x128xi32, #tpu.memory_space<hbm>> -> memref<1x128xi32, #tpu.memory_space<hbm>>
      %dma_wait3A_47 = arith.constant 0 : i32
      %dma_wait3A_48 = arith.constant 0 : i32
      %dma_wait3A_49 = tpu.memref_slice %arg3[%add3A, %run_scoped3A_3, %dma_wait3A_47, %dma_wait3A_48] : memref<32x79x1x128xi32, #tpu.memory_space<hbm>> -> memref<1x1x1x128xi32, #tpu.memory_space<hbm>>
      %dma_wait3A_50 = tpu.memref_squeeze %dma_wait3A_49 : memref<1x1x1x128xi32, #tpu.memory_space<hbm>> -> memref<1x128xi32, #tpu.memory_space<hbm>>
      tpu.wait_dma2 semaphore(%run_scoped3A_34 : memref<!tpu.dma_semaphore, #tpu.memory_space<semaphore_mem>>) src(%dma_wait3A_50 : memref<1x128xi32, #tpu.memory_space<hbm>>) dst(%arg9 : memref<1x128xi32, #tpu.memory_space<vmem>>)
      tpu.yield
    }) : () -> ()
    %dma_start3A = arith.constant 0 : i32
    %dma_start3A_4 = arith.constant 0 : i32
    %dma_start3A_5 = tpu.memref_slice %arg8[%dma_start3A, %dma_start3A_4] : memref<1x128xi32, #tpu.memory_space<vmem>> -> memref<1x128xi32, #tpu.memory_space<vmem>>
    %dma_start3A_6 = tpu.memref_squeeze %dma_start3A_5 : memref<1x128xi32, #tpu.memory_space<vmem>> -> memref<128xi32, #tpu.memory_space<vmem>>
    %dma_start3A_7 = arith.constant 0 : i32
    %dma_start3A_8 = arith.constant 0 : i32
    %dma_start3A_9 = tpu.memref_slice %arg2[%dma_start3A_7, %dma_start3A_8] : memref<10000x128xf32, #tpu.memory_space<hbm>> -> memref<10000x128xf32, #tpu.memory_space<hbm>>
    tpu.enqueue_indirect_dma source(%dma_start3A_9 : memref<10000x128xf32, #tpu.memory_space<hbm>>) target(%arg10 : memref<128x128xf32, #tpu.memory_space<vmem>>) offsets(%dma_start3A_6 : memref<128xi32, #tpu.memory_space<vmem>>) semaphore(%arg13 : memref<!tpu.dma_semaphore, #tpu.memory_space<semaphore_mem>>)
    %scan3A = arith.constant 0 : i32
    %scan3A_10 = arith.constant 0 : i32
    %scan3A_11 = arith.constant 39 : i32
    %scan3A_12 = arith.addi %scan3A_10, %scan3A_11 : i32
    %scan3A_13 = arith.constant 1 : i32
    scf.for %scan3A_34 = %scan3A_10 to %scan3A_12 step %scan3A_13  : i32 {
      %mul3A_35 = arith.constant 2 : i32
      %mul3A_36 = arith.muli %mul3A_35, %scan3A_34 : i32
      %add3A_37 = arith.constant 1 : i32
      %add3A_38 = arith.addi %mul3A_36, %add3A_37 : i32
      %dma_wait3A_39 = arith.constant 0 : i32
      %dma_wait3A_40 = arith.constant 0 : i32
      %dma_wait3A_41 = tpu.memref_slice %arg8[%dma_wait3A_39, %dma_wait3A_40] : memref<1x128xi32, #tpu.memory_space<vmem>> -> memref<1x128xi32, #tpu.memory_space<vmem>>
      %dma_wait3A_42 = tpu.memref_squeeze %dma_wait3A_41 : memref<1x128xi32, #tpu.memory_space<vmem>> -> memref<128xi32, #tpu.memory_space<vmem>>
      %dma_wait3A_43 = arith.constant 0 : i32
      %dma_wait3A_44 = arith.constant 0 : i32
      %dma_wait3A_45 = tpu.memref_slice %arg2[%dma_wait3A_43, %dma_wait3A_44] : memref<10000x128xf32, #tpu.memory_space<hbm>> -> memref<10000x128xf32, #tpu.memory_space<hbm>>
      tpu.wait_indirect_dma semaphore(%arg13 : memref<!tpu.dma_semaphore, #tpu.memory_space<semaphore_mem>>) src(%dma_wait3A_45 : memref<10000x128xf32, #tpu.memory_space<hbm>>) dst(%arg10 : memref<128x128xf32, #tpu.memory_space<vmem>>)
      %gt3A = arith.constant 0 : i32
      %gt3A_46 = arith.cmpi sgt, %scan3A_34, %gt3A : i32
      %convert_element_type3A = arith.extui %gt3A_46 : i1 to i32
      %cond3A = arith.constant 0 : i32
      %cond3A_47 = arith.cmpi ne, %convert_element_type3A, %cond3A : i32
      scf.if %cond3A_47 {
        %dma_wait3A_94 = arith.constant 0 : i32
        %dma_wait3A_95 = tpu.memref_slice %arg7[%mul3A_36, %dma_wait3A_94] : memref<79x128xi32, #tpu.memory_space<vmem>> -> memref<1x128xi32, #tpu.memory_space<vmem>>
        %dma_wait3A_96 = tpu.memref_squeeze %dma_wait3A_95 : memref<1x128xi32, #tpu.memory_space<vmem>> -> memref<128xi32, #tpu.memory_space<vmem>>
        %dma_wait3A_97 = arith.constant 0 : i32
        %dma_wait3A_98 = arith.constant 0 : i32
        %dma_wait3A_99 = tpu.memref_slice %arg12[%dma_wait3A_97, %dma_wait3A_98] : memref<10112x128xf32, #tpu.memory_space<vmem_shared>> -> memref<10112x128xf32, #tpu.memory_space<vmem_shared>>
        tpu.wait_indirect_dma semaphore(%arg18 : memref<!tpu.dma_semaphore, #tpu.memory_space<semaphore_mem>>) src(%arg11 : memref<128x128xf32, #tpu.memory_space<vmem>>) dst(%dma_wait3A_99 : memref<10112x128xf32, #tpu.memory_space<vmem_shared>>)
        %dma_wait3A_100 = arith.constant 0 : i32
        %dma_wait3A_101 = arith.constant 0 : i32
        %dma_wait3A_102 = tpu.memref_slice %arg3[%add3A, %add3A_38, %dma_wait3A_100, %dma_wait3A_101] : memref<32x79x1x128xi32, #tpu.memory_space<hbm>> -> memref<1x1x1x128xi32, #tpu.memory_space<hbm>>
        %dma_wait3A_103 = tpu.memref_squeeze %dma_wait3A_102 : memref<1x1x1x128xi32, #tpu.memory_space<hbm>> -> memref<1x128xi32, #tpu.memory_space<hbm>>
        %dma_wait3A_104 = arith.constant 0 : i32
        %dma_wait3A_105 = arith.constant 0 : i32
        %dma_wait3A_106 = tpu.memref_slice %arg3[%add3A, %add3A_38, %dma_wait3A_104, %dma_wait3A_105] : memref<32x79x1x128xi32, #tpu.memory_space<hbm>> -> memref<1x1x1x128xi32, #tpu.memory_space<hbm>>
        %dma_wait3A_107 = tpu.memref_squeeze %dma_wait3A_106 : memref<1x1x1x128xi32, #tpu.memory_space<hbm>> -> memref<1x128xi32, #tpu.memory_space<hbm>>
        tpu.wait_dma2 semaphore(%arg16 : memref<!tpu.dma_semaphore, #tpu.memory_space<semaphore_mem>>) src(%dma_wait3A_107 : memref<1x128xi32, #tpu.memory_space<hbm>>) dst(%arg9 : memref<1x128xi32, #tpu.memory_space<vmem>>)
      } else {
      }
      %dma_start3A_48 = arith.constant 0 : i32
      %dma_start3A_49 = arith.constant 0 : i32
      %dma_start3A_50 = tpu.memref_slice %arg9[%dma_start3A_48, %dma_start3A_49] : memref<1x128xi32, #tpu.memory_space<vmem>> -> memref<1x128xi32, #tpu.memory_space<vmem>>
      %dma_start3A_51 = tpu.memref_squeeze %dma_start3A_50 : memref<1x128xi32, #tpu.memory_space<vmem>> -> memref<128xi32, #tpu.memory_space<vmem>>
      %dma_start3A_52 = arith.constant 0 : i32
      %dma_start3A_53 = arith.constant 0 : i32
      %dma_start3A_54 = tpu.memref_slice %arg2[%dma_start3A_52, %dma_start3A_53] : memref<10000x128xf32, #tpu.memory_space<hbm>> -> memref<10000x128xf32, #tpu.memory_space<hbm>>
      tpu.enqueue_indirect_dma source(%dma_start3A_54 : memref<10000x128xf32, #tpu.memory_space<hbm>>) target(%arg11 : memref<128x128xf32, #tpu.memory_space<vmem>>) offsets(%dma_start3A_51 : memref<128xi32, #tpu.memory_space<vmem>>) semaphore(%arg14 : memref<!tpu.dma_semaphore, #tpu.memory_space<semaphore_mem>>)
      %dma_start3A_55 = arith.constant 0 : i32
      %dma_start3A_56 = tpu.memref_slice %arg7[%mul3A_36, %dma_start3A_55] : memref<79x128xi32, #tpu.memory_space<vmem>> -> memref<1x128xi32, #tpu.memory_space<vmem>>
      %dma_start3A_57 = tpu.memref_squeeze %dma_start3A_56 : memref<1x128xi32, #tpu.memory_space<vmem>> -> memref<128xi32, #tpu.memory_space<vmem>>
      %dma_start3A_58 = arith.constant 0 : i32
      %dma_start3A_59 = arith.constant 0 : i32
      %dma_start3A_60 = tpu.memref_slice %arg12[%dma_start3A_58, %dma_start3A_59] : memref<10112x128xf32, #tpu.memory_space<vmem_shared>> -> memref<10112x128xf32, #tpu.memory_space<vmem_shared>>
      tpu.enqueue_indirect_dma source(%arg10 : memref<128x128xf32, #tpu.memory_space<vmem>>) target(%dma_start3A_60 : memref<10112x128xf32, #tpu.memory_space<vmem_shared>>) offsets(%dma_start3A_57 : memref<128xi32, #tpu.memory_space<vmem>>) semaphore(%arg17 : memref<!tpu.dma_semaphore, #tpu.memory_space<semaphore_mem>>) {add = true}
      %add3A_61 = arith.constant 2 : i32
      %add3A_62 = arith.addi %mul3A_36, %add3A_61 : i32
      %lt3A = arith.constant 79 : i32
      %lt3A_63 = arith.cmpi slt, %add3A_62, %lt3A : i32
      %convert_element_type3A_64 = arith.extui %lt3A_63 : i1 to i32
      %cond3A_65 = arith.constant 0 : i32
      %cond3A_66 = arith.cmpi ne, %convert_element_type3A_64, %cond3A_65 : i32
      scf.if %cond3A_66 {
        %add3A_94 = arith.constant 2 : i32
        %add3A_95 = arith.addi %mul3A_36, %add3A_94 : i32
        %dma_start3A_96 = arith.constant 0 : i32
        %dma_start3A_97 = arith.constant 0 : i32
        %dma_start3A_98 = tpu.memref_slice %arg3[%add3A, %add3A_95, %dma_start3A_96, %dma_start3A_97] : memref<32x79x1x128xi32, #tpu.memory_space<hbm>> -> memref<1x1x1x128xi32, #tpu.memory_space<hbm>>
        %dma_start3A_99 = tpu.memref_squeeze %dma_start3A_98 : memref<1x1x1x128xi32, #tpu.memory_space<hbm>> -> memref<1x128xi32, #tpu.memory_space<hbm>>
        %dma_start3A_100 = arith.constant 0 : i32
        %dma_start3A_101 = arith.constant 0 : i32
        %dma_start3A_102 = tpu.memref_slice %arg3[%add3A, %add3A_95, %dma_start3A_100, %dma_start3A_101] : memref<32x79x1x128xi32, #tpu.memory_space<hbm>> -> memref<1x1x1x128xi32, #tpu.memory_space<hbm>>
        %dma_start3A_103 = tpu.memref_squeeze %dma_start3A_102 : memref<1x1x1x128xi32, #tpu.memory_space<hbm>> -> memref<1x128xi32, #tpu.memory_space<hbm>>
        tpu.enqueue_dma source(%dma_start3A_103 : memref<1x128xi32, #tpu.memory_space<hbm>>) target(%arg8 : memref<1x128xi32, #tpu.memory_space<vmem>>) target_semaphore(%arg15 : memref<!tpu.dma_semaphore, #tpu.memory_space<semaphore_mem>>)
      } else {
      }
      %dma_wait3A_67 = arith.constant 0 : i32
      %dma_wait3A_68 = arith.constant 0 : i32
      %dma_wait3A_69 = tpu.memref_slice %arg9[%dma_wait3A_67, %dma_wait3A_68] : memref<1x128xi32, #tpu.memory_space<vmem>> -> memref<1x128xi32, #tpu.memory_space<vmem>>
      %dma_wait3A_70 = tpu.memref_squeeze %dma_wait3A_69 : memref<1x128xi32, #tpu.memory_space<vmem>> -> memref<128xi32, #tpu.memory_space<vmem>>
      %dma_wait3A_71 = arith.constant 0 : i32
      %dma_wait3A_72 = arith.constant 0 : i32
      %dma_wait3A_73 = tpu.memref_slice %arg2[%dma_wait3A_71, %dma_wait3A_72] : memref<10000x128xf32, #tpu.memory_space<hbm>> -> memref<10000x128xf32, #tpu.memory_space<hbm>>
      tpu.wait_indirect_dma semaphore(%arg14 : memref<!tpu.dma_semaphore, #tpu.memory_space<semaphore_mem>>) src(%dma_wait3A_73 : memref<10000x128xf32, #tpu.memory_space<hbm>>) dst(%arg11 : memref<128x128xf32, #tpu.memory_space<vmem>>)
      %add3A_74 = arith.constant 3 : i32
      %add3A_75 = arith.addi %mul3A_36, %add3A_74 : i32
      %lt3A_76 = arith.constant 79 : i32
      %lt3A_77 = arith.cmpi slt, %add3A_75, %lt3A_76 : i32
      %convert_element_type3A_78 = arith.extui %lt3A_77 : i1 to i32
      %cond3A_79 = arith.constant 0 : i32
      %cond3A_80 = arith.cmpi ne, %convert_element_type3A_78, %cond3A_79 : i32
      scf.if %cond3A_80 {
        %add3A_94 = arith.constant 3 : i32
        %add3A_95 = arith.addi %mul3A_36, %add3A_94 : i32
        %dma_start3A_96 = arith.constant 0 : i32
        %dma_start3A_97 = arith.constant 0 : i32
        %dma_start3A_98 = tpu.memref_slice %arg3[%add3A, %add3A_95, %dma_start3A_96, %dma_start3A_97] : memref<32x79x1x128xi32, #tpu.memory_space<hbm>> -> memref<1x1x1x128xi32, #tpu.memory_space<hbm>>
        %dma_start3A_99 = tpu.memref_squeeze %dma_start3A_98 : memref<1x1x1x128xi32, #tpu.memory_space<hbm>> -> memref<1x128xi32, #tpu.memory_space<hbm>>
        %dma_start3A_100 = arith.constant 0 : i32
        %dma_start3A_101 = arith.constant 0 : i32
        %dma_start3A_102 = tpu.memref_slice %arg3[%add3A, %add3A_95, %dma_start3A_100, %dma_start3A_101] : memref<32x79x1x128xi32, #tpu.memory_space<hbm>> -> memref<1x1x1x128xi32, #tpu.memory_space<hbm>>
        %dma_start3A_103 = tpu.memref_squeeze %dma_start3A_102 : memref<1x1x1x128xi32, #tpu.memory_space<hbm>> -> memref<1x128xi32, #tpu.memory_space<hbm>>
        tpu.enqueue_dma source(%dma_start3A_103 : memref<1x128xi32, #tpu.memory_space<hbm>>) target(%arg9 : memref<1x128xi32, #tpu.memory_space<vmem>>) target_semaphore(%arg16 : memref<!tpu.dma_semaphore, #tpu.memory_space<semaphore_mem>>)
      } else {
      }
      %dma_start3A_81 = arith.constant 0 : i32
      %dma_start3A_82 = tpu.memref_slice %arg7[%add3A_38, %dma_start3A_81] : memref<79x128xi32, #tpu.memory_space<vmem>> -> memref<1x128xi32, #tpu.memory_space<vmem>>
      %dma_start3A_83 = tpu.memref_squeeze %dma_start3A_82 : memref<1x128xi32, #tpu.memory_space<vmem>> -> memref<128xi32, #tpu.memory_space<vmem>>
      %dma_start3A_84 = arith.constant 0 : i32
      %dma_start3A_85 = arith.constant 0 : i32
      %dma_start3A_86 = tpu.memref_slice %arg12[%dma_start3A_84, %dma_start3A_85] : memref<10112x128xf32, #tpu.memory_space<vmem_shared>> -> memref<10112x128xf32, #tpu.memory_space<vmem_shared>>
      tpu.enqueue_indirect_dma source(%arg11 : memref<128x128xf32, #tpu.memory_space<vmem>>) target(%dma_start3A_86 : memref<10112x128xf32, #tpu.memory_space<vmem_shared>>) offsets(%dma_start3A_83 : memref<128xi32, #tpu.memory_space<vmem>>) semaphore(%arg18 : memref<!tpu.dma_semaphore, #tpu.memory_space<semaphore_mem>>) {add = true}
      %add3A_87 = arith.constant 2 : i32
      %add3A_88 = arith.addi %mul3A_36, %add3A_87 : i32
      %lt3A_89 = arith.constant 79 : i32
      %lt3A_90 = arith.cmpi slt, %add3A_88, %lt3A_89 : i32
      %convert_element_type3A_91 = arith.extui %lt3A_90 : i1 to i32
      %cond3A_92 = arith.constant 0 : i32
      %cond3A_93 = arith.cmpi ne, %convert_element_type3A_91, %cond3A_92 : i32
      scf.if %cond3A_93 {
        %dma_wait3A_94 = arith.constant 0 : i32
        %dma_wait3A_95 = tpu.memref_slice %arg7[%mul3A_36, %dma_wait3A_94] : memref<79x128xi32, #tpu.memory_space<vmem>> -> memref<1x128xi32, #tpu.memory_space<vmem>>
        %dma_wait3A_96 = tpu.memref_squeeze %dma_wait3A_95 : memref<1x128xi32, #tpu.memory_space<vmem>> -> memref<128xi32, #tpu.memory_space<vmem>>
        %dma_wait3A_97 = arith.constant 0 : i32
        %dma_wait3A_98 = arith.constant 0 : i32
        %dma_wait3A_99 = tpu.memref_slice %arg12[%dma_wait3A_97, %dma_wait3A_98] : memref<10112x128xf32, #tpu.memory_space<vmem_shared>> -> memref<10112x128xf32, #tpu.memory_space<vmem_shared>>
        tpu.wait_indirect_dma semaphore(%arg17 : memref<!tpu.dma_semaphore, #tpu.memory_space<semaphore_mem>>) src(%arg10 : memref<128x128xf32, #tpu.memory_space<vmem>>) dst(%dma_wait3A_99 : memref<10112x128xf32, #tpu.memory_space<vmem_shared>>)
        %add3A_100 = arith.constant 2 : i32
        %add3A_101 = arith.addi %mul3A_36, %add3A_100 : i32
        %dma_wait3A_102 = arith.constant 0 : i32
        %dma_wait3A_103 = arith.constant 0 : i32
        %dma_wait3A_104 = tpu.memref_slice %arg3[%add3A, %add3A_101, %dma_wait3A_102, %dma_wait3A_103] : memref<32x79x1x128xi32, #tpu.memory_space<hbm>> -> memref<1x1x1x128xi32, #tpu.memory_space<hbm>>
        %dma_wait3A_105 = tpu.memref_squeeze %dma_wait3A_104 : memref<1x1x1x128xi32, #tpu.memory_space<hbm>> -> memref<1x128xi32, #tpu.memory_space<hbm>>
        %dma_wait3A_106 = arith.constant 0 : i32
        %dma_wait3A_107 = arith.constant 0 : i32
        %dma_wait3A_108 = tpu.memref_slice %arg3[%add3A, %add3A_101, %dma_wait3A_106, %dma_wait3A_107] : memref<32x79x1x128xi32, #tpu.memory_space<hbm>> -> memref<1x1x1x128xi32, #tpu.memory_space<hbm>>
        %dma_wait3A_109 = tpu.memref_squeeze %dma_wait3A_108 : memref<1x1x1x128xi32, #tpu.memory_space<hbm>> -> memref<1x128xi32, #tpu.memory_space<hbm>>
        tpu.wait_dma2 semaphore(%arg15 : memref<!tpu.dma_semaphore, #tpu.memory_space<semaphore_mem>>) src(%dma_wait3A_109 : memref<1x128xi32, #tpu.memory_space<hbm>>) dst(%arg8 : memref<1x128xi32, #tpu.memory_space<vmem>>)
        %dma_start3A_110 = arith.constant 0 : i32
        %dma_start3A_111 = arith.constant 0 : i32
        %dma_start3A_112 = tpu.memref_slice %arg8[%dma_start3A_110, %dma_start3A_111] : memref<1x128xi32, #tpu.memory_space<vmem>> -> memref<1x128xi32, #tpu.memory_space<vmem>>
        %dma_start3A_113 = tpu.memref_squeeze %dma_start3A_112 : memref<1x128xi32, #tpu.memory_space<vmem>> -> memref<128xi32, #tpu.memory_space<vmem>>
        %dma_start3A_114 = arith.constant 0 : i32
        %dma_start3A_115 = arith.constant 0 : i32
        %dma_start3A_116 = tpu.memref_slice %arg2[%dma_start3A_114, %dma_start3A_115] : memref<10000x128xf32, #tpu.memory_space<hbm>> -> memref<10000x128xf32, #tpu.memory_space<hbm>>
        tpu.enqueue_indirect_dma source(%dma_start3A_116 : memref<10000x128xf32, #tpu.memory_space<hbm>>) target(%arg10 : memref<128x128xf32, #tpu.memory_space<vmem>>) offsets(%dma_start3A_113 : memref<128xi32, #tpu.memory_space<vmem>>) semaphore(%arg13 : memref<!tpu.dma_semaphore, #tpu.memory_space<semaphore_mem>>)
      } else {
      }
    }
    %scan3A_14 = arith.constant 39 : i32
    %dma_wait3A = arith.constant 0 : i32
    %dma_wait3A_15 = arith.constant 0 : i32
    %dma_wait3A_16 = tpu.memref_slice %arg8[%dma_wait3A, %dma_wait3A_15] : memref<1x128xi32, #tpu.memory_space<vmem>> -> memref<1x128xi32, #tpu.memory_space<vmem>>
    %dma_wait3A_17 = tpu.memref_squeeze %dma_wait3A_16 : memref<1x128xi32, #tpu.memory_space<vmem>> -> memref<128xi32, #tpu.memory_space<vmem>>
    %dma_wait3A_18 = arith.constant 0 : i32
    %dma_wait3A_19 = arith.constant 0 : i32
    %dma_wait3A_20 = tpu.memref_slice %arg2[%dma_wait3A_18, %dma_wait3A_19] : memref<10000x128xf32, #tpu.memory_space<hbm>> -> memref<10000x128xf32, #tpu.memory_space<hbm>>
    tpu.wait_indirect_dma semaphore(%arg13 : memref<!tpu.dma_semaphore, #tpu.memory_space<semaphore_mem>>) src(%dma_wait3A_20 : memref<10000x128xf32, #tpu.memory_space<hbm>>) dst(%arg10 : memref<128x128xf32, #tpu.memory_space<vmem>>)
    %run_scoped3A_21 = arith.constant 78 : i32
    "tpu.region"() ({
      %run_scoped3A_34 = tpu.sem_alloc : memref<!tpu.dma_semaphore, #tpu.memory_space<semaphore_mem>>
      %dma_start3A_35 = arith.constant 0 : i32
      %dma_start3A_36 = tpu.memref_slice %arg7[%run_scoped3A_21, %dma_start3A_35] : memref<79x128xi32, #tpu.memory_space<vmem>> -> memref<1x128xi32, #tpu.memory_space<vmem>>
      %dma_start3A_37 = tpu.memref_squeeze %dma_start3A_36 : memref<1x128xi32, #tpu.memory_space<vmem>> -> memref<128xi32, #tpu.memory_space<vmem>>
      %dma_start3A_38 = arith.constant 0 : i32
      %dma_start3A_39 = arith.constant 0 : i32
      %dma_start3A_40 = tpu.memref_slice %arg12[%dma_start3A_38, %dma_start3A_39] : memref<10112x128xf32, #tpu.memory_space<vmem_shared>> -> memref<10112x128xf32, #tpu.memory_space<vmem_shared>>
      tpu.enqueue_indirect_dma source(%arg10 : memref<128x128xf32, #tpu.memory_space<vmem>>) target(%dma_start3A_40 : memref<10112x128xf32, #tpu.memory_space<vmem_shared>>) offsets(%dma_start3A_37 : memref<128xi32, #tpu.memory_space<vmem>>) semaphore(%run_scoped3A_34 : memref<!tpu.dma_semaphore, #tpu.memory_space<semaphore_mem>>) {add = true}
      %dma_wait3A_41 = arith.constant 0 : i32
      %dma_wait3A_42 = tpu.memref_slice %arg7[%run_scoped3A_21, %dma_wait3A_41] : memref<79x128xi32, #tpu.memory_space<vmem>> -> memref<1x128xi32, #tpu.memory_space<vmem>>
      %dma_wait3A_43 = tpu.memref_squeeze %dma_wait3A_42 : memref<1x128xi32, #tpu.memory_space<vmem>> -> memref<128xi32, #tpu.memory_space<vmem>>
      %dma_wait3A_44 = arith.constant 0 : i32
      %dma_wait3A_45 = arith.constant 0 : i32
      %dma_wait3A_46 = tpu.memref_slice %arg12[%dma_wait3A_44, %dma_wait3A_45] : memref<10112x128xf32, #tpu.memory_space<vmem_shared>> -> memref<10112x128xf32, #tpu.memory_space<vmem_shared>>
      tpu.wait_indirect_dma semaphore(%run_scoped3A_34 : memref<!tpu.dma_semaphore, #tpu.memory_space<semaphore_mem>>) src(%arg10 : memref<128x128xf32, #tpu.memory_space<vmem>>) dst(%dma_wait3A_46 : memref<10112x128xf32, #tpu.memory_space<vmem_shared>>)
      tpu.yield
    }) : () -> ()
    %dma_wait3A_22 = arith.constant 77 : i32
    %dma_wait3A_23 = arith.constant 0 : i32
    %dma_wait3A_24 = tpu.memref_slice %arg7[%dma_wait3A_22, %dma_wait3A_23] : memref<79x128xi32, #tpu.memory_space<vmem>> -> memref<1x128xi32, #tpu.memory_space<vmem>>
    %dma_wait3A_25 = tpu.memref_squeeze %dma_wait3A_24 : memref<1x128xi32, #tpu.memory_space<vmem>> -> memref<128xi32, #tpu.memory_space<vmem>>
    %dma_wait3A_26 = arith.constant 0 : i32
    %dma_wait3A_27 = arith.constant 0 : i32
    %dma_wait3A_28 = tpu.memref_slice %arg12[%dma_wait3A_26, %dma_wait3A_27] : memref<10112x128xf32, #tpu.memory_space<vmem_shared>> -> memref<10112x128xf32, #tpu.memory_space<vmem_shared>>
    tpu.wait_indirect_dma semaphore(%arg18 : memref<!tpu.dma_semaphore, #tpu.memory_space<semaphore_mem>>) src(%arg11 : memref<128x128xf32, #tpu.memory_space<vmem>>) dst(%dma_wait3A_28 : memref<10112x128xf32, #tpu.memory_space<vmem_shared>>)
    %barrier3A_29 = arith.constant 0 : index
    tpu.barrier barrier_id(%barrier3A_29)
    %mul3A_30 = arith.constant 632 : i32
    %mul3A_31 = arith.muli %arg1, %mul3A_30 : i32
    %mul3A_32 = arith.constant 632 : i32
    %mul3A_33 = arith.muli %arg1, %mul3A_32 : i32
    "tpu.region"() ({
      %run_scoped3A_34 = tpu.sem_alloc : memref<!tpu.dma_semaphore, #tpu.memory_space<semaphore_mem>>
      %dma_start3A_35 = arith.constant 0 : i32
      %dma_start3A_36 = tpu.memref_slice %arg6[%arg0, %mul3A_33, %dma_start3A_35] : memref<2x10112x128xf32, #tpu.memory_space<hbm>> -> memref<1x632x128xf32, #tpu.memory_space<hbm>>
      %dma_start3A_37 = tpu.memref_squeeze %dma_start3A_36 : memref<1x632x128xf32, #tpu.memory_space<hbm>> -> memref<632x128xf32, #tpu.memory_space<hbm>>
      %dma_start3A_38 = arith.constant 0 : i32
      %dma_start3A_39 = tpu.memref_slice %arg12[%mul3A_31, %dma_start3A_38] : memref<10112x128xf32, #tpu.memory_space<vmem_shared>> -> memref<632x128xf32, #tpu.memory_space<vmem_shared>>
      tpu.enqueue_dma source(%dma_start3A_39 : memref<632x128xf32, #tpu.memory_space<vmem_shared>>) target(%dma_start3A_37 : memref<632x128xf32, #tpu.memory_space<hbm>>) target_semaphore(%run_scoped3A_34 : memref<!tpu.dma_semaphore, #tpu.memory_space<semaphore_mem>>)
      %dma_wait3A_40 = arith.constant 0 : i32
      %dma_wait3A_41 = tpu.memref_slice %arg6[%arg0, %mul3A_33, %dma_wait3A_40] : memref<2x10112x128xf32, #tpu.memory_space<hbm>> -> memref<1x632x128xf32, #tpu.memory_space<hbm>>
      %dma_wait3A_42 = tpu.memref_squeeze %dma_wait3A_41 : memref<1x632x128xf32, #tpu.memory_space<hbm>> -> memref<632x128xf32, #tpu.memory_space<hbm>>
      %dma_wait3A_43 = arith.constant 0 : i32
      %dma_wait3A_44 = tpu.memref_slice %arg12[%mul3A_31, %dma_wait3A_43] : memref<10112x128xf32, #tpu.memory_space<vmem_shared>> -> memref<632x128xf32, #tpu.memory_space<vmem_shared>>
      tpu.wait_dma2 semaphore(%run_scoped3A_34 : memref<!tpu.dma_semaphore, #tpu.memory_space<semaphore_mem>>) src(%dma_wait3A_44 : memref<632x128xf32, #tpu.memory_space<vmem_shared>>) dst(%dma_wait3A_42 : memref<632x128xf32, #tpu.memory_space<hbm>>)
      tpu.yield
    }) : () -> ()
    return
  }
}

#map = affine_map<(d0, d1) -> (0, 0, 0, 0)>
#map1 = affine_map<(d0, d1) -> (0, 0, 0)>
#map2 = affine_map<(d0, d1) -> (0, 0)>
module attributes {stable_mosaic.version = 14 : i64} {
  func.func @body(%arg0: i32, %arg1: i32, %arg2: memref<32x79x128x128xf32, #tpu.memory_space<hbm>>, %arg3: memref<32x79x128xi32, #tpu.memory_space<hbm>>, %arg4: memref<632x128xf32, #tpu.memory_space<hbm>>, %arg5: memref<2x10112x128xf32, #tpu.memory_space<hbm>>, %arg6: memref<79x128xi32, #tpu.memory_space<vmem>>, %arg7: memref<128x128xf32, #tpu.memory_space<vmem>>, %arg8: memref<128x128xf32, #tpu.memory_space<vmem>>, %arg9: memref<10112x128xf32, #tpu.memory_space<vmem_shared>>, %arg10: memref<!tpu.dma_semaphore, #tpu.memory_space<semaphore_mem>>, %arg11: memref<!tpu.dma_semaphore, #tpu.memory_space<semaphore_mem>>) attributes {dimension_semantics = [#tpu.dimension_semantics<core_parallel>, #tpu.dimension_semantics<subcore_parallel>], iteration_bounds = array<i64: 2, 16>, scalar_prefetch = 0 : i64, scratch_operands = 6 : i64, tpu.core_type = #tpu.core_type<sc_vector_subcore>, window_params = [{transform_indices = #map}, {transform_indices = #map1}, {transform_indices = #map2}, {transform_indices = #map1}]} {
    %mul3A = arith.constant 2 : i32
    %mul3A_0 = arith.muli %arg1, %mul3A : i32
    %add3A = arith.addi %mul3A_0, %arg0 : i32
    "tpu.region"() ({
      %run_scoped3A_29 = tpu.sem_alloc : memref<!tpu.dma_semaphore, #tpu.memory_space<semaphore_mem>>
      %dma_start3A_30 = arith.constant 0 : i32
      %dma_start3A_31 = arith.constant 0 : i32
      %dma_start3A_32 = tpu.memref_slice %arg3[%add3A, %dma_start3A_30, %dma_start3A_31] : memref<32x79x128xi32, #tpu.memory_space<hbm>> -> memref<1x79x128xi32, #tpu.memory_space<hbm>>
      %dma_start3A_33 = tpu.memref_squeeze %dma_start3A_32 : memref<1x79x128xi32, #tpu.memory_space<hbm>> -> memref<79x128xi32, #tpu.memory_space<hbm>>
      %dma_start3A_34 = arith.constant 0 : i32
      %dma_start3A_35 = arith.constant 0 : i32
      %dma_start3A_36 = tpu.memref_slice %arg3[%add3A, %dma_start3A_34, %dma_start3A_35] : memref<32x79x128xi32, #tpu.memory_space<hbm>> -> memref<1x79x128xi32, #tpu.memory_space<hbm>>
      %dma_start3A_37 = tpu.memref_squeeze %dma_start3A_36 : memref<1x79x128xi32, #tpu.memory_space<hbm>> -> memref<79x128xi32, #tpu.memory_space<hbm>>
      tpu.enqueue_dma source(%dma_start3A_37 : memref<79x128xi32, #tpu.memory_space<hbm>>) target(%arg6 : memref<79x128xi32, #tpu.memory_space<vmem>>) target_semaphore(%run_scoped3A_29 : memref<!tpu.dma_semaphore, #tpu.memory_space<semaphore_mem>>)
      %dma_wait3A_38 = arith.constant 0 : i32
      %dma_wait3A_39 = arith.constant 0 : i32
      %dma_wait3A_40 = tpu.memref_slice %arg3[%add3A, %dma_wait3A_38, %dma_wait3A_39] : memref<32x79x128xi32, #tpu.memory_space<hbm>> -> memref<1x79x128xi32, #tpu.memory_space<hbm>>
      %dma_wait3A_41 = tpu.memref_squeeze %dma_wait3A_40 : memref<1x79x128xi32, #tpu.memory_space<hbm>> -> memref<79x128xi32, #tpu.memory_space<hbm>>
      %dma_wait3A_42 = arith.constant 0 : i32
      %dma_wait3A_43 = arith.constant 0 : i32
      %dma_wait3A_44 = tpu.memref_slice %arg3[%add3A, %dma_wait3A_42, %dma_wait3A_43] : memref<32x79x128xi32, #tpu.memory_space<hbm>> -> memref<1x79x128xi32, #tpu.memory_space<hbm>>
      %dma_wait3A_45 = tpu.memref_squeeze %dma_wait3A_44 : memref<1x79x128xi32, #tpu.memory_space<hbm>> -> memref<79x128xi32, #tpu.memory_space<hbm>>
      tpu.wait_dma2 semaphore(%run_scoped3A_29 : memref<!tpu.dma_semaphore, #tpu.memory_space<semaphore_mem>>) src(%dma_wait3A_45 : memref<79x128xi32, #tpu.memory_space<hbm>>) dst(%arg6 : memref<79x128xi32, #tpu.memory_space<vmem>>)
      tpu.yield
    }) : () -> ()
    %mul3A_1 = arith.constant 632 : i32
    %mul3A_2 = arith.muli %arg1, %mul3A_1 : i32
    "tpu.region"() ({
      %run_scoped3A_29 = tpu.sem_alloc : memref<!tpu.dma_semaphore, #tpu.memory_space<semaphore_mem>>
      %dma_start3A_30 = arith.constant 0 : i32
      %dma_start3A_31 = tpu.memref_slice %arg9[%mul3A_2, %dma_start3A_30] : memref<10112x128xf32, #tpu.memory_space<vmem_shared>> -> memref<632x128xf32, #tpu.memory_space<vmem_shared>>
      tpu.enqueue_dma source(%arg4 : memref<632x128xf32, #tpu.memory_space<hbm>>) target(%dma_start3A_31 : memref<632x128xf32, #tpu.memory_space<vmem_shared>>) target_semaphore(%run_scoped3A_29 : memref<!tpu.dma_semaphore, #tpu.memory_space<semaphore_mem>>)
      %dma_wait3A_32 = arith.constant 0 : i32
      %dma_wait3A_33 = tpu.memref_slice %arg9[%mul3A_2, %dma_wait3A_32] : memref<10112x128xf32, #tpu.memory_space<vmem_shared>> -> memref<632x128xf32, #tpu.memory_space<vmem_shared>>
      tpu.wait_dma2 semaphore(%run_scoped3A_29 : memref<!tpu.dma_semaphore, #tpu.memory_space<semaphore_mem>>) src(%arg4 : memref<632x128xf32, #tpu.memory_space<hbm>>) dst(%dma_wait3A_33 : memref<632x128xf32, #tpu.memory_space<vmem_shared>>)
      tpu.yield
    }) : () -> ()
    %barrier3A = arith.constant 0 : index
    tpu.barrier barrier_id(%barrier3A)
    %dma_start3A = arith.constant 0 : i32
    %dma_start3A_3 = arith.constant 0 : i32
    %dma_start3A_4 = arith.constant 0 : i32
    %dma_start3A_5 = tpu.memref_slice %arg2[%add3A, %dma_start3A, %dma_start3A_3, %dma_start3A_4] : memref<32x79x128x128xf32, #tpu.memory_space<hbm>> -> memref<1x1x128x128xf32, #tpu.memory_space<hbm>>
    %dma_start3A_6 = tpu.memref_squeeze %dma_start3A_5 : memref<1x1x128x128xf32, #tpu.memory_space<hbm>> -> memref<128x128xf32, #tpu.memory_space<hbm>>
    %dma_start3A_7 = arith.constant 0 : i32
    %dma_start3A_8 = arith.constant 0 : i32
    %dma_start3A_9 = tpu.memref_slice %arg2[%add3A, %dma_start3A, %dma_start3A_7, %dma_start3A_8] : memref<32x79x128x128xf32, #tpu.memory_space<hbm>> -> memref<1x1x128x128xf32, #tpu.memory_space<hbm>>
    %dma_start3A_10 = tpu.memref_squeeze %dma_start3A_9 : memref<1x1x128x128xf32, #tpu.memory_space<hbm>> -> memref<128x128xf32, #tpu.memory_space<hbm>>
    tpu.enqueue_dma source(%dma_start3A_10 : memref<128x128xf32, #tpu.memory_space<hbm>>) target(%arg7 : memref<128x128xf32, #tpu.memory_space<vmem>>) target_semaphore(%arg10 : memref<!tpu.dma_semaphore, #tpu.memory_space<semaphore_mem>>)
    %scan3A = arith.constant 0 : i32
    %scan3A_11 = arith.constant 0 : i32
    %scan3A_12 = arith.constant 39 : i32
    %scan3A_13 = arith.addi %scan3A_11, %scan3A_12 : i32
    %scan3A_14 = arith.constant 1 : i32
    scf.for %scan3A_29 = %scan3A_11 to %scan3A_13 step %scan3A_14  : i32 {
      %mul3A_30 = arith.constant 2 : i32
      %mul3A_31 = arith.muli %mul3A_30, %scan3A_29 : i32
      %add3A_32 = arith.constant 1 : i32
      %add3A_33 = arith.addi %mul3A_31, %add3A_32 : i32
      %dma_wait3A_34 = arith.constant 0 : i32
      %dma_wait3A_35 = arith.constant 0 : i32
      %dma_wait3A_36 = tpu.memref_slice %arg2[%add3A, %mul3A_31, %dma_wait3A_34, %dma_wait3A_35] : memref<32x79x128x128xf32, #tpu.memory_space<hbm>> -> memref<1x1x128x128xf32, #tpu.memory_space<hbm>>
      %dma_wait3A_37 = tpu.memref_squeeze %dma_wait3A_36 : memref<1x1x128x128xf32, #tpu.memory_space<hbm>> -> memref<128x128xf32, #tpu.memory_space<hbm>>
      %dma_wait3A_38 = arith.constant 0 : i32
      %dma_wait3A_39 = arith.constant 0 : i32
      %dma_wait3A_40 = tpu.memref_slice %arg2[%add3A, %mul3A_31, %dma_wait3A_38, %dma_wait3A_39] : memref<32x79x128x128xf32, #tpu.memory_space<hbm>> -> memref<1x1x128x128xf32, #tpu.memory_space<hbm>>
      %dma_wait3A_41 = tpu.memref_squeeze %dma_wait3A_40 : memref<1x1x128x128xf32, #tpu.memory_space<hbm>> -> memref<128x128xf32, #tpu.memory_space<hbm>>
      tpu.wait_dma2 semaphore(%arg10 : memref<!tpu.dma_semaphore, #tpu.memory_space<semaphore_mem>>) src(%dma_wait3A_41 : memref<128x128xf32, #tpu.memory_space<hbm>>) dst(%arg7 : memref<128x128xf32, #tpu.memory_space<vmem>>)
      %dma_start3A_42 = arith.constant 0 : i32
      %dma_start3A_43 = arith.constant 0 : i32
      %dma_start3A_44 = tpu.memref_slice %arg2[%add3A, %add3A_33, %dma_start3A_42, %dma_start3A_43] : memref<32x79x128x128xf32, #tpu.memory_space<hbm>> -> memref<1x1x128x128xf32, #tpu.memory_space<hbm>>
      %dma_start3A_45 = tpu.memref_squeeze %dma_start3A_44 : memref<1x1x128x128xf32, #tpu.memory_space<hbm>> -> memref<128x128xf32, #tpu.memory_space<hbm>>
      %dma_start3A_46 = arith.constant 0 : i32
      %dma_start3A_47 = arith.constant 0 : i32
      %dma_start3A_48 = tpu.memref_slice %arg2[%add3A, %add3A_33, %dma_start3A_46, %dma_start3A_47] : memref<32x79x128x128xf32, #tpu.memory_space<hbm>> -> memref<1x1x128x128xf32, #tpu.memory_space<hbm>>
      %dma_start3A_49 = tpu.memref_squeeze %dma_start3A_48 : memref<1x1x128x128xf32, #tpu.memory_space<hbm>> -> memref<128x128xf32, #tpu.memory_space<hbm>>
      tpu.enqueue_dma source(%dma_start3A_49 : memref<128x128xf32, #tpu.memory_space<hbm>>) target(%arg8 : memref<128x128xf32, #tpu.memory_space<vmem>>) target_semaphore(%arg11 : memref<!tpu.dma_semaphore, #tpu.memory_space<semaphore_mem>>)
      "tpu.region"() ({
        %run_scoped3A_62 = tpu.sem_alloc : memref<!tpu.dma_semaphore, #tpu.memory_space<semaphore_mem>>
        %dma_start3A_63 = arith.constant 0 : i32
        %dma_start3A_64 = tpu.memref_slice %arg6[%mul3A_31, %dma_start3A_63] : memref<79x128xi32, #tpu.memory_space<vmem>> -> memref<1x128xi32, #tpu.memory_space<vmem>>
        %dma_start3A_65 = tpu.memref_squeeze %dma_start3A_64 : memref<1x128xi32, #tpu.memory_space<vmem>> -> memref<128xi32, #tpu.memory_space<vmem>>
        %dma_start3A_66 = arith.constant 0 : i32
        %dma_start3A_67 = arith.constant 0 : i32
        %dma_start3A_68 = tpu.memref_slice %arg9[%dma_start3A_66, %dma_start3A_67] : memref<10112x128xf32, #tpu.memory_space<vmem_shared>> -> memref<10112x128xf32, #tpu.memory_space<vmem_shared>>
        tpu.enqueue_indirect_dma source(%arg7 : memref<128x128xf32, #tpu.memory_space<vmem>>) target(%dma_start3A_68 : memref<10112x128xf32, #tpu.memory_space<vmem_shared>>) offsets(%dma_start3A_65 : memref<128xi32, #tpu.memory_space<vmem>>) semaphore(%run_scoped3A_62 : memref<!tpu.dma_semaphore, #tpu.memory_space<semaphore_mem>>) {add = true}
        %dma_wait3A_69 = arith.constant 0 : i32
        %dma_wait3A_70 = tpu.memref_slice %arg6[%mul3A_31, %dma_wait3A_69] : memref<79x128xi32, #tpu.memory_space<vmem>> -> memref<1x128xi32, #tpu.memory_space<vmem>>
        %dma_wait3A_71 = tpu.memref_squeeze %dma_wait3A_70 : memref<1x128xi32, #tpu.memory_space<vmem>> -> memref<128xi32, #tpu.memory_space<vmem>>
        %dma_wait3A_72 = arith.constant 0 : i32
        %dma_wait3A_73 = arith.constant 0 : i32
        %dma_wait3A_74 = tpu.memref_slice %arg9[%dma_wait3A_72, %dma_wait3A_73] : memref<10112x128xf32, #tpu.memory_space<vmem_shared>> -> memref<10112x128xf32, #tpu.memory_space<vmem_shared>>
        tpu.wait_indirect_dma semaphore(%run_scoped3A_62 : memref<!tpu.dma_semaphore, #tpu.memory_space<semaphore_mem>>) src(%arg7 : memref<128x128xf32, #tpu.memory_space<vmem>>) dst(%dma_wait3A_74 : memref<10112x128xf32, #tpu.memory_space<vmem_shared>>)
        tpu.yield
      }) : () -> ()
      %dma_wait3A_50 = arith.constant 0 : i32
      %dma_wait3A_51 = arith.constant 0 : i32
      %dma_wait3A_52 = tpu.memref_slice %arg2[%add3A, %add3A_33, %dma_wait3A_50, %dma_wait3A_51] : memref<32x79x128x128xf32, #tpu.memory_space<hbm>> -> memref<1x1x128x128xf32, #tpu.memory_space<hbm>>
      %dma_wait3A_53 = tpu.memref_squeeze %dma_wait3A_52 : memref<1x1x128x128xf32, #tpu.memory_space<hbm>> -> memref<128x128xf32, #tpu.memory_space<hbm>>
      %dma_wait3A_54 = arith.constant 0 : i32
      %dma_wait3A_55 = arith.constant 0 : i32
      %dma_wait3A_56 = tpu.memref_slice %arg2[%add3A, %add3A_33, %dma_wait3A_54, %dma_wait3A_55] : memref<32x79x128x128xf32, #tpu.memory_space<hbm>> -> memref<1x1x128x128xf32, #tpu.memory_space<hbm>>
      %dma_wait3A_57 = tpu.memref_squeeze %dma_wait3A_56 : memref<1x1x128x128xf32, #tpu.memory_space<hbm>> -> memref<128x128xf32, #tpu.memory_space<hbm>>
      tpu.wait_dma2 semaphore(%arg11 : memref<!tpu.dma_semaphore, #tpu.memory_space<semaphore_mem>>) src(%dma_wait3A_57 : memref<128x128xf32, #tpu.memory_space<hbm>>) dst(%arg8 : memref<128x128xf32, #tpu.memory_space<vmem>>)
      %add3A_58 = arith.constant 2 : i32
      %add3A_59 = arith.addi %mul3A_31, %add3A_58 : i32
      %lt3A = arith.constant 79 : i32
      %lt3A_60 = arith.cmpi slt, %add3A_59, %lt3A : i32
      %convert_element_type3A = arith.extui %lt3A_60 : i1 to i32
      %cond3A = arith.constant 0 : i32
      %cond3A_61 = arith.cmpi ne, %convert_element_type3A, %cond3A : i32
      scf.if %cond3A_61 {
        %add3A_62 = arith.constant 2 : i32
        %add3A_63 = arith.addi %mul3A_31, %add3A_62 : i32
        %dma_start3A_64 = arith.constant 0 : i32
        %dma_start3A_65 = arith.constant 0 : i32
        %dma_start3A_66 = tpu.memref_slice %arg2[%add3A, %add3A_63, %dma_start3A_64, %dma_start3A_65] : memref<32x79x128x128xf32, #tpu.memory_space<hbm>> -> memref<1x1x128x128xf32, #tpu.memory_space<hbm>>
        %dma_start3A_67 = tpu.memref_squeeze %dma_start3A_66 : memref<1x1x128x128xf32, #tpu.memory_space<hbm>> -> memref<128x128xf32, #tpu.memory_space<hbm>>
        %dma_start3A_68 = arith.constant 0 : i32
        %dma_start3A_69 = arith.constant 0 : i32
        %dma_start3A_70 = tpu.memref_slice %arg2[%add3A, %add3A_63, %dma_start3A_68, %dma_start3A_69] : memref<32x79x128x128xf32, #tpu.memory_space<hbm>> -> memref<1x1x128x128xf32, #tpu.memory_space<hbm>>
        %dma_start3A_71 = tpu.memref_squeeze %dma_start3A_70 : memref<1x1x128x128xf32, #tpu.memory_space<hbm>> -> memref<128x128xf32, #tpu.memory_space<hbm>>
        tpu.enqueue_dma source(%dma_start3A_71 : memref<128x128xf32, #tpu.memory_space<hbm>>) target(%arg7 : memref<128x128xf32, #tpu.memory_space<vmem>>) target_semaphore(%arg10 : memref<!tpu.dma_semaphore, #tpu.memory_space<semaphore_mem>>)
      } else {
      }
      "tpu.region"() ({
        %run_scoped3A_62 = tpu.sem_alloc : memref<!tpu.dma_semaphore, #tpu.memory_space<semaphore_mem>>
        %dma_start3A_63 = arith.constant 0 : i32
        %dma_start3A_64 = tpu.memref_slice %arg6[%add3A_33, %dma_start3A_63] : memref<79x128xi32, #tpu.memory_space<vmem>> -> memref<1x128xi32, #tpu.memory_space<vmem>>
        %dma_start3A_65 = tpu.memref_squeeze %dma_start3A_64 : memref<1x128xi32, #tpu.memory_space<vmem>> -> memref<128xi32, #tpu.memory_space<vmem>>
        %dma_start3A_66 = arith.constant 0 : i32
        %dma_start3A_67 = arith.constant 0 : i32
        %dma_start3A_68 = tpu.memref_slice %arg9[%dma_start3A_66, %dma_start3A_67] : memref<10112x128xf32, #tpu.memory_space<vmem_shared>> -> memref<10112x128xf32, #tpu.memory_space<vmem_shared>>
        tpu.enqueue_indirect_dma source(%arg8 : memref<128x128xf32, #tpu.memory_space<vmem>>) target(%dma_start3A_68 : memref<10112x128xf32, #tpu.memory_space<vmem_shared>>) offsets(%dma_start3A_65 : memref<128xi32, #tpu.memory_space<vmem>>) semaphore(%run_scoped3A_62 : memref<!tpu.dma_semaphore, #tpu.memory_space<semaphore_mem>>) {add = true}
        %dma_wait3A_69 = arith.constant 0 : i32
        %dma_wait3A_70 = tpu.memref_slice %arg6[%add3A_33, %dma_wait3A_69] : memref<79x128xi32, #tpu.memory_space<vmem>> -> memref<1x128xi32, #tpu.memory_space<vmem>>
        %dma_wait3A_71 = tpu.memref_squeeze %dma_wait3A_70 : memref<1x128xi32, #tpu.memory_space<vmem>> -> memref<128xi32, #tpu.memory_space<vmem>>
        %dma_wait3A_72 = arith.constant 0 : i32
        %dma_wait3A_73 = arith.constant 0 : i32
        %dma_wait3A_74 = tpu.memref_slice %arg9[%dma_wait3A_72, %dma_wait3A_73] : memref<10112x128xf32, #tpu.memory_space<vmem_shared>> -> memref<10112x128xf32, #tpu.memory_space<vmem_shared>>
        tpu.wait_indirect_dma semaphore(%run_scoped3A_62 : memref<!tpu.dma_semaphore, #tpu.memory_space<semaphore_mem>>) src(%arg8 : memref<128x128xf32, #tpu.memory_space<vmem>>) dst(%dma_wait3A_74 : memref<10112x128xf32, #tpu.memory_space<vmem_shared>>)
        tpu.yield
      }) : () -> ()
    }
    %scan3A_15 = arith.constant 39 : i32
    %dma_wait3A = arith.constant 78 : i32
    %dma_wait3A_16 = arith.constant 0 : i32
    %dma_wait3A_17 = arith.constant 0 : i32
    %dma_wait3A_18 = tpu.memref_slice %arg2[%add3A, %dma_wait3A, %dma_wait3A_16, %dma_wait3A_17] : memref<32x79x128x128xf32, #tpu.memory_space<hbm>> -> memref<1x1x128x128xf32, #tpu.memory_space<hbm>>
    %dma_wait3A_19 = tpu.memref_squeeze %dma_wait3A_18 : memref<1x1x128x128xf32, #tpu.memory_space<hbm>> -> memref<128x128xf32, #tpu.memory_space<hbm>>
    %dma_wait3A_20 = arith.constant 0 : i32
    %dma_wait3A_21 = arith.constant 0 : i32
    %dma_wait3A_22 = tpu.memref_slice %arg2[%add3A, %dma_wait3A, %dma_wait3A_20, %dma_wait3A_21] : memref<32x79x128x128xf32, #tpu.memory_space<hbm>> -> memref<1x1x128x128xf32, #tpu.memory_space<hbm>>
    %dma_wait3A_23 = tpu.memref_squeeze %dma_wait3A_22 : memref<1x1x128x128xf32, #tpu.memory_space<hbm>> -> memref<128x128xf32, #tpu.memory_space<hbm>>
    tpu.wait_dma2 semaphore(%arg10 : memref<!tpu.dma_semaphore, #tpu.memory_space<semaphore_mem>>) src(%dma_wait3A_23 : memref<128x128xf32, #tpu.memory_space<hbm>>) dst(%arg7 : memref<128x128xf32, #tpu.memory_space<vmem>>)
    %run_scoped3A = arith.constant 78 : i32
    "tpu.region"() ({
      %run_scoped3A_29 = tpu.sem_alloc : memref<!tpu.dma_semaphore, #tpu.memory_space<semaphore_mem>>
      %dma_start3A_30 = arith.constant 0 : i32
      %dma_start3A_31 = tpu.memref_slice %arg6[%run_scoped3A, %dma_start3A_30] : memref<79x128xi32, #tpu.memory_space<vmem>> -> memref<1x128xi32, #tpu.memory_space<vmem>>
      %dma_start3A_32 = tpu.memref_squeeze %dma_start3A_31 : memref<1x128xi32, #tpu.memory_space<vmem>> -> memref<128xi32, #tpu.memory_space<vmem>>
      %dma_start3A_33 = arith.constant 0 : i32
      %dma_start3A_34 = arith.constant 0 : i32
      %dma_start3A_35 = tpu.memref_slice %arg9[%dma_start3A_33, %dma_start3A_34] : memref<10112x128xf32, #tpu.memory_space<vmem_shared>> -> memref<10112x128xf32, #tpu.memory_space<vmem_shared>>
      tpu.enqueue_indirect_dma source(%arg7 : memref<128x128xf32, #tpu.memory_space<vmem>>) target(%dma_start3A_35 : memref<10112x128xf32, #tpu.memory_space<vmem_shared>>) offsets(%dma_start3A_32 : memref<128xi32, #tpu.memory_space<vmem>>) semaphore(%run_scoped3A_29 : memref<!tpu.dma_semaphore, #tpu.memory_space<semaphore_mem>>) {add = true}
      %dma_wait3A_36 = arith.constant 0 : i32
      %dma_wait3A_37 = tpu.memref_slice %arg6[%run_scoped3A, %dma_wait3A_36] : memref<79x128xi32, #tpu.memory_space<vmem>> -> memref<1x128xi32, #tpu.memory_space<vmem>>
      %dma_wait3A_38 = tpu.memref_squeeze %dma_wait3A_37 : memref<1x128xi32, #tpu.memory_space<vmem>> -> memref<128xi32, #tpu.memory_space<vmem>>
      %dma_wait3A_39 = arith.constant 0 : i32
      %dma_wait3A_40 = arith.constant 0 : i32
      %dma_wait3A_41 = tpu.memref_slice %arg9[%dma_wait3A_39, %dma_wait3A_40] : memref<10112x128xf32, #tpu.memory_space<vmem_shared>> -> memref<10112x128xf32, #tpu.memory_space<vmem_shared>>
      tpu.wait_indirect_dma semaphore(%run_scoped3A_29 : memref<!tpu.dma_semaphore, #tpu.memory_space<semaphore_mem>>) src(%arg7 : memref<128x128xf32, #tpu.memory_space<vmem>>) dst(%dma_wait3A_41 : memref<10112x128xf32, #tpu.memory_space<vmem_shared>>)
      tpu.yield
    }) : () -> ()
    %barrier3A_24 = arith.constant 0 : index
    tpu.barrier barrier_id(%barrier3A_24)
    %mul3A_25 = arith.constant 632 : i32
    %mul3A_26 = arith.muli %arg1, %mul3A_25 : i32
    %mul3A_27 = arith.constant 632 : i32
    %mul3A_28 = arith.muli %arg1, %mul3A_27 : i32
    "tpu.region"() ({
      %run_scoped3A_29 = tpu.sem_alloc : memref<!tpu.dma_semaphore, #tpu.memory_space<semaphore_mem>>
      %dma_start3A_30 = arith.constant 0 : i32
      %dma_start3A_31 = tpu.memref_slice %arg5[%arg0, %mul3A_28, %dma_start3A_30] : memref<2x10112x128xf32, #tpu.memory_space<hbm>> -> memref<1x632x128xf32, #tpu.memory_space<hbm>>
      %dma_start3A_32 = tpu.memref_squeeze %dma_start3A_31 : memref<1x632x128xf32, #tpu.memory_space<hbm>> -> memref<632x128xf32, #tpu.memory_space<hbm>>
      %dma_start3A_33 = arith.constant 0 : i32
      %dma_start3A_34 = tpu.memref_slice %arg9[%mul3A_26, %dma_start3A_33] : memref<10112x128xf32, #tpu.memory_space<vmem_shared>> -> memref<632x128xf32, #tpu.memory_space<vmem_shared>>
      tpu.enqueue_dma source(%dma_start3A_34 : memref<632x128xf32, #tpu.memory_space<vmem_shared>>) target(%dma_start3A_32 : memref<632x128xf32, #tpu.memory_space<hbm>>) target_semaphore(%run_scoped3A_29 : memref<!tpu.dma_semaphore, #tpu.memory_space<semaphore_mem>>)
      %dma_wait3A_35 = arith.constant 0 : i32
      %dma_wait3A_36 = tpu.memref_slice %arg5[%arg0, %mul3A_28, %dma_wait3A_35] : memref<2x10112x128xf32, #tpu.memory_space<hbm>> -> memref<1x632x128xf32, #tpu.memory_space<hbm>>
      %dma_wait3A_37 = tpu.memref_squeeze %dma_wait3A_36 : memref<1x632x128xf32, #tpu.memory_space<hbm>> -> memref<632x128xf32, #tpu.memory_space<hbm>>
      %dma_wait3A_38 = arith.constant 0 : i32
      %dma_wait3A_39 = tpu.memref_slice %arg9[%mul3A_26, %dma_wait3A_38] : memref<10112x128xf32, #tpu.memory_space<vmem_shared>> -> memref<632x128xf32, #tpu.memory_space<vmem_shared>>
      tpu.wait_dma2 semaphore(%run_scoped3A_29 : memref<!tpu.dma_semaphore, #tpu.memory_space<semaphore_mem>>) src(%dma_wait3A_39 : memref<632x128xf32, #tpu.memory_space<vmem_shared>>) dst(%dma_wait3A_37 : memref<632x128xf32, #tpu.memory_space<hbm>>)
      tpu.yield
    }) : () -> ()
    return
  }
}

module attributes {stable_mosaic.version = 14 : i64} {
  func.func @body(%arg0: i32, %arg1: memref<80x128xf32, #tpu.memory_space<vmem>>, %arg2: memref<128x64xf32, #tpu.memory_space<vmem>>, %arg3: memref<80x128xf32, #tpu.memory_space<vmem>>) attributes {dimension_semantics = [#tpu.dimension_semantics<arbitrary>], iteration_bounds = array<i64: 125>, scalar_prefetch = 0 : i64, scratch_operands = 0 : i64, tpu.core_type = #tpu.core_type<tc>, window_params = [{transform_indices = @transform_0, window_bounds = array<i64: 80, 128>}, {pipeline_mode = #tpu.pipeline_mode<synchronous>, transform_indices = @transform_1, window_bounds = array<i64: 128, 64>}, {transform_indices = @transform_2, window_bounds = array<i64: 80, 128>}]} {
    %get3A = arith.constant 0 : index
    %get3A_0 = arith.constant 0 : index
    %get3A_1 = vector.load %arg1[%get3A, %get3A_0] : memref<80x128xf32, #tpu.memory_space<vmem>>, vector<80x128xf32>
    %get3A_2 = arith.constant 0 : index
    %get3A_3 = arith.constant 0 : index
    %get3A_4 = vector.load %arg2[%get3A_2, %get3A_3] : memref<128x64xf32, #tpu.memory_space<vmem>>, vector<128x64xf32>
    %dot_general3A = arith.constant dense<0.000000e+00> : vector<80x64xf32>
    %dot_general3A_5 = tpu.matmul %get3A_1, %get3A_4, %dot_general3A {dimension_numbers = #tpu.dot_dimension_numbers<[1], [0], [0], [1], [0, 0, 1, 1], [], []>, transpose_lhs_hint = false} : vector<80x128xf32>, vector<128x64xf32>, vector<80x64xf32> -> vector<80x64xf32>
    %broadcast_in_dim3A = arith.constant 0.000000e+00 : f32
    %broadcast_in_dim3A_6 = vector.broadcast %broadcast_in_dim3A : f32 to vector<80x64xf32>
    %concatenate3A = tpu.concatenate %dot_general3A_5, %broadcast_in_dim3A_6 in 1 : vector<80x64xf32>, vector<80x64xf32> -> vector<80x128xf32>
    %swap3A = arith.constant 0 : index
    %swap3A_7 = arith.constant 0 : index
    %swap3A_8 = vector.load %arg3[%swap3A, %swap3A_7] : memref<80x128xf32, #tpu.memory_space<vmem>>, vector<80x128xf32>
    tpu.vector_store %arg3[%swap3A, %swap3A_7], %concatenate3A {strides = array<i32>} : memref<80x128xf32, #tpu.memory_space<vmem>>, vector<80x128xf32>,
    return
  }
  func.func @transform_0(%arg0: i32) -> (i32, i32) {
    %c0_i32 = arith.constant 0 : i32
    %c0_i32_0 = arith.constant 0 : i32
    return %arg0, %c0_i32 : i32, i32
  }
  func.func @transform_1(%arg0: i32) -> (i32, i32) {
    %c0_i32 = arith.constant 0 : i32
    %c0_i32_0 = arith.constant 0 : i32
    %c0_i32_1 = arith.constant 0 : i32
    return %c0_i32, %c0_i32_0 : i32, i32
  }
  func.func @transform_2(%arg0: i32) -> (i32, i32) {
    %c0_i32 = arith.constant 0 : i32
    %c0_i32_0 = arith.constant 0 : i32
    return %arg0, %c0_i32 : i32, i32
  }
}

module attributes {stable_mosaic.version = 14 : i64} {
  func.func @body(%arg0: i32, %arg1: memref<2x80x128xf32, #tpu.memory_space<vmem>>, %arg2: memref<2x80x128xf32, #tpu.memory_space<vmem>>, %arg3: memref<80x128xf32, #tpu.memory_space<vmem>>, %arg4: memref<16x64xf32, #tpu.memory_space<vmem>>, %arg5: memref<128x64xf32, #tpu.memory_space<vmem>>, %arg6: memref<64x128xf32, #tpu.memory_space<vmem>>, %arg7: memref<1x64xf32, #tpu.memory_space<vmem>>, %arg8: memref<1x64xf32, #tpu.memory_space<vmem>>, %arg9: memref<1x64xf32, #tpu.memory_space<vmem>>, %arg10: memref<80x64xf32, #tpu.memory_space<vmem>>, %arg11: memref<80x128xf32, #tpu.memory_space<vmem>>) attributes {dimension_semantics = [#tpu.dimension_semantics<arbitrary>], iteration_bounds = array<i64: 125>, scalar_prefetch = 0 : i64, scratch_operands = 0 : i64, tpu.core_type = #tpu.core_type<tc>, window_params = [{transform_indices = @transform_0, window_bounds = array<i64: 2, 80, 128>}, {transform_indices = @transform_1, window_bounds = array<i64: 2, 80, 128>}, {transform_indices = @transform_2, window_bounds = array<i64: 80, 128>}, {pipeline_mode = #tpu.pipeline_mode<synchronous>, transform_indices = @transform_3, window_bounds = array<i64: 16, 64>}, {pipeline_mode = #tpu.pipeline_mode<synchronous>, transform_indices = @transform_4, window_bounds = array<i64: 128, 64>}, {pipeline_mode = #tpu.pipeline_mode<synchronous>, transform_indices = @transform_5, window_bounds = array<i64: 64, 128>}, {pipeline_mode = #tpu.pipeline_mode<synchronous>, transform_indices = @transform_6, window_bounds = array<i64: 1, 64>}, {pipeline_mode = #tpu.pipeline_mode<synchronous>, transform_indices = @transform_7, window_bounds = array<i64: 1, 64>}, {pipeline_mode = #tpu.pipeline_mode<synchronous>, transform_indices = @transform_8, window_bounds = array<i64: 1, 64>}, {transform_indices = @transform_9, window_bounds = array<i64: 80, 64>}, {transform_indices = @transform_10, window_bounds = array<i64: 80, 128>}]} {
    %get3A = arith.constant 0 : index
    %get3A_0 = arith.constant 0 : index
    %get3A_1 = arith.constant 0 : index
    %get3A_2 = vector.load %arg1[%get3A, %get3A_0, %get3A_1] : memref<2x80x128xf32, #tpu.memory_space<vmem>>, vector<1x80x128xf32>
    %get3A_3 = vector.shape_cast %get3A_2 : vector<1x80x128xf32> to vector<80x128xf32>
    %get3A_4 = arith.constant 1 : index
    %get3A_5 = arith.constant 0 : index
    %get3A_6 = arith.constant 0 : index
    %get3A_7 = vector.load %arg1[%get3A_4, %get3A_5, %get3A_6] : memref<2x80x128xf32, #tpu.memory_space<vmem>>, vector<1x80x128xf32>
    %get3A_8 = vector.shape_cast %get3A_7 : vector<1x80x128xf32> to vector<80x128xf32>
    %add3A = arith.addf %get3A_3, %get3A_8 : vector<80x128xf32>
    %slice3A = vector.extract_strided_slice %add3A {offsets = [0, 0], sizes = [80, 64], strides = [1, 1]} : vector<80x128xf32> to vector<80x64xf32>
    %get3A_9 = arith.constant 0 : index
    %get3A_10 = arith.constant 0 : index
    %get3A_11 = arith.constant 0 : index
    %get3A_12 = vector.load %arg2[%get3A_9, %get3A_10, %get3A_11] : memref<2x80x128xf32, #tpu.memory_space<vmem>>, vector<1x80x128xf32>
    %get3A_13 = vector.shape_cast %get3A_12 : vector<1x80x128xf32> to vector<80x128xf32>
    %get3A_14 = arith.constant 1 : index
    %get3A_15 = arith.constant 0 : index
    %get3A_16 = arith.constant 0 : index
    %get3A_17 = vector.load %arg2[%get3A_14, %get3A_15, %get3A_16] : memref<2x80x128xf32, #tpu.memory_space<vmem>>, vector<1x80x128xf32>
    %get3A_18 = vector.shape_cast %get3A_17 : vector<1x80x128xf32> to vector<80x128xf32>
    %add3A_19 = arith.addf %get3A_13, %get3A_18 : vector<80x128xf32>
    %get3A_20 = arith.constant 0 : index
    %get3A_21 = arith.constant 0 : index
    %get3A_22 = vector.load %arg3[%get3A_20, %get3A_21] : memref<80x128xf32, #tpu.memory_space<vmem>>, vector<80x128xf32>
    %get3A_23 = arith.constant 0 : index
    %get3A_24 = arith.constant 0 : index
    %get3A_25 = vector.load %arg5[%get3A_23, %get3A_24] : memref<128x64xf32, #tpu.memory_space<vmem>>, vector<128x64xf32>
    %dot_general3A = arith.constant dense<0.000000e+00> : vector<80x64xf32>
    %dot_general3A_26 = tpu.matmul %get3A_22, %get3A_25, %dot_general3A {dimension_numbers = #tpu.dot_dimension_numbers<[1], [0], [0], [1], [0, 0, 1, 1], [], []>, transpose_lhs_hint = false} : vector<80x128xf32>, vector<128x64xf32>, vector<80x64xf32> -> vector<80x64xf32>
    %add3A_27 = arith.addf %slice3A, %dot_general3A_26 : vector<80x64xf32>
    %slice3A_28 = vector.extract_strided_slice %add3A_19 {offsets = [0, 0], sizes = [80, 16], strides = [1, 1]} : vector<80x128xf32> to vector<80x16xf32>
    %get3A_29 = arith.constant 0 : index
    %get3A_30 = arith.constant 0 : index
    %get3A_31 = vector.load %arg4[%get3A_29, %get3A_30] : memref<16x64xf32, #tpu.memory_space<vmem>>, vector<16x64xf32>
    %dot_general3A_32 = arith.constant dense<0.000000e+00> : vector<80x64xf32>
    %dot_general3A_33 = tpu.matmul %slice3A_28, %get3A_31, %dot_general3A_32 {dimension_numbers = #tpu.dot_dimension_numbers<[1], [0], [0], [1], [0, 0, 1, 1], [], []>, transpose_lhs_hint = false} : vector<80x16xf32>, vector<16x64xf32>, vector<80x64xf32> -> vector<80x64xf32>
    %add3A_34 = arith.addf %add3A_27, %dot_general3A_33 : vector<80x64xf32>
    %slice3A_35 = vector.extract_strided_slice %add3A_19 {offsets = [0, 16], sizes = [80, 1], strides = [1, 1]} : vector<80x128xf32> to vector<80x1xf32>
    %get3A_36 = arith.constant 0 : index
    %get3A_37 = arith.constant 0 : index
    %get3A_38 = vector.load %arg7[%get3A_36, %get3A_37] : memref<1x64xf32, #tpu.memory_space<vmem>>, vector<1x64xf32>
    %get3A_39 = arith.constant 0 : index
    %get3A_40 = arith.constant 0 : index
    %get3A_41 = vector.load %arg8[%get3A_39, %get3A_40] : memref<1x64xf32, #tpu.memory_space<vmem>>, vector<1x64xf32>
    %add3A_42 = arith.addf %get3A_38, %get3A_41 : vector<1x64xf32>
    %mul3A = vector.broadcast %slice3A_35 : vector<80x1xf32> to vector<80x64xf32>
    %mul3A_43 = vector.broadcast %add3A_42 : vector<1x64xf32> to vector<80x64xf32>
    %mul3A_44 = arith.mulf %mul3A, %mul3A_43 : vector<80x64xf32>
    %add3A_45 = arith.addf %add3A_34, %mul3A_44 : vector<80x64xf32>
    %get3A_46 = arith.constant 0 : index
    %get3A_47 = arith.constant 0 : index
    %get3A_48 = vector.load %arg9[%get3A_46, %get3A_47] : memref<1x64xf32, #tpu.memory_space<vmem>>, vector<1x64xf32>
    %add3A_49 = vector.broadcast %get3A_48 : vector<1x64xf32> to vector<80x64xf32>
    %add3A_50 = arith.addf %add3A_45, %add3A_49 : vector<80x64xf32>
    %gt3A = arith.constant 0.000000e+00 : f32
    %gt3A_51 = vector.broadcast %gt3A : f32 to vector<80x64xf32>
    %gt3A_52 = arith.cmpf ogt, %add3A_50, %gt3A_51 : vector<80x64xf32>
    %exp3A = math.exp %add3A_50 : vector<80x64xf32>
    %sub3A = arith.constant 1.000000e+00 : f32
    %sub3A_53 = vector.broadcast %sub3A : f32 to vector<80x64xf32>
    %sub3A_54 = arith.subf %exp3A, %sub3A_53 : vector<80x64xf32>
    %select_n3A = arith.select %gt3A_52, %add3A_50, %sub3A_54 : vector<80x64xi1>, vector<80x64xf32>
    %swap3A = arith.constant 0 : index
    %swap3A_55 = arith.constant 0 : index
    %swap3A_56 = vector.load %arg10[%swap3A, %swap3A_55] : memref<80x64xf32, #tpu.memory_space<vmem>>, vector<80x64xf32>
    tpu.vector_store %arg10[%swap3A, %swap3A_55], %select_n3A {strides = array<i32>} : memref<80x64xf32, #tpu.memory_space<vmem>>, vector<80x64xf32>,
    %get3A_57 = arith.constant 0 : index
    %get3A_58 = arith.constant 0 : index
    %get3A_59 = vector.load %arg6[%get3A_57, %get3A_58] : memref<64x128xf32, #tpu.memory_space<vmem>>, vector<64x128xf32>
    %dot_general3A_60 = arith.constant dense<0.000000e+00> : vector<80x128xf32>
    %dot_general3A_61 = tpu.matmul %select_n3A, %get3A_59, %dot_general3A_60 {dimension_numbers = #tpu.dot_dimension_numbers<[1], [0], [0], [1], [0, 0, 1, 1], [], []>, transpose_lhs_hint = false} : vector<80x64xf32>, vector<64x128xf32>, vector<80x128xf32> -> vector<80x128xf32>
    %swap3A_62 = arith.constant 0 : index
    %swap3A_63 = arith.constant 0 : index
    %swap3A_64 = vector.load %arg11[%swap3A_62, %swap3A_63] : memref<80x128xf32, #tpu.memory_space<vmem>>, vector<80x128xf32>
    tpu.vector_store %arg11[%swap3A_62, %swap3A_63], %dot_general3A_61 {strides = array<i32>} : memref<80x128xf32, #tpu.memory_space<vmem>>, vector<80x128xf32>,
    return
  }
  func.func @transform_0(%arg0: i32) -> (i32, i32, i32) {
    %c0_i32 = arith.constant 0 : i32
    %c0_i32_0 = arith.constant 0 : i32
    %c0_i32_1 = arith.constant 0 : i32
    return %c0_i32, %arg0, %c0_i32_0 : i32, i32, i32
  }
  func.func @transform_1(%arg0: i32) -> (i32, i32, i32) {
    %c0_i32 = arith.constant 0 : i32
    %c0_i32_0 = arith.constant 0 : i32
    %c0_i32_1 = arith.constant 0 : i32
    return %c0_i32, %arg0, %c0_i32_0 : i32, i32, i32
  }
  func.func @transform_2(%arg0: i32) -> (i32, i32) {
    %c0_i32 = arith.constant 0 : i32
    %c0_i32_0 = arith.constant 0 : i32
    return %arg0, %c0_i32 : i32, i32
  }
  func.func @transform_3(%arg0: i32) -> (i32, i32) {
    %c0_i32 = arith.constant 0 : i32
    %c0_i32_0 = arith.constant 0 : i32
    %c0_i32_1 = arith.constant 0 : i32
    return %c0_i32, %c0_i32_0 : i32, i32
  }
  func.func @transform_4(%arg0: i32) -> (i32, i32) {
    %c0_i32 = arith.constant 0 : i32
    %c0_i32_0 = arith.constant 0 : i32
    %c0_i32_1 = arith.constant 0 : i32
    return %c0_i32, %c0_i32_0 : i32, i32
  }
  func.func @transform_5(%arg0: i32) -> (i32, i32) {
    %c0_i32 = arith.constant 0 : i32
    %c0_i32_0 = arith.constant 0 : i32
    %c0_i32_1 = arith.constant 0 : i32
    return %c0_i32, %c0_i32_0 : i32, i32
  }
  func.func @transform_6(%arg0: i32) -> (i32, i32) {
    %c0_i32 = arith.constant 0 : i32
    %c0_i32_0 = arith.constant 0 : i32
    %c0_i32_1 = arith.constant 0 : i32
    return %c0_i32, %c0_i32_0 : i32, i32
  }
  func.func @transform_7(%arg0: i32) -> (i32, i32) {
    %c0_i32 = arith.constant 0 : i32
    %c0_i32_0 = arith.constant 0 : i32
    %c0_i32_1 = arith.constant 0 : i32
    return %c0_i32, %c0_i32_0 : i32, i32
  }
  func.func @transform_8(%arg0: i32) -> (i32, i32) {
    %c0_i32 = arith.constant 0 : i32
    %c0_i32_0 = arith.constant 0 : i32
    %c0_i32_1 = arith.constant 0 : i32
    return %c0_i32, %c0_i32_0 : i32, i32
  }
  func.func @transform_9(%arg0: i32) -> (i32, i32) {
    %c0_i32 = arith.constant 0 : i32
    %c0_i32_0 = arith.constant 0 : i32
    return %arg0, %c0_i32 : i32, i32
  }
  func.func @transform_10(%arg0: i32) -> (i32, i32) {
    %c0_i32 = arith.constant 0 : i32
    %c0_i32_0 = arith.constant 0 : i32
    return %arg0, %c0_i32 : i32, i32
  }
}

module attributes {stable_mosaic.version = 14 : i64} {
  func.func @body(%arg0: i32, %arg1: memref<2x80x128xf32, #tpu.memory_space<vmem>>, %arg2: memref<2x80x128xf32, #tpu.memory_space<vmem>>, %arg3: memref<80x64xf32, #tpu.memory_space<vmem>>, %arg4: memref<16x128xf32, #tpu.memory_space<vmem>>, %arg5: memref<64x128xf32, #tpu.memory_space<vmem>>, %arg6: memref<128x64xf32, #tpu.memory_space<vmem>>, %arg7: memref<1x128xf32, #tpu.memory_space<vmem>>, %arg8: memref<1x128xf32, #tpu.memory_space<vmem>>, %arg9: memref<1x128xf32, #tpu.memory_space<vmem>>, %arg10: memref<80x128xf32, #tpu.memory_space<vmem>>, %arg11: memref<80x128xf32, #tpu.memory_space<vmem>>) attributes {dimension_semantics = [#tpu.dimension_semantics<arbitrary>], iteration_bounds = array<i64: 125>, scalar_prefetch = 0 : i64, scratch_operands = 0 : i64, tpu.core_type = #tpu.core_type<tc>, window_params = [{transform_indices = @transform_0, window_bounds = array<i64: 2, 80, 128>}, {transform_indices = @transform_1, window_bounds = array<i64: 2, 80, 128>}, {transform_indices = @transform_2, window_bounds = array<i64: 80, 64>}, {pipeline_mode = #tpu.pipeline_mode<synchronous>, transform_indices = @transform_3, window_bounds = array<i64: 16, 128>}, {pipeline_mode = #tpu.pipeline_mode<synchronous>, transform_indices = @transform_4, window_bounds = array<i64: 64, 128>}, {pipeline_mode = #tpu.pipeline_mode<synchronous>, transform_indices = @transform_5, window_bounds = array<i64: 128, 64>}, {pipeline_mode = #tpu.pipeline_mode<synchronous>, transform_indices = @transform_6, window_bounds = array<i64: 1, 128>}, {pipeline_mode = #tpu.pipeline_mode<synchronous>, transform_indices = @transform_7, window_bounds = array<i64: 1, 128>}, {pipeline_mode = #tpu.pipeline_mode<synchronous>, transform_indices = @transform_8, window_bounds = array<i64: 1, 128>}, {transform_indices = @transform_9, window_bounds = array<i64: 80, 128>}, {transform_indices = @transform_10, window_bounds = array<i64: 80, 128>}]} {
    %get3A = arith.constant 0 : index
    %get3A_0 = arith.constant 0 : index
    %get3A_1 = arith.constant 0 : index
    %get3A_2 = vector.load %arg1[%get3A, %get3A_0, %get3A_1] : memref<2x80x128xf32, #tpu.memory_space<vmem>>, vector<1x80x128xf32>
    %get3A_3 = vector.shape_cast %get3A_2 : vector<1x80x128xf32> to vector<80x128xf32>
    %get3A_4 = arith.constant 1 : index
    %get3A_5 = arith.constant 0 : index
    %get3A_6 = arith.constant 0 : index
    %get3A_7 = vector.load %arg1[%get3A_4, %get3A_5, %get3A_6] : memref<2x80x128xf32, #tpu.memory_space<vmem>>, vector<1x80x128xf32>
    %get3A_8 = vector.shape_cast %get3A_7 : vector<1x80x128xf32> to vector<80x128xf32>
    %add3A = arith.addf %get3A_3, %get3A_8 : vector<80x128xf32>
    %get3A_9 = arith.constant 0 : index
    %get3A_10 = arith.constant 0 : index
    %get3A_11 = arith.constant 0 : index
    %get3A_12 = vector.load %arg2[%get3A_9, %get3A_10, %get3A_11] : memref<2x80x128xf32, #tpu.memory_space<vmem>>, vector<1x80x128xf32>
    %get3A_13 = vector.shape_cast %get3A_12 : vector<1x80x128xf32> to vector<80x128xf32>
    %get3A_14 = arith.constant 1 : index
    %get3A_15 = arith.constant 0 : index
    %get3A_16 = arith.constant 0 : index
    %get3A_17 = vector.load %arg2[%get3A_14, %get3A_15, %get3A_16] : memref<2x80x128xf32, #tpu.memory_space<vmem>>, vector<1x80x128xf32>
    %get3A_18 = vector.shape_cast %get3A_17 : vector<1x80x128xf32> to vector<80x128xf32>
    %add3A_19 = arith.addf %get3A_13, %get3A_18 : vector<80x128xf32>
    %get3A_20 = arith.constant 0 : index
    %get3A_21 = arith.constant 0 : index
    %get3A_22 = vector.load %arg3[%get3A_20, %get3A_21] : memref<80x64xf32, #tpu.memory_space<vmem>>, vector<80x64xf32>
    %get3A_23 = arith.constant 0 : index
    %get3A_24 = arith.constant 0 : index
    %get3A_25 = vector.load %arg5[%get3A_23, %get3A_24] : memref<64x128xf32, #tpu.memory_space<vmem>>, vector<64x128xf32>
    %dot_general3A = arith.constant dense<0.000000e+00> : vector<80x128xf32>
    %dot_general3A_26 = tpu.matmul %get3A_22, %get3A_25, %dot_general3A {dimension_numbers = #tpu.dot_dimension_numbers<[1], [0], [0], [1], [0, 0, 1, 1], [], []>, transpose_lhs_hint = false} : vector<80x64xf32>, vector<64x128xf32>, vector<80x128xf32> -> vector<80x128xf32>
    %add3A_27 = arith.addf %add3A, %dot_general3A_26 : vector<80x128xf32>
    %slice3A = vector.extract_strided_slice %add3A_19 {offsets = [0, 0], sizes = [80, 16], strides = [1, 1]} : vector<80x128xf32> to vector<80x16xf32>
    %get3A_28 = arith.constant 0 : index
    %get3A_29 = arith.constant 0 : index
    %get3A_30 = vector.load %arg4[%get3A_28, %get3A_29] : memref<16x128xf32, #tpu.memory_space<vmem>>, vector<16x128xf32>
    %dot_general3A_31 = arith.constant dense<0.000000e+00> : vector<80x128xf32>
    %dot_general3A_32 = tpu.matmul %slice3A, %get3A_30, %dot_general3A_31 {dimension_numbers = #tpu.dot_dimension_numbers<[1], [0], [0], [1], [0, 0, 1, 1], [], []>, transpose_lhs_hint = false} : vector<80x16xf32>, vector<16x128xf32>, vector<80x128xf32> -> vector<80x128xf32>
    %add3A_33 = arith.addf %add3A_27, %dot_general3A_32 : vector<80x128xf32>
    %slice3A_34 = vector.extract_strided_slice %add3A_19 {offsets = [0, 16], sizes = [80, 1], strides = [1, 1]} : vector<80x128xf32> to vector<80x1xf32>
    %get3A_35 = arith.constant 0 : index
    %get3A_36 = arith.constant 0 : index
    %get3A_37 = vector.load %arg7[%get3A_35, %get3A_36] : memref<1x128xf32, #tpu.memory_space<vmem>>, vector<1x128xf32>
    %get3A_38 = arith.constant 0 : index
    %get3A_39 = arith.constant 0 : index
    %get3A_40 = vector.load %arg8[%get3A_38, %get3A_39] : memref<1x128xf32, #tpu.memory_space<vmem>>, vector<1x128xf32>
    %add3A_41 = arith.addf %get3A_37, %get3A_40 : vector<1x128xf32>
    %mul3A = vector.broadcast %slice3A_34 : vector<80x1xf32> to vector<80x128xf32>
    %mul3A_42 = vector.broadcast %add3A_41 : vector<1x128xf32> to vector<80x128xf32>
    %mul3A_43 = arith.mulf %mul3A, %mul3A_42 : vector<80x128xf32>
    %add3A_44 = arith.addf %add3A_33, %mul3A_43 : vector<80x128xf32>
    %get3A_45 = arith.constant 0 : index
    %get3A_46 = arith.constant 0 : index
    %get3A_47 = vector.load %arg9[%get3A_45, %get3A_46] : memref<1x128xf32, #tpu.memory_space<vmem>>, vector<1x128xf32>
    %add3A_48 = vector.broadcast %get3A_47 : vector<1x128xf32> to vector<80x128xf32>
    %add3A_49 = arith.addf %add3A_44, %add3A_48 : vector<80x128xf32>
    %gt3A = arith.constant 0.000000e+00 : f32
    %gt3A_50 = vector.broadcast %gt3A : f32 to vector<80x128xf32>
    %gt3A_51 = arith.cmpf ogt, %add3A_49, %gt3A_50 : vector<80x128xf32>
    %exp3A = math.exp %add3A_49 : vector<80x128xf32>
    %sub3A = arith.constant 1.000000e+00 : f32
    %sub3A_52 = vector.broadcast %sub3A : f32 to vector<80x128xf32>
    %sub3A_53 = arith.subf %exp3A, %sub3A_52 : vector<80x128xf32>
    %select_n3A = arith.select %gt3A_51, %add3A_49, %sub3A_53 : vector<80x128xi1>, vector<80x128xf32>
    %swap3A = arith.constant 0 : index
    %swap3A_54 = arith.constant 0 : index
    %swap3A_55 = vector.load %arg10[%swap3A, %swap3A_54] : memref<80x128xf32, #tpu.memory_space<vmem>>, vector<80x128xf32>
    tpu.vector_store %arg10[%swap3A, %swap3A_54], %select_n3A {strides = array<i32>} : memref<80x128xf32, #tpu.memory_space<vmem>>, vector<80x128xf32>,
    %get3A_56 = arith.constant 0 : index
    %get3A_57 = arith.constant 0 : index
    %get3A_58 = vector.load %arg6[%get3A_56, %get3A_57] : memref<128x64xf32, #tpu.memory_space<vmem>>, vector<128x64xf32>
    %dot_general3A_59 = arith.constant dense<0.000000e+00> : vector<80x64xf32>
    %dot_general3A_60 = tpu.matmul %select_n3A, %get3A_58, %dot_general3A_59 {dimension_numbers = #tpu.dot_dimension_numbers<[1], [0], [0], [1], [0, 0, 1, 1], [], []>, transpose_lhs_hint = false} : vector<80x128xf32>, vector<128x64xf32>, vector<80x64xf32> -> vector<80x64xf32>
    %broadcast_in_dim3A = arith.constant 0.000000e+00 : f32
    %broadcast_in_dim3A_61 = vector.broadcast %broadcast_in_dim3A : f32 to vector<80x64xf32>
    %concatenate3A = tpu.concatenate %dot_general3A_60, %broadcast_in_dim3A_61 in 1 : vector<80x64xf32>, vector<80x64xf32> -> vector<80x128xf32>
    %swap3A_62 = arith.constant 0 : index
    %swap3A_63 = arith.constant 0 : index
    %swap3A_64 = vector.load %arg11[%swap3A_62, %swap3A_63] : memref<80x128xf32, #tpu.memory_space<vmem>>, vector<80x128xf32>
    tpu.vector_store %arg11[%swap3A_62, %swap3A_63], %concatenate3A {strides = array<i32>} : memref<80x128xf32, #tpu.memory_space<vmem>>, vector<80x128xf32>,
    return
  }
  func.func @transform_0(%arg0: i32) -> (i32, i32, i32) {
    %c0_i32 = arith.constant 0 : i32
    %c0_i32_0 = arith.constant 0 : i32
    %c0_i32_1 = arith.constant 0 : i32
    return %c0_i32, %arg0, %c0_i32_0 : i32, i32, i32
  }
  func.func @transform_1(%arg0: i32) -> (i32, i32, i32) {
    %c0_i32 = arith.constant 0 : i32
    %c0_i32_0 = arith.constant 0 : i32
    %c0_i32_1 = arith.constant 0 : i32
    return %c0_i32, %arg0, %c0_i32_0 : i32, i32, i32
  }
  func.func @transform_2(%arg0: i32) -> (i32, i32) {
    %c0_i32 = arith.constant 0 : i32
    %c0_i32_0 = arith.constant 0 : i32
    return %arg0, %c0_i32 : i32, i32
  }
  func.func @transform_3(%arg0: i32) -> (i32, i32) {
    %c0_i32 = arith.constant 0 : i32
    %c0_i32_0 = arith.constant 0 : i32
    %c0_i32_1 = arith.constant 0 : i32
    return %c0_i32, %c0_i32_0 : i32, i32
  }
  func.func @transform_4(%arg0: i32) -> (i32, i32) {
    %c0_i32 = arith.constant 0 : i32
    %c0_i32_0 = arith.constant 0 : i32
    %c0_i32_1 = arith.constant 0 : i32
    return %c0_i32, %c0_i32_0 : i32, i32
  }
  func.func @transform_5(%arg0: i32) -> (i32, i32) {
    %c0_i32 = arith.constant 0 : i32
    %c0_i32_0 = arith.constant 0 : i32
    %c0_i32_1 = arith.constant 0 : i32
    return %c0_i32, %c0_i32_0 : i32, i32
  }
  func.func @transform_6(%arg0: i32) -> (i32, i32) {
    %c0_i32 = arith.constant 0 : i32
    %c0_i32_0 = arith.constant 0 : i32
    %c0_i32_1 = arith.constant 0 : i32
    return %c0_i32, %c0_i32_0 : i32, i32
  }
  func.func @transform_7(%arg0: i32) -> (i32, i32) {
    %c0_i32 = arith.constant 0 : i32
    %c0_i32_0 = arith.constant 0 : i32
    %c0_i32_1 = arith.constant 0 : i32
    return %c0_i32, %c0_i32_0 : i32, i32
  }
  func.func @transform_8(%arg0: i32) -> (i32, i32) {
    %c0_i32 = arith.constant 0 : i32
    %c0_i32_0 = arith.constant 0 : i32
    %c0_i32_1 = arith.constant 0 : i32
    return %c0_i32, %c0_i32_0 : i32, i32
  }
  func.func @transform_9(%arg0: i32) -> (i32, i32) {
    %c0_i32 = arith.constant 0 : i32
    %c0_i32_0 = arith.constant 0 : i32
    return %arg0, %c0_i32 : i32, i32
  }
  func.func @transform_10(%arg0: i32) -> (i32, i32) {
    %c0_i32 = arith.constant 0 : i32
    %c0_i32_0 = arith.constant 0 : i32
    return %arg0, %c0_i32 : i32, i32
  }
}

module attributes {stable_mosaic.version = 14 : i64} {
  func.func @body(%arg0: i32, %arg1: memref<2x80x128xf32, #tpu.memory_space<vmem>>, %arg2: memref<2x80x128xf32, #tpu.memory_space<vmem>>, %arg3: memref<80x128xf32, #tpu.memory_space<vmem>>, %arg4: memref<16x64xf32, #tpu.memory_space<vmem>>, %arg5: memref<128x64xf32, #tpu.memory_space<vmem>>, %arg6: memref<1x64xf32, #tpu.memory_space<vmem>>, %arg7: memref<1x64xf32, #tpu.memory_space<vmem>>, %arg8: memref<1x64xf32, #tpu.memory_space<vmem>>, %arg9: memref<1x1x80xi32, #tpu.memory_space<vmem>>, %arg10: memref<16x64xf32, #tpu.memory_space<vmem>>, %arg11: memref<16x64xf32, #tpu.memory_space<vmem>>, %arg12: memref<16x64xf32, #tpu.memory_space<vmem>>) attributes {dimension_semantics = [#tpu.dimension_semantics<arbitrary>], iteration_bounds = array<i64: 125>, scalar_prefetch = 0 : i64, scratch_operands = 2 : i64, tpu.core_type = #tpu.core_type<tc>, window_params = [{transform_indices = @transform_0, window_bounds = array<i64: 2, 80, 128>}, {transform_indices = @transform_1, window_bounds = array<i64: 2, 80, 128>}, {transform_indices = @transform_2, window_bounds = array<i64: 80, 128>}, {pipeline_mode = #tpu.pipeline_mode<synchronous>, transform_indices = @transform_3, window_bounds = array<i64: 16, 64>}, {pipeline_mode = #tpu.pipeline_mode<synchronous>, transform_indices = @transform_4, window_bounds = array<i64: 128, 64>}, {pipeline_mode = #tpu.pipeline_mode<synchronous>, transform_indices = @transform_5, window_bounds = array<i64: 1, 64>}, {pipeline_mode = #tpu.pipeline_mode<synchronous>, transform_indices = @transform_6, window_bounds = array<i64: 1, 64>}, {pipeline_mode = #tpu.pipeline_mode<synchronous>, transform_indices = @transform_7, window_bounds = array<i64: 1, 64>}, {transform_indices = @transform_8, window_bounds = array<i64: 1, 1, 80>}, {pipeline_mode = #tpu.pipeline_mode<synchronous>, transform_indices = @transform_9, window_bounds = array<i64: 16, 64>}]} {
    %get3A = arith.constant 0 : index
    %get3A_0 = arith.constant 0 : index
    %get3A_1 = arith.constant 0 : index
    %get3A_2 = vector.load %arg1[%get3A, %get3A_0, %get3A_1] : memref<2x80x128xf32, #tpu.memory_space<vmem>>, vector<1x80x128xf32>
    %get3A_3 = vector.shape_cast %get3A_2 : vector<1x80x128xf32> to vector<80x128xf32>
    %get3A_4 = arith.constant 1 : index
    %get3A_5 = arith.constant 0 : index
    %get3A_6 = arith.constant 0 : index
    %get3A_7 = vector.load %arg1[%get3A_4, %get3A_5, %get3A_6] : memref<2x80x128xf32, #tpu.memory_space<vmem>>, vector<1x80x128xf32>
    %get3A_8 = vector.shape_cast %get3A_7 : vector<1x80x128xf32> to vector<80x128xf32>
    %add3A = arith.addf %get3A_3, %get3A_8 : vector<80x128xf32>
    %slice3A = vector.extract_strided_slice %add3A {offsets = [0, 0], sizes = [80, 64], strides = [1, 1]} : vector<80x128xf32> to vector<80x64xf32>
    %get3A_9 = arith.constant 0 : index
    %get3A_10 = arith.constant 0 : index
    %get3A_11 = arith.constant 0 : index
    %get3A_12 = vector.load %arg2[%get3A_9, %get3A_10, %get3A_11] : memref<2x80x128xf32, #tpu.memory_space<vmem>>, vector<1x80x128xf32>
    %get3A_13 = vector.shape_cast %get3A_12 : vector<1x80x128xf32> to vector<80x128xf32>
    %get3A_14 = arith.constant 1 : index
    %get3A_15 = arith.constant 0 : index
    %get3A_16 = arith.constant 0 : index
    %get3A_17 = vector.load %arg2[%get3A_14, %get3A_15, %get3A_16] : memref<2x80x128xf32, #tpu.memory_space<vmem>>, vector<1x80x128xf32>
    %get3A_18 = vector.shape_cast %get3A_17 : vector<1x80x128xf32> to vector<80x128xf32>
    %add3A_19 = arith.addf %get3A_13, %get3A_18 : vector<80x128xf32>
    %get3A_20 = arith.constant 0 : index
    %get3A_21 = arith.constant 0 : index
    %get3A_22 = vector.load %arg3[%get3A_20, %get3A_21] : memref<80x128xf32, #tpu.memory_space<vmem>>, vector<80x128xf32>
    %get3A_23 = arith.constant 0 : index
    %get3A_24 = arith.constant 0 : index
    %get3A_25 = vector.load %arg5[%get3A_23, %get3A_24] : memref<128x64xf32, #tpu.memory_space<vmem>>, vector<128x64xf32>
    %dot_general3A = arith.constant dense<0.000000e+00> : vector<80x64xf32>
    %dot_general3A_26 = tpu.matmul %get3A_22, %get3A_25, %dot_general3A {dimension_numbers = #tpu.dot_dimension_numbers<[1], [0], [0], [1], [0, 0, 1, 1], [], []>, transpose_lhs_hint = false} : vector<80x128xf32>, vector<128x64xf32>, vector<80x64xf32> -> vector<80x64xf32>
    %add3A_27 = arith.addf %slice3A, %dot_general3A_26 : vector<80x64xf32>
    %slice3A_28 = vector.extract_strided_slice %add3A_19 {offsets = [0, 0], sizes = [80, 16], strides = [1, 1]} : vector<80x128xf32> to vector<80x16xf32>
    %get3A_29 = arith.constant 0 : index
    %get3A_30 = arith.constant 0 : index
    %get3A_31 = vector.load %arg4[%get3A_29, %get3A_30] : memref<16x64xf32, #tpu.memory_space<vmem>>, vector<16x64xf32>
    %dot_general3A_32 = arith.constant dense<0.000000e+00> : vector<80x64xf32>
    %dot_general3A_33 = tpu.matmul %slice3A_28, %get3A_31, %dot_general3A_32 {dimension_numbers = #tpu.dot_dimension_numbers<[1], [0], [0], [1], [0, 0, 1, 1], [], []>, transpose_lhs_hint = false} : vector<80x16xf32>, vector<16x64xf32>, vector<80x64xf32> -> vector<80x64xf32>
    %add3A_34 = arith.addf %add3A_27, %dot_general3A_33 : vector<80x64xf32>
    %slice3A_35 = vector.extract_strided_slice %add3A_19 {offsets = [0, 16], sizes = [80, 1], strides = [1, 1]} : vector<80x128xf32> to vector<80x1xf32>
    %get3A_36 = arith.constant 0 : index
    %get3A_37 = arith.constant 0 : index
    %get3A_38 = vector.load %arg6[%get3A_36, %get3A_37] : memref<1x64xf32, #tpu.memory_space<vmem>>, vector<1x64xf32>
    %get3A_39 = arith.constant 0 : index
    %get3A_40 = arith.constant 0 : index
    %get3A_41 = vector.load %arg7[%get3A_39, %get3A_40] : memref<1x64xf32, #tpu.memory_space<vmem>>, vector<1x64xf32>
    %add3A_42 = arith.addf %get3A_38, %get3A_41 : vector<1x64xf32>
    %mul3A = vector.broadcast %slice3A_35 : vector<80x1xf32> to vector<80x64xf32>
    %mul3A_43 = vector.broadcast %add3A_42 : vector<1x64xf32> to vector<80x64xf32>
    %mul3A_44 = arith.mulf %mul3A, %mul3A_43 : vector<80x64xf32>
    %add3A_45 = arith.addf %add3A_34, %mul3A_44 : vector<80x64xf32>
    %get3A_46 = arith.constant 0 : index
    %get3A_47 = arith.constant 0 : index
    %get3A_48 = vector.load %arg8[%get3A_46, %get3A_47] : memref<1x64xf32, #tpu.memory_space<vmem>>, vector<1x64xf32>
    %add3A_49 = vector.broadcast %get3A_48 : vector<1x64xf32> to vector<80x64xf32>
    %add3A_50 = arith.addf %add3A_45, %add3A_49 : vector<80x64xf32>
    %gt3A = arith.constant 0.000000e+00 : f32
    %gt3A_51 = vector.broadcast %gt3A : f32 to vector<80x64xf32>
    %gt3A_52 = arith.cmpf ogt, %add3A_50, %gt3A_51 : vector<80x64xf32>
    %exp3A = math.exp %add3A_50 : vector<80x64xf32>
    %sub3A = arith.constant 1.000000e+00 : f32
    %sub3A_53 = vector.broadcast %sub3A : f32 to vector<80x64xf32>
    %sub3A_54 = arith.subf %exp3A, %sub3A_53 : vector<80x64xf32>
    %select_n3A = arith.select %gt3A_52, %add3A_50, %sub3A_54 : vector<80x64xi1>, vector<80x64xf32>
    %iota3A = tpu.iota {dimensions = array<i32: 0>} : vector<16x80xi32>
    %get3A_55 = arith.constant 0 : index
    %get3A_56 = arith.constant 0 : index
    %get3A_57 = arith.constant 0 : index
    %get3A_58 = vector.load %arg9[%get3A_55, %get3A_56, %get3A_57] : memref<1x1x80xi32, #tpu.memory_space<vmem>>, vector<1x1x80xi32>
    %reshape3A = vector.shape_cast %get3A_58 : vector<1x1x80xi32> to vector<1x80xi32>
    %eq3A = vector.broadcast %reshape3A : vector<1x80xi32> to vector<16x80xi32>
    %eq3A_59 = arith.cmpi eq, %iota3A, %eq3A : vector<16x80xi32>
    %convert_element_type3A = arith.extui %eq3A_59 : vector<16x80xi1> to vector<16x80xi32>
    %convert_element_type3A_60 = arith.sitofp %convert_element_type3A : vector<16x80xi32> to vector<16x80xf32>
    %eq3A_61 = arith.constant 0 : i32
    %eq3A_62 = arith.cmpi eq, %arg0, %eq3A_61 : i32
    %convert_element_type3A_63 = arith.extui %eq3A_62 : i1 to i32
    %cond3A = arith.constant 0 : i32
    %cond3A_64 = arith.cmpi ne, %convert_element_type3A_63, %cond3A : i32
    scf.if %cond3A_64 {
      %broadcast_in_dim3A_88 = arith.constant 0.000000e+00 : f32
      %broadcast_in_dim3A_89 = vector.broadcast %broadcast_in_dim3A_88 : f32 to vector<16x64xf32>
      %swap3A_90 = arith.constant 0 : index
      %swap3A_91 = arith.constant 0 : index
      %swap3A_92 = vector.load %arg11[%swap3A_90, %swap3A_91] : memref<16x64xf32, #tpu.memory_space<vmem>>, vector<16x64xf32>
      tpu.vector_store %arg11[%swap3A_90, %swap3A_91], %broadcast_in_dim3A_89 {strides = array<i32>} : memref<16x64xf32, #tpu.memory_space<vmem>>, vector<16x64xf32>,
      %broadcast_in_dim3A_93 = arith.constant 0.000000e+00 : f32
      %broadcast_in_dim3A_94 = vector.broadcast %broadcast_in_dim3A_93 : f32 to vector<16x64xf32>
      %swap3A_95 = arith.constant 0 : index
      %swap3A_96 = arith.constant 0 : index
      %swap3A_97 = vector.load %arg12[%swap3A_95, %swap3A_96] : memref<16x64xf32, #tpu.memory_space<vmem>>, vector<16x64xf32>
      tpu.vector_store %arg12[%swap3A_95, %swap3A_96], %broadcast_in_dim3A_94 {strides = array<i32>} : memref<16x64xf32, #tpu.memory_space<vmem>>, vector<16x64xf32>,
    } else {
    }
    %get3A_65 = arith.constant 0 : index
    %get3A_66 = arith.constant 0 : index
    %get3A_67 = vector.load %arg11[%get3A_65, %get3A_66] : memref<16x64xf32, #tpu.memory_space<vmem>>, vector<16x64xf32>
    %dot_general3A_68 = arith.constant dense<0.000000e+00> : vector<16x64xf32>
    %dot_general3A_69 = tpu.matmul %convert_element_type3A_60, %select_n3A, %dot_general3A_68 {dimension_numbers = #tpu.dot_dimension_numbers<[1], [0], [0], [1], [0, 0, 1, 1], [], []>, transpose_lhs_hint = false} : vector<16x80xf32>, vector<80x64xf32>, vector<16x64xf32> -> vector<16x64xf32>
    %add3A_70 = arith.addf %get3A_67, %dot_general3A_69 : vector<16x64xf32>
    %swap3A = arith.constant 0 : index
    %swap3A_71 = arith.constant 0 : index
    %swap3A_72 = vector.load %arg11[%swap3A, %swap3A_71] : memref<16x64xf32, #tpu.memory_space<vmem>>, vector<16x64xf32>
    tpu.vector_store %arg11[%swap3A, %swap3A_71], %add3A_70 {strides = array<i32>} : memref<16x64xf32, #tpu.memory_space<vmem>>, vector<16x64xf32>,
    %get3A_73 = arith.constant 0 : index
    %get3A_74 = arith.constant 0 : index
    %get3A_75 = vector.load %arg12[%get3A_73, %get3A_74] : memref<16x64xf32, #tpu.memory_space<vmem>>, vector<16x64xf32>
    %broadcast_in_dim3A = arith.constant 1.000000e+00 : f32
    %broadcast_in_dim3A_76 = vector.broadcast %broadcast_in_dim3A : f32 to vector<80x64xf32>
    %dot_general3A_77 = arith.constant dense<0.000000e+00> : vector<16x64xf32>
    %dot_general3A_78 = tpu.matmul %convert_element_type3A_60, %broadcast_in_dim3A_76, %dot_general3A_77 {dimension_numbers = #tpu.dot_dimension_numbers<[1], [0], [0], [1], [0, 0, 1, 1], [], []>, transpose_lhs_hint = false} : vector<16x80xf32>, vector<80x64xf32>, vector<16x64xf32> -> vector<16x64xf32>
    %add3A_79 = arith.addf %get3A_75, %dot_general3A_78 : vector<16x64xf32>
    %swap3A_80 = arith.constant 0 : index
    %swap3A_81 = arith.constant 0 : index
    %swap3A_82 = vector.load %arg12[%swap3A_80, %swap3A_81] : memref<16x64xf32, #tpu.memory_space<vmem>>, vector<16x64xf32>
    tpu.vector_store %arg12[%swap3A_80, %swap3A_81], %add3A_79 {strides = array<i32>} : memref<16x64xf32, #tpu.memory_space<vmem>>, vector<16x64xf32>,
    %eq3A_83 = arith.constant 124 : i32
    %eq3A_84 = arith.cmpi eq, %arg0, %eq3A_83 : i32
    %convert_element_type3A_85 = arith.extui %eq3A_84 : i1 to i32
    %cond3A_86 = arith.constant 0 : i32
    %cond3A_87 = arith.cmpi ne, %convert_element_type3A_85, %cond3A_86 : i32
    scf.if %cond3A_87 {
      %get3A_88 = arith.constant 0 : index
      %get3A_89 = arith.constant 0 : index
      %get3A_90 = vector.load %arg11[%get3A_88, %get3A_89] : memref<16x64xf32, #tpu.memory_space<vmem>>, vector<16x64xf32>
      %get3A_91 = arith.constant 0 : index
      %get3A_92 = arith.constant 0 : index
      %get3A_93 = vector.load %arg12[%get3A_91, %get3A_92] : memref<16x64xf32, #tpu.memory_space<vmem>>, vector<16x64xf32>
      %max3A = arith.constant 1.000000e+00 : f32
      %max3A_94 = vector.broadcast %max3A : f32 to vector<16x64xf32>
      %max3A_95 = arith.maximumf %get3A_93, %max3A_94 : vector<16x64xf32>
      %div3A = arith.divf %get3A_90, %max3A_95 : vector<16x64xf32>
      %swap3A_96 = arith.constant 0 : index
      %swap3A_97 = arith.constant 0 : index
      %swap3A_98 = vector.load %arg10[%swap3A_96, %swap3A_97] : memref<16x64xf32, #tpu.memory_space<vmem>>, vector<16x64xf32>
      tpu.vector_store %arg10[%swap3A_96, %swap3A_97], %div3A {strides = array<i32>} : memref<16x64xf32, #tpu.memory_space<vmem>>, vector<16x64xf32>,
    } else {
    }
    return
  }
  func.func @transform_0(%arg0: i32) -> (i32, i32, i32) {
    %c0_i32 = arith.constant 0 : i32
    %c0_i32_0 = arith.constant 0 : i32
    %c0_i32_1 = arith.constant 0 : i32
    return %c0_i32, %arg0, %c0_i32_0 : i32, i32, i32
  }
  func.func @transform_1(%arg0: i32) -> (i32, i32, i32) {
    %c0_i32 = arith.constant 0 : i32
    %c0_i32_0 = arith.constant 0 : i32
    %c0_i32_1 = arith.constant 0 : i32
    return %c0_i32, %arg0, %c0_i32_0 : i32, i32, i32
  }
  func.func @transform_2(%arg0: i32) -> (i32, i32) {
    %c0_i32 = arith.constant 0 : i32
    %c0_i32_0 = arith.constant 0 : i32
    return %arg0, %c0_i32 : i32, i32
  }
  func.func @transform_3(%arg0: i32) -> (i32, i32) {
    %c0_i32 = arith.constant 0 : i32
    %c0_i32_0 = arith.constant 0 : i32
    %c0_i32_1 = arith.constant 0 : i32
    return %c0_i32, %c0_i32_0 : i32, i32
  }
  func.func @transform_4(%arg0: i32) -> (i32, i32) {
    %c0_i32 = arith.constant 0 : i32
    %c0_i32_0 = arith.constant 0 : i32
    %c0_i32_1 = arith.constant 0 : i32
    return %c0_i32, %c0_i32_0 : i32, i32
  }
  func.func @transform_5(%arg0: i32) -> (i32, i32) {
    %c0_i32 = arith.constant 0 : i32
    %c0_i32_0 = arith.constant 0 : i32
    %c0_i32_1 = arith.constant 0 : i32
    return %c0_i32, %c0_i32_0 : i32, i32
  }
  func.func @transform_6(%arg0: i32) -> (i32, i32) {
    %c0_i32 = arith.constant 0 : i32
    %c0_i32_0 = arith.constant 0 : i32
    %c0_i32_1 = arith.constant 0 : i32
    return %c0_i32, %c0_i32_0 : i32, i32
  }
  func.func @transform_7(%arg0: i32) -> (i32, i32) {
    %c0_i32 = arith.constant 0 : i32
    %c0_i32_0 = arith.constant 0 : i32
    %c0_i32_1 = arith.constant 0 : i32
    return %c0_i32, %c0_i32_0 : i32, i32
  }
  func.func @transform_8(%arg0: i32) -> (i32, i32, i32) {
    %c0_i32 = arith.constant 0 : i32
    %c0_i32_0 = arith.constant 0 : i32
    %c0_i32_1 = arith.constant 0 : i32
    return %arg0, %c0_i32, %c0_i32_0 : i32, i32, i32
  }
  func.func @transform_9(%arg0: i32) -> (i32, i32) {
    %c0_i32 = arith.constant 0 : i32
    %c0_i32_0 = arith.constant 0 : i32
    %c0_i32_1 = arith.constant 0 : i32
    return %c0_i32, %c0_i32_0 : i32, i32
  }
}

</mosaic_0001>

<sc_bundles>
// kernel: kernel.10.cloned.1.call-start
scs
__scs_entry_jumppad:
0x0: {  	(pc) =	sbr.rel $0x88, $3  }
0x1: {  	(tag) =	ssettag $0x0;
	lr =	simm.s32 $0x1  }
0x2: {  	[smem:$0x3F8B] =	sst lr;
	_ =	strace $0xD0000000  }
0x3: {  	_ = 	snop  }
0x4: {  	_ = 	snop  }
0x5: {  	_ = 	snop  }
0x6: {  	_ = 	snop  }
0x7: {  	_ = 	snop  }
__scs_overlays_trampoline_lowered:
0x8: {  	[smem:$0x3F9A] =	sst s0  }
0x9: {  	[smem:$0x3F9B] =	sst s1  }
0xa: {  	[smem:$0x3F9C] =	sst s2  }
0xb: {  	[smem:$0x3F9D] =	sst s3  }
0xc: {  	[smem:$0x3F9E] =	sst s4  }
0xd: {  	[smem:$0x3F9F] =	sst s5  }
0xe: {  	[smem:$0x3FA0] =	sst s6  }
0xf: {  	[smem:$0x3FA1] =	sst s7  }
0x10: {  	[smem:$0x3FA2] =	sst s8  }
0x11: {  	[smem:$0x3FA3] =	sst s9;
	s0 =	simm.s32 @!p0 $0x0  }
0x12: {  	s1 =	sld [smem:$0x3F89];
	s0 =	simm.s32 @p0 $0x1  }
0x13: {  	[smem:$0x3FA4] =	sst s0;
	s0 =	simm.s32 @!p1 $0x0  }
0x14: {  	s2 =	sld [smem:$0x3F88];
	s0 =	simm.s32 @p1 $0x1  }
0x15: {  	[smem:$0x3FA5] =	sst s0;
	s0 =	simm.s32 @!p2 $0x0  }
0x16: {  	s3 =	sld [smem:$0x3FDB];
	s0 =	simm.s32 @p2 $0x1  }
0x17: {  	s4 =	simm.s32 $0x1BF5;
	[smem:$0x3FA7] =	sst s0  }
0x18: {  	s0 =	sld [smem:$0x3F8A];
	_ =	swait.ge [sflag:s4], $0x0  }
0x19: {  	s7 =	sld [smem:$0x3F8B]  }
0x1a: {  	s8 =	sadd.s32 $0xFFFFE003, lr  }
0x1b: {  	s9 =	sadd.s32 $0xFFFFFEF7, lr;
	s5 =	simm.s32 $0xFFFFFFFF;
	p2 =	slt.u32 s8, $0xFFFFF086  }
0x1c: {  	p1 =	slt.u32 s9, $0xF7A;
	s5 =	simm.s32 @!p2 $0x0  }
0x1d: {  	s5 =	simm.s32 @p1 $0x1;
	p0 =	seq.s32 s7, s2  }
0x1e: {  	s7 =	smul.u32 @!p0 $0xF7A, s2;
	p2 =	seq.s32 @!p0 s5, $0x0  }
0x1f: {  	s9 =	smul.u32 $0xF7A, s1;
	s8 =	simm.s32 @!p0 $0x1BF5;
	p2 =	por !p2, p0  }
0x20: {  	[sflag:s8] =	ssyncset.s32 @!p0 $0xFFFFF086;
	s6 =	sadd.s32 @!p0 s3, s7;
	s7 =	simm.s32 @!p0 $0x108  }
0x21: {  	s3 =	sadd.s32 s3, s9;
	s6 =	sadd.s32 @!p0 $0x88, s6;
	s7 =	simm.s32 @p2 $0x1082  }
0x22: {  	[simem:s7], [sflag:s8] =	dma.local @!p0 [hbm:s6], $0xF7A  }
0x23: {  	s9 =	sor.u32 $0xD0000000, s2;
	s6 =	simm.s32 $0x108;
	_ =	swait.ge @!p0 [sflag:s8], $0x0  }
0x24: {  	s3 =	sadd.s32 $0x88, s3;
	s6 =	simm.s32 @!p1 $0x1082;
	[sflag:s4] =	ssyncset.s32 $0xFFFFF086  }
0x25: {  	[simem:s6], [sflag:s4] =	dma.local [hbm:s3], $0xF7A  }
0x26: {  	[smem:$0x3F8B] =	sst s1;
	(tag) =	ssettag s2;
	_ =	strace s9  }
0x27: {  	s1 =	sld [smem:$0x3F9B]  }
0x28: {  	s2 =	sld [smem:$0x3F9C]  }
0x29: {  	s4 =	sld [smem:$0x3F9E]  }
0x2a: {  	p0 =	seq.s32 s5, $0x0;
	s5 =	sld [smem:$0x3F9F]  }
0x2b: {  	s6 =	sld [smem:$0x3FA0]  }
0x2c: {  	s7 =	sld [smem:$0x3FA1]  }
0x2d: {  	s3 =	simm.s32 $0x108;
	s8 =	sld [smem:$0x3FA2]  }
0x2e: {  	s3 =	simm.s32 @!p0 $0x1082;
	s9 =	sld [smem:$0x3FA3]  }
0x2f: {  	lr =	sadd.s32 s0, s3;
	s0 =	sld [smem:$0x3F9A]  }
0x30: {  	s3 =	sld [smem:$0x3F9D]  }
0x31: {  	[smem:$0x3FA6] =	sst s10  }
0x32: {  	s10 =	sld [smem:$0x3FA4];
	_ =	sdelay $0x3  }
0x33: {  	p0 =	seq.s32 s10, $0x1;
	s10 =	sld [smem:$0x3FA6];
	_ =	sdelay $0x3  }
0x34: {  	[smem:$0x3FA6] =	sst s10  }
0x35: {  	s10 =	sld [smem:$0x3FA5];
	_ =	sdelay $0x3  }
0x36: {  	p1 =	seq.s32 s10, $0x1;
	s10 =	sld [smem:$0x3FA6];
	_ =	sdelay $0x3  }
0x37: {  	[smem:$0x3FA6] =	sst s10  }
0x38: {  	s10 =	sld [smem:$0x3FA7]  }
0x39: {  	_ = 	snop;
	(pc) =	sbr.ind lr, $3  }
0x3a: {  	_ = 	snop  }
0x3b: {  	_ = 	snop  }
0x3c: {  	p2 =	seq.s32 s10, $0x1;
	s10 =	sld [smem:$0x3FA6]  }
0x3d: {  	_ =	shalt  }
0x3e: {  	_ =	shalt  }
0x3f: {  	_ =	shalt  }
0x40: {  	_ =	shalt  }
0x41: {  	_ =	shalt  }
0x42: {  	_ =	shalt  }
0x43: {  	_ =	shalt  }
0x44: {  	_ =	shalt  }
0x45: {  	_ =	shalt  }
0x46: {  	_ =	shalt  }
0x47: {  	_ =	shalt  }
0x48: {  	_ =	shalt  }
0x49: {  	_ =	shalt  }
0x4a: {  	_ =	shalt  }
0x4b: {  	_ =	shalt  }
0x4c: {  	_ =	shalt  }
0x4d: {  	_ =	shalt  }
0x4e: {  	_ =	shalt  }
0x4f: {  	_ =	shalt  }
0x50: {  	_ =	shalt  }
0x51: {  	_ =	shalt  }
0x52: {  	_ =	shalt  }
0x53: {  	_ =	shalt  }
0x54: {  	_ =	shalt  }
0x55: {  	_ =	shalt  }
0x56: {  	_ =	shalt  }
0x57: {  	_ =	shalt  }
0x58: {  	_ =	shalt  }
0x59: {  	_ =	shalt  }
0x5a: {  	_ =	shalt  }
0x5b: {  	_ =	shalt  }
0x5c: {  	_ =	shalt  }
0x5d: {  	_ =	shalt  }
0x5e: {  	_ =	shalt  }
0x5f: {  	_ =	shalt  }
0x60: {  	_ =	shalt  }
0x61: {  	_ =	shalt  }
0x62: {  	_ =	shalt  }
0x63: {  	_ =	shalt  }
0x64: {  	_ =	shalt  }
0x65: {  	_ =	shalt  }
0x66: {  	_ =	shalt  }
0x67: {  	_ =	shalt  }
0x68: {  	_ =	shalt  }
0x69: {  	_ =	shalt  }
0x6a: {  	_ =	shalt  }
0x6b: {  	_ =	shalt  }
0x6c: {  	_ =	shalt  }
0x6d: {  	_ =	shalt  }
0x6e: {  	_ =	shalt  }
0x6f: {  	_ =	shalt  }
0x70: {  	_ =	shalt  }
0x71: {  	_ =	shalt  }
0x72: {  	_ =	shalt  }
0x73: {  	_ =	shalt  }
0x74: {  	_ =	shalt  }
0x75: {  	_ =	shalt  }
0x76: {  	_ =	shalt  }
0x77: {  	_ =	shalt  }
0x78: {  	_ =	shalt  }
0x79: {  	_ =	shalt  }
0x7a: {  	_ =	shalt  }
0x7b: {  	_ =	shalt  }
0x7c: {  	_ =	shalt  }
0x7d: {  	_ =	shalt  }
0x7e: {  	_ =	shalt  }
0x7f: {  	_ =	shalt  }
0x80: {  	_ =	shalt  }
0x81: {  	_ =	shalt  }
0x82: {  	_ =	shalt  }
0x83: {  	_ =	shalt  }
0x84: {  	_ =	shalt  }
0x85: {  	_ =	shalt  }
0x86: {  	_ =	shalt  }
0x87: {  	_ =	shalt  }
.Lfunc_end0:
.L_simem_size_0:
called_computation_lowered:
.L_overlay_start_0:
0x88: {  	s2 =	sld [smem:$0x3FD9]  }
0x89: {  	s3 =	sld [smem:$0x3FFE];
	_ =	sdelay $0x1  }
0x8a: {  	s1 =	srdreg.scid  }
0x8b: {  	s0 =	sand.u32 $0x1, s1  }
0x8c: {  	s17 =	sshll.u32 s0, $0xA;
	s2 =	sadd.s32 s3, s2  }
0x8d: {  	s2 =	sadd.s32 s2, s17  }
0x8e: {  	[smem:$0x3FB2] =	sst s2  }
0x8f: {  	_ = 	snop  }
0x90: {  	(tm) =	ssettm $0x1  }
0x91: {  	s18 =	sld [smem:$0x3FFB];
	_ =	sdelay $0x3  }
0x92: {  	_ =	strace s18  }
0x93: {  	s2 =	sld [smem:$0x3FFC];
	_ =	sdelay $0x3  }
0x94: {  	_ =	strace s2  }
0x95: {  	s2 =	sld [smem:$0x3FFD];
	_ =	sdelay $0x3  }
0x96: {  	_ =	strace s2  }
0x97: {  	_ =	strace $0x8FFFFFFF  }
0x98: {  	s19 =	sld [smem:$0x3FDB];
	_ =	sdelay $0x1  }
0x99: {  	s20 =	simm.s32 $_scs_section_size  }
0x9a: {  	s4 =	simm.s32 $_size__tile_overlayer_lowered;
	s5 =	simm.s32 $_tile_overlayer_lowered  }
0x9b: {  	s6 =	simm.s32 $0x1BFF;
	s21 =	sshll.u32 s5, $0x1;
	s3 =	sadd.s32 s20, s19  }
0x9c: {  	s22 =	simm.s32 $0x0;
	s4 =	sshll.u32 s4, $0x1;
	s5 =	sadd.s32 s21, s3  }
0x9d: {  	[timem:s22], [sflag:s6] =	dma.local [hbm:s5], s4  }
0x9e: {  	_ =	swait.ge [sflag:s6], s4  }
0x9f: {  	s4 =	ssub.s32 $0x0, s4;
	[sflag:s6] =	ssyncset.done $0x0  }
0xa0: {  	[sflag:s6] =	ssyncadd.s32 s4;
	_ =	sdelay $0x1  }
0xa1: {  	s23 =	simm.s32 $0x1B8B  }
0xa2: {  	_ =	swait.ge [sflag:s23], $0x1  }
0xa3: {  	[sflag:s23] =	ssyncset.done $0x0  }
0xa4: {  	[sflag:s23] =	ssyncadd.s32 $0xFFFFFFFF  }
0xa5: {  	s4 =	sld [smem:$0x0]  }
0xa6: {  	s5 =	sand.u32 $0xFFFFFFFE, s1  }
0xa7: {  	p0 =	sne.s32 s1, s5  }
0xa8: {  	s5 =	sshll.u32 @p0 s5, $0xE  }
0xa9: {  	s5 =	sadd.s32 @p0 $0x11B8D, s5;
	s6 =	sshll.u32 @p0 s4, $0x11  }
0xaa: {  	s5 =	sor.u32 @p0 s6, s5  }
0xab: {  	[sflag:s5] =	ssyncadd.remote.s32 @p0 $0x1;
	_ =	sdelay $0x1  }
0xac: {  	s5 =	simm.s32 @p0 $0x1B8D  }
0xad: {  	_ =	swait.eq @p0 [sflag:s5], $0x1  }
0xae: {  	[sflag:s5] =	ssyncadd.s32 @p0 $0xFFFFFFFF  }
0xaf: {  	s6 =	sshll.u32 @!p0 s1, $0xE  }
0xb0: {  	s6 =	sor.u32 @!p0 $0x4000, s6;
	s5 =	simm.s32 @!p0 $0x1B8D  }
0xb1: {  	s4 =	sshll.u32 @!p0 s4, $0x11;
	s6 =	sadd.s32 @!p0 $0x11B8D, s6;
	_ =	swait.eq @!p0 [sflag:s5], $0x1  }
0xb2: {  	s4 =	sor.u32 @!p0 s4, s6;
	[sflag:s5] =	ssyncadd.s32 @!p0 $0xFFFFFFFF  }
0xb3: {  	s25 =	simm.s32 $0x1B8E;
	s24 =	sld [smem:$0x3FFE];
	[sflag:s4] =	ssyncadd.remote.s32 @!p0 $0x1  }
0xb4: {  	s26 =	simm.s32 $execute0_lowered;
	[smem:$0x3FD2] =	sst s25  }
0xb5: {  	s5 =	sshll.u32 s26, $0x1;
	_ =	strace $0x80000049;
	[dreg:$0x1] =	wrdreg $0xFFFFFFFF  }
0xb6: {  	s28 =	simm.s32 $_size_execute0_lowered;
	s3 =	sadd.s32 s3, s5;
	[dreg:$0x0] =	wrdreg $0x0  }
0xb7: {  	s5 =	sshll.u32 s28, $0x1;
	[dreg:$0x2] =	wrdreg s3  }
0xb8: {  	[dreg:$0x3] =	wrdreg s5  }
0xb9: {  	[dreg:$0x4] =	wrdreg $0xC0  }
0xba: {  	_ =	task [dreg:s22], $0x5FFFF  }
0xbb: {  	[dreg:$0x1] =	wrdreg $0xFFFFFFFF  }
0xbc: {  	[dreg:$0x0] =	wrdreg $0x60  }
0xbd: {  	[dreg:$0x2] =	wrdreg s24  }
0xbe: {  	[dreg:$0x3] =	wrdreg $0xA8000  }
0xbf: {  	[dreg:$0x4] =	wrdreg $0x9  }
0xc0: {  	_ =	task.clear_ibuf [dreg:s22], $0x5FFFF;
	_ =	strace $0x90000049  }
0xc1: {  	s29 =	simm.s32 $0x9;
	_ =	strace $0x8000004B  }
0xc2: {  	_ =	swait.ge [sflag:s29], $0x1  }
0xc3: {  	[sflag:s29] =	ssyncadd.s32 $0xFFFFFFFF  }
0xc4: {  	_ =	strace $0x9000004B  }
0xc5: {  	_ =	sfence  }
0xc6: {  	s30 =	sld [smem:$0x0];
	_ =	sdelay $0x2  }
0xc7: {  	s31 =	sshll.u32 s1, $0xD;
	s1 =	sshrl.u32 s1, $0x2  }
0xc8: {  	s4 =	sand.u32 $0x4000, s31;
	s1 =	sadd.s32 s1, s30  }
0xc9: {  	s0 =	sor.u32 s4, s0;
	s1 =	sshll.u32 s1, $0x11  }
0xca: {  	s0 =	sor.u32 s1, s0  }
0xcb: {  	s0 =	sadd.s32 $0x8F2B, s0  }
0xcc: {  	[sflag:s0] =	ssyncadd.remote.s32 $0x1  }
0xcd: {  	_ =	sfence.sel $0xFFFF  }
0xce: {  	[dreg:$0x0] =	wrdreg $0xFFFFFFFF;
	(pc) =	sbr.abs _section_cstart, $3  }
0xcf: {  	[dreg:$0x1] =	wrdreg $0xFFFFFFFF  }
0xd0: {  	_ =	task.clear_ibuf [dreg:s22], $0x2FFFF;
	_ =	strace $0x9FFFFFFF  }
0xd1: {  	(tm) =	ssettm $0x7FFFFFFF  }
tec
execute0_lowered:
.L_overlay_start_1:
0x0: {  	(tag) =	ssettag $0x1  }
0x1: {  	s1 =	srdreg.scid;
	s7 =	rddreg [dreg:$0x0]  }
0x2: {  	s0 =	stileid.u32;
	s2 =	rddreg [dreg:$0x1]  }
0x3: {  	s3 =	simm.s32 $0x0;
	s16 =	simm.s32 $0x1;
	s17 =	simm.s32 $0x6800  }
0x4: {  	s18 =	simm.s32 $0x80;
	s19 =	simm.s32 $0x2;
	s20 =	simm.s32 $0x2700  }
0x5: {  	s21 =	simm.s32 $0x0;
	s6 =	sand.u32 $0x1, s1;
	s10 =	smul.u32 $0x13C00, s0  }
0x6: {  	s23 =	sshll.u32 s0, $0x1;
	s1 =	rddreg [dreg:$0x2];
	s12 =	smul.u32 $0x4F000, s0  }
0x7: {  	[smem:$0x7FF] =	sst s3;
	s4 =	sadd.s32 $0xA56000, s7;
	s13 =	smul.u32 $0x278000, s0  }
0x8: {  	s31 =	sshll.u32 s0, $0x6;
	s8 =	sor.u32 s6, s23;
	s9 =	smul.u32 $0x13C000, s6  }
0x9: {  	_ =	strace $0x8000004A;
	s6 =	ssub.s32 $0x2, s6;
	s5 =	smul.u32 $0x500, s8  }
0xa: {  	s8 =	smul.u32 $0x13C000, s8;
	s24 =	sshrl.u32 s6, $0x1;
	s25 =	sshrl.u32 s12, $0x2  }
0xb: {  	s12 =	simm.s32 $0x3;
	s10 =	sadd.s32 s10, s9;
	s14 =	ssub.s32 s6, s24  }
0xc: {  	s15 =	sadd.s32 s25, s2;
	s28 =	sadd.s32 s9, s13;
	s13 =	sor.u32 $0x1C03, s31  }
0xd: {  	s11 =	sadd.s32 s5, s7;
	s5 =	sadd.s32 $0x40800, s7;
	s10 =	sshrl.u32 s10, $0x3  }
0xe: {  	s26 =	sshrl.u32 s8, $0x3;
	s29 =	sadd.s32 $0x4000, s28;
	s9 =	smax.u32 s14, $0x1  }
0xf: {  	s14 =	sshrl.u32 s15, $0x3;
	s15 =	simm.s32 $0x2800;
	s10 =	sadd.s32 s10, s7  }
0x10: {  	s6 =	sadd.s32 $0x5800, s11;
	s7 =	sadd.s32 s4, s26;
	s30 =	sshrl.u32 s29, $0x3  }
0x11: {  	s8 =	sadd.s32 $0x92000, s10;
	s10 =	sadd.s32 $0x8000, s28;
	s11 =	sadd.s32 s30, s4  }
.LBB2_1:
0x12: {  	[tilespmem:s3], [sflag:$0x3] =	stream.linear.gather [hbm4b:s6+s3], $0x2780, $0x38;
	[tilespmem:$0x1E400] =	vst v63  }
0x13: {  	_ =	swait.ge [sflag:s12], $0x2780  }
0x14: {  	[sflag:s12] =	ssyncset.done $0x0  }
0x15: {  	[sflag:s12] =	ssyncadd.s32 $0xFFFFD880  }
0x16: {  	[spmem:s14], [sflag:s13] =	dma.local [hbm:s5], $0x2780  }
0x17: {  	_ =	swait.ge [sflag:s12], $0x2780  }
0x18: {  	[sflag:s12] =	ssyncset.done $0x0  }
0x19: {  	[sflag:s12] =	ssyncadd.s32 $0xFFFFD880  }
0x1a: {  	[bflag:$0x0] =	sbarrier.arrive $0xFFFF  }
0x1b: {  	[tilespmem:s15], [sflag:$0x1] =	stream.linear.gather [hbm4b:s7+s3], $0x4000, $0x38;
	[tilespmem:$0x1E400] =	vst v63  }
0x1c: {  	_ =	swait.ge [sflag:s16], $0x4000  }
0x1d: {  	[sflag:s16] =	ssyncset.done $0x0  }
0x1e: {  	s22 =	sadd.s32 $0x0, s11;
	[sflag:s16] =	ssyncadd.s32 $0xFFFFC000  }
0x1f: {  	[tilespmem:s17], [sflag:$0x2] =	stream.linear.gather [hbm4b:s22+s3], $0x4000, $0x38;
	[tilespmem:$0x1E400] =	vst v63  }
0x20: {  	_ = 	snop  }
0x21: {  	[spmem:s2] =	stream.indirect.scatter.add.f32 [tilespmem:s15], [sflag:$0x3], $0x80, s3, s18, $0xb8;
	[tilespmem:$0x1E400] =	vst v63  }
0x22: {  	_ =	swait.ge [sflag:s12], $0x4000  }
0x23: {  	[sflag:s12] =	ssyncset.done $0x0  }
0x24: {  	[sflag:s12] =	ssyncadd.s32 $0xFFFFC000  }
0x25: {  	_ =	swait.ge [sflag:s19], $0x4000  }
0x26: {  	s30 =	sshrl.u32 s10, $0x3;
	[sflag:s19] =	ssyncset.done $0x0  }
0x27: {  	s22 =	sadd.s32 s4, s30;
	[sflag:s19] =	ssyncadd.s32 $0xFFFFC000  }
0x28: {  	[tilespmem:s15], [sflag:$0x1] =	stream.linear.gather [hbm4b:s22+s3], $0x4000, $0x38;
	[tilespmem:$0x1E400] =	vst v63  }
0x29: {  	s31 =	simm.s32 $0x80  }
0x2a: {  	[spmem:s2] =	stream.indirect.scatter.add.f32 [tilespmem:s17], [sflag:$0x3], $0x80, s31, s18, $0xb8;
	[tilespmem:$0x1E400] =	vst v63  }
0x2b: {  	s23 =	smov.u32 s10;
	_ =	swait.ge [sflag:s12], $0x4000  }
0x2c: {  	s24 =	simm.s32 $0x0;
	s22 =	simm.s32 $0x1000;
	[sflag:s12] =	ssyncset.done $0x0  }
.LBB2_2:
0x2d: {  	[sflag:s12] =	ssyncadd.s32 $0xFFFFC000;
	s23 =	sadd.s32 $0x8000, s23;
	s24 =	sadd.s32 $0x100, s24  }
0x2e: {  	p0 =	sne.s32 s22, $0x26000;
	s25 =	smov.u32 s22;
	s22 =	sadd.s32 $0x1000, s22  }
0x2f: {  	_ =	swait.ge [sflag:s16], $0x4000  }
0x30: {  	[sflag:s16] =	ssyncset.done $0x0  }
0x31: {  	s25 =	sadd.s32 s25, s11;
	[sflag:s16] =	ssyncadd.s32 $0xFFFFC000  }
0x32: {  	[tilespmem:s17], [sflag:$0x2] =	stream.linear.gather [hbm4b:s25+s3], $0x4000, $0x38;
	[tilespmem:$0x1E400] =	vst v63  }
0x33: {  	_ = 	snop  }
0x34: {  	[spmem:s2] =	stream.indirect.scatter.add.f32 [tilespmem:s15], [sflag:$0x3], $0x80, s24, s18, $0xb8;
	[tilespmem:$0x1E400] =	vst v63  }
0x35: {  	_ =	swait.ge [sflag:s12], $0x4000  }
0x36: {  	[sflag:s12] =	ssyncset.done $0x0  }
0x37: {  	[sflag:s12] =	ssyncadd.s32 $0xFFFFC000  }
0x38: {  	_ =	swait.ge [sflag:s19], $0x4000  }
0x39: {  	s25 =	sshrl.u32 s23, $0x3;
	[sflag:s19] =	ssyncset.done $0x0  }
0x3a: {  	s25 =	sadd.s32 s4, s25;
	[sflag:s19] =	ssyncadd.s32 $0xFFFFC000  }
0x3b: {  	[tilespmem:s15], [sflag:$0x1] =	stream.linear.gather [hbm4b:s25+s3], $0x4000, $0x38;
	[tilespmem:$0x1E400] =	vst v63  }
.Ltmp0:
0x3c: {  	_ = 	snop;
	(pc) =	sbr.rel @p0 .LBB2_2-.Ltmp0, $4  }
0x3d: {  	s25 =	sadd.s32 $0x80, s24  }
0x3e: {  	[spmem:s2] =	stream.indirect.scatter.add.f32 [tilespmem:s17], [sflag:$0x3], $0x80, s25, s18, $0xb8;
	[tilespmem:$0x1E400] =	vst v63  }
0x3f: {  	_ =	swait.ge [sflag:s12], $0x4000  }
0x40: {  	[sflag:s12] =	ssyncset.done $0x0  }
0x41: {  	[sflag:s12] =	ssyncadd.s32 $0xFFFFC000  }
0x42: {  	_ =	swait.ge [sflag:s16], $0x4000  }
0x43: {  	[sflag:s16] =	ssyncset.done $0x0  }
0x44: {  	[sflag:s16] =	ssyncadd.s32 $0xFFFFC000  }
0x45: {  	[spmem:s2] =	stream.indirect.scatter.add.f32 [tilespmem:s15], [sflag:$0x3], $0x80, s20, s18, $0xb8;
	[tilespmem:$0x1E400] =	vst v63  }
0x46: {  	_ =	swait.ge [sflag:s12], $0x4000  }
0x47: {  	s21 =	sadd.s32 $0x1, s21;
	[sflag:s12] =	ssyncset.done $0x0  }
0x48: {  	p0 =	sne.s32 s21, s9;
	[sflag:s12] =	ssyncadd.s32 $0xFFFFC000  }
.Ltmp1:
0x49: {  	[bflag:$0x0] =	sbarrier.arrive $0xFFFF;
	(pc) =	sbr.rel @p0 .LBB2_1-.Ltmp1, $4  }
0x4a: {  	[hbm:s8], [sflag:s13] =	dma.local [spmem:s14], $0x2780  }
0x4b: {  	_ =	swait.ge [sflag:s12], $0x2780  }
0x4c: {  	[sflag:s12] =	ssyncset.done $0x0  }
0x4d: {  	[sflag:s12] =	ssyncadd.s32 $0xFFFFD880  }
0x4e: {  	_ =	sfence.sel $0x180000  }
0x4f: {  	[bflag:$0x0] =	sbarrier.arrive $0xFFFF  }
0x50: {  	p0 =	sne.s32 s0, $0x0;
	_ =	strace $0x9000004A  }
0x51: {  	s0 =	sadd.s32 @!p0 $0x100000, s1;
	[bflag:$0x2] =	sbarrier.arrive $0xFFFF  }
0x52: {  	[sflag:s0] =	ssyncadd.tile.s32 @!p0 $0x1;
	_ =	shalt  }
.Lfunc_end2:
_tile_overlayer_lowered:
.L_overlay_start_2:
0x53: {  	(tag) =	ssettag $0x2  }
0x54: {  	s0 =	rddreg [dreg:$0x0];
	s2 =	stileid.u32  }
0x55: {  	s1 =	rddreg [dreg:$0x1];
	p0 =	sne.s32 s2, $0x0  }
0x56: {  	s3 =	rddreg [dreg:$0x2];
	[bflag:$0x3] =	sbarrier.arrive $0xFFFF;
	s2 =	simm.s32 @!p0 $0x1C03  }
0x57: {  	[timem:s3], [sflag:s2] =	dma.local @!p0 [hbm:s0], s1  }
0x58: {  	s0 =	simm.s32 @!p0 $0x3  }
0x59: {  	_ =	swait.ge @!p0 [sflag:s0], s1  }
0x5a: {  	s1 =	ssub.s32 @!p0 $0x0, s1;
	[sflag:s0] =	ssyncset.done @!p0 $0x0  }
0x5b: {  	[sflag:s0] =	ssyncadd.s32 @!p0 s1  }
0x5c: {  	[bflag:$0x3] =	sbarrier.arrive $0xFFFF  }
0x5d: {  	_ =	shalt  }

// kernel: kernel.13.cloned.1.call-start
scs
__scs_entry_jumppad:
0x0: {  	(pc) =	sbr.rel $0x88, $3  }
0x1: {  	(tag) =	ssettag $0x0;
	lr =	simm.s32 $0x1  }
0x2: {  	[smem:$0x3F8B] =	sst lr;
	_ =	strace $0xD0000000  }
0x3: {  	_ = 	snop  }
0x4: {  	_ = 	snop  }
0x5: {  	_ = 	snop  }
0x6: {  	_ = 	snop  }
0x7: {  	_ = 	snop  }
__scs_overlays_trampoline_lowered:
0x8: {  	[smem:$0x3F9A] =	sst s0  }
0x9: {  	[smem:$0x3F9B] =	sst s1  }
0xa: {  	[smem:$0x3F9C] =	sst s2  }
0xb: {  	[smem:$0x3F9D] =	sst s3  }
0xc: {  	[smem:$0x3F9E] =	sst s4  }
0xd: {  	[smem:$0x3F9F] =	sst s5  }
0xe: {  	[smem:$0x3FA0] =	sst s6  }
0xf: {  	[smem:$0x3FA1] =	sst s7  }
0x10: {  	[smem:$0x3FA2] =	sst s8  }
0x11: {  	[smem:$0x3FA3] =	sst s9;
	s0 =	simm.s32 @!p0 $0x0  }
0x12: {  	s1 =	sld [smem:$0x3F89];
	s0 =	simm.s32 @p0 $0x1  }
0x13: {  	[smem:$0x3FA4] =	sst s0;
	s0 =	simm.s32 @!p1 $0x0  }
0x14: {  	s2 =	sld [smem:$0x3F88];
	s0 =	simm.s32 @p1 $0x1  }
0x15: {  	[smem:$0x3FA5] =	sst s0;
	s0 =	simm.s32 @!p2 $0x0  }
0x16: {  	s3 =	sld [smem:$0x3FDB];
	s0 =	simm.s32 @p2 $0x1  }
0x17: {  	s4 =	simm.s32 $0x1BF5;
	[smem:$0x3FA7] =	sst s0  }
0x18: {  	s0 =	sld [smem:$0x3F8A];
	_ =	swait.ge [sflag:s4], $0x0  }
0x19: {  	s7 =	sld [smem:$0x3F8B]  }
0x1a: {  	s8 =	sadd.s32 $0xFFFFE003, lr  }
0x1b: {  	s9 =	sadd.s32 $0xFFFFFEF7, lr;
	s5 =	simm.s32 $0xFFFFFFFF;
	p2 =	slt.u32 s8, $0xFFFFF086  }
0x1c: {  	p1 =	slt.u32 s9, $0xF7A;
	s5 =	simm.s32 @!p2 $0x0  }
0x1d: {  	s5 =	simm.s32 @p1 $0x1;
	p0 =	seq.s32 s7, s2  }
0x1e: {  	s7 =	smul.u32 @!p0 $0xF7A, s2;
	p2 =	seq.s32 @!p0 s5, $0x0  }
0x1f: {  	s9 =	smul.u32 $0xF7A, s1;
	s8 =	simm.s32 @!p0 $0x1BF5;
	p2 =	por !p2, p0  }
0x20: {  	[sflag:s8] =	ssyncset.s32 @!p0 $0xFFFFF086;
	s6 =	sadd.s32 @!p0 s3, s7;
	s7 =	simm.s32 @!p0 $0x108  }
0x21: {  	s3 =	sadd.s32 s3, s9;
	s6 =	sadd.s32 @!p0 $0x88, s6;
	s7 =	simm.s32 @p2 $0x1082  }
0x22: {  	[simem:s7], [sflag:s8] =	dma.local @!p0 [hbm:s6], $0xF7A  }
0x23: {  	s9 =	sor.u32 $0xD0000000, s2;
	s6 =	simm.s32 $0x108;
	_ =	swait.ge @!p0 [sflag:s8], $0x0  }
0x24: {  	s3 =	sadd.s32 $0x88, s3;
	s6 =	simm.s32 @!p1 $0x1082;
	[sflag:s4] =	ssyncset.s32 $0xFFFFF086  }
0x25: {  	[simem:s6], [sflag:s4] =	dma.local [hbm:s3], $0xF7A  }
0x26: {  	[smem:$0x3F8B] =	sst s1;
	(tag) =	ssettag s2;
	_ =	strace s9  }
0x27: {  	s1 =	sld [smem:$0x3F9B]  }
0x28: {  	s2 =	sld [smem:$0x3F9C]  }
0x29: {  	s4 =	sld [smem:$0x3F9E]  }
0x2a: {  	p0 =	seq.s32 s5, $0x0;
	s5 =	sld [smem:$0x3F9F]  }
0x2b: {  	s6 =	sld [smem:$0x3FA0]  }
0x2c: {  	s7 =	sld [smem:$0x3FA1]  }
0x2d: {  	s3 =	simm.s32 $0x108;
	s8 =	sld [smem:$0x3FA2]  }
0x2e: {  	s3 =	simm.s32 @!p0 $0x1082;
	s9 =	sld [smem:$0x3FA3]  }
0x2f: {  	lr =	sadd.s32 s0, s3;
	s0 =	sld [smem:$0x3F9A]  }
0x30: {  	s3 =	sld [smem:$0x3F9D]  }
0x31: {  	[smem:$0x3FA6] =	sst s10  }
0x32: {  	s10 =	sld [smem:$0x3FA4];
	_ =	sdelay $0x3  }
0x33: {  	p0 =	seq.s32 s10, $0x1;
	s10 =	sld [smem:$0x3FA6];
	_ =	sdelay $0x3  }
0x34: {  	[smem:$0x3FA6] =	sst s10  }
0x35: {  	s10 =	sld [smem:$0x3FA5];
	_ =	sdelay $0x3  }
0x36: {  	p1 =	seq.s32 s10, $0x1;
	s10 =	sld [smem:$0x3FA6];
	_ =	sdelay $0x3  }
0x37: {  	[smem:$0x3FA6] =	sst s10  }
0x38: {  	s10 =	sld [smem:$0x3FA7]  }
0x39: {  	_ = 	snop;
	(pc) =	sbr.ind lr, $3  }
0x3a: {  	_ = 	snop  }
0x3b: {  	_ = 	snop  }
0x3c: {  	p2 =	seq.s32 s10, $0x1;
	s10 =	sld [smem:$0x3FA6]  }
0x3d: {  	_ =	shalt  }
0x3e: {  	_ =	shalt  }
0x3f: {  	_ =	shalt  }
0x40: {  	_ =	shalt  }
0x41: {  	_ =	shalt  }
0x42: {  	_ =	shalt  }
0x43: {  	_ =	shalt  }
0x44: {  	_ =	shalt  }
0x45: {  	_ =	shalt  }
0x46: {  	_ =	shalt  }
0x47: {  	_ =	shalt  }
0x48: {  	_ =	shalt  }
0x49: {  	_ =	shalt  }
0x4a: {  	_ =	shalt  }
0x4b: {  	_ =	shalt  }
0x4c: {  	_ =	shalt  }
0x4d: {  	_ =	shalt  }
0x4e: {  	_ =	shalt  }
0x4f: {  	_ =	shalt  }
0x50: {  	_ =	shalt  }
0x51: {  	_ =	shalt  }
0x52: {  	_ =	shalt  }
0x53: {  	_ =	shalt  }
0x54: {  	_ =	shalt  }
0x55: {  	_ =	shalt  }
0x56: {  	_ =	shalt  }
0x57: {  	_ =	shalt  }
0x58: {  	_ =	shalt  }
0x59: {  	_ =	shalt  }
0x5a: {  	_ =	shalt  }
0x5b: {  	_ =	shalt  }
0x5c: {  	_ =	shalt  }
0x5d: {  	_ =	shalt  }
0x5e: {  	_ =	shalt  }
0x5f: {  	_ =	shalt  }
0x60: {  	_ =	shalt  }
0x61: {  	_ =	shalt  }
0x62: {  	_ =	shalt  }
0x63: {  	_ =	shalt  }
0x64: {  	_ =	shalt  }
0x65: {  	_ =	shalt  }
0x66: {  	_ =	shalt  }
0x67: {  	_ =	shalt  }
0x68: {  	_ =	shalt  }
0x69: {  	_ =	shalt  }
0x6a: {  	_ =	shalt  }
0x6b: {  	_ =	shalt  }
0x6c: {  	_ =	shalt  }
0x6d: {  	_ =	shalt  }
0x6e: {  	_ =	shalt  }
0x6f: {  	_ =	shalt  }
0x70: {  	_ =	shalt  }
0x71: {  	_ =	shalt  }
0x72: {  	_ =	shalt  }
0x73: {  	_ =	shalt  }
0x74: {  	_ =	shalt  }
0x75: {  	_ =	shalt  }
0x76: {  	_ =	shalt  }
0x77: {  	_ =	shalt  }
0x78: {  	_ =	shalt  }
0x79: {  	_ =	shalt  }
0x7a: {  	_ =	shalt  }
0x7b: {  	_ =	shalt  }
0x7c: {  	_ =	shalt  }
0x7d: {  	_ =	shalt  }
0x7e: {  	_ =	shalt  }
0x7f: {  	_ =	shalt  }
0x80: {  	_ =	shalt  }
0x81: {  	_ =	shalt  }
0x82: {  	_ =	shalt  }
0x83: {  	_ =	shalt  }
0x84: {  	_ =	shalt  }
0x85: {  	_ =	shalt  }
0x86: {  	_ =	shalt  }
0x87: {  	_ =	shalt  }
.Lfunc_end0:
.L_simem_size_0:
called_computation.1_lowered:
.L_overlay_start_0:
0x88: {  	s2 =	sld [smem:$0x3FD9]  }
0x89: {  	s3 =	sld [smem:$0x3FFE];
	_ =	sdelay $0x1  }
0x8a: {  	s1 =	srdreg.scid  }
0x8b: {  	s0 =	sand.u32 $0x1, s1  }
0x8c: {  	s16 =	sshll.u32 s0, $0xA;
	s2 =	sadd.s32 s3, s2  }
0x8d: {  	s2 =	sadd.s32 s2, s16  }
0x8e: {  	[smem:$0x3FB2] =	sst s2  }
0x8f: {  	_ = 	snop  }
0x90: {  	(tm) =	ssettm $0x1  }
0x91: {  	s17 =	sld [smem:$0x3FFB];
	_ =	sdelay $0x3  }
0x92: {  	_ =	strace s17  }
0x93: {  	s2 =	sld [smem:$0x3FFC];
	_ =	sdelay $0x3  }
0x94: {  	_ =	strace s2  }
0x95: {  	s2 =	sld [smem:$0x3FFD];
	_ =	sdelay $0x3  }
0x96: {  	_ =	strace s2  }
0x97: {  	_ =	strace $0x8FFFFFFF  }
0x98: {  	s18 =	sld [smem:$0x3FDB];
	_ =	sdelay $0x1  }
0x99: {  	s19 =	simm.s32 $_scs_section_size  }
0x9a: {  	s4 =	simm.s32 $_size__tile_overlayer_lowered;
	s5 =	simm.s32 $_tile_overlayer_lowered  }
0x9b: {  	s22 =	simm.s32 $0x1BFF;
	s21 =	sshll.u32 s5, $0x1;
	s2 =	sadd.s32 s19, s18  }
0x9c: {  	s6 =	simm.s32 $0x0;
	s20 =	sshll.u32 s4, $0x1;
	s4 =	sadd.s32 s21, s2  }
0x9d: {  	[timem:s6], [sflag:s22] =	dma.local [hbm:s4], s20  }
0x9e: {  	_ =	swait.ge [sflag:s22], s20  }
0x9f: {  	s3 =	ssub.s32 $0x0, s20;
	[sflag:s22] =	ssyncset.done $0x0  }
0xa0: {  	[sflag:s22] =	ssyncadd.s32 s3;
	_ =	sdelay $0x1  }
0xa1: {  	s23 =	simm.s32 $0x1B8B  }
0xa2: {  	_ =	swait.ge [sflag:s23], $0x1  }
0xa3: {  	[sflag:s23] =	ssyncset.done $0x0  }
0xa4: {  	s25 =	simm.s32 $0x1B8E;
	s24 =	sld [smem:$0x3FFE];
	[sflag:s23] =	ssyncadd.s32 $0xFFFFFFFF  }
0xa5: {  	s26 =	simm.s32 $execute0_lowered;
	[smem:$0x3FD2] =	sst s25  }
0xa6: {  	s4 =	sshll.u32 s26, $0x1;
	_ =	strace $0x80000046;
	[dreg:$0x1] =	wrdreg $0xFFFFFFFF  }
0xa7: {  	s28 =	simm.s32 $_size_execute0_lowered;
	s2 =	sadd.s32 s2, s4;
	[dreg:$0x0] =	wrdreg $0x0  }
0xa8: {  	s4 =	sshll.u32 s28, $0x1;
	[dreg:$0x2] =	wrdreg s2  }
0xa9: {  	[dreg:$0x3] =	wrdreg s4  }
0xaa: {  	[dreg:$0x4] =	wrdreg $0xC0  }
0xab: {  	_ =	task [dreg:s6], $0x5FFFF  }
0xac: {  	[dreg:$0x1] =	wrdreg $0xFFFFFFFF  }
0xad: {  	[dreg:$0x0] =	wrdreg $0x60  }
0xae: {  	[dreg:$0x2] =	wrdreg s24  }
0xaf: {  	[dreg:$0x3] =	wrdreg $0xA9000  }
0xb0: {  	[dreg:$0x4] =	wrdreg $0xA  }
0xb1: {  	_ =	task.clear_ibuf [dreg:s6], $0x5FFFF;
	_ =	strace $0x90000046  }
0xb2: {  	s29 =	simm.s32 $0xA;
	_ =	strace $0x80000048  }
0xb3: {  	_ =	swait.ge [sflag:s29], $0x1  }
0xb4: {  	[sflag:s29] =	ssyncadd.s32 $0xFFFFFFFF  }
0xb5: {  	_ =	strace $0x90000048  }
0xb6: {  	_ =	sfence  }
0xb7: {  	s30 =	sld [smem:$0x0];
	_ =	sdelay $0x2  }
0xb8: {  	s31 =	sshll.u32 s1, $0xD;
	s1 =	sshrl.u32 s1, $0x2  }
0xb9: {  	s3 =	sand.u32 $0x4000, s31;
	s1 =	sadd.s32 s1, s30  }
0xba: {  	s0 =	sor.u32 s3, s0;
	s1 =	sshll.u32 s1, $0x11  }
0xbb: {  	s0 =	sor.u32 s1, s0  }
0xbc: {  	s0 =	sadd.s32 $0x8F2B, s0  }
0xbd: {  	[sflag:s0] =	ssyncadd.remote.s32 $0x1  }
0xbe: {  	_ =	sfence.sel $0xFFFF  }
0xbf: {  	[dreg:$0x0] =	wrdreg $0xFFFFFFFF;
	(pc) =	sbr.abs _section_cstart, $3  }
0xc0: {  	[dreg:$0x1] =	wrdreg $0xFFFFFFFF  }
0xc1: {  	_ =	task.clear_ibuf [dreg:s6], $0x2FFFF;
	_ =	strace $0x9FFFFFFF  }
0xc2: {  	(tm) =	ssettm $0x7FFFFFFF  }
0xc3: {  	_ =	shalt  }
tec
execute0_lowered:
.L_overlay_start_1:
0x0: {  	(tag) =	ssettag $0x1  }
0x1: {  	s0 =	srdreg.scid  }
0x2: {  	s16 =	stileid.u32;
	s1 =	rddreg [dreg:$0x0]  }
0x3: {  	s2 =	rddreg [dreg:$0x1];
	s28 =	simm.s32 $0x3;
	s29 =	simm.s32 $0x6  }
0x4: {  	s30 =	simm.s32 $0x4;
	s31 =	simm.s32 $0x0;
	s0 =	sand.u32 $0x1, s0  }
0x5: {  	s3 =	sshll.u32 s16, $0x1;
	s8 =	smul.u32 $0x13C00, s16;
	s4 =	sadd.s32 $0x19600, s1  }
0x6: {  	s15 =	sadd.s32 $0xF800, s1;
	s19 =	sadd.s32 $0x40800, s1;
	s21 =	smul.u32 $0x4F000, s16  }
0x7: {  	s12 =	smul.u32 $0x4F00, s16;
	s26 =	sshll.u32 s16, $0x6;
	s16 =	simm.s32 $0x7  }
0x8: {  	s6 =	sor.u32 s0, s3;
	s3 =	simm.s32 $0x0;
	s7 =	smul.u32 $0x13C000, s0  }
0x9: {  	s20 =	ssub.s32 $0x2, s0;
	s0 =	smul.u32 $0x2780, s0;
	s17 =	sor.u32 $0x1C07, s26  }
0xa: {  	s26 =	simm.s32 $0x5;
	s5 =	smul.u32 $0x500, s6;
	[smem:$0x7FF] =	sst s3  }
0xb: {  	s10 =	sshrl.u32 s20, $0x1;
	s11 =	smul.u32 $0x2780, s6;
	s24 =	sshrl.u32 s21, $0x2  }
0xc: {  	s21 =	simm.s32 $0x80;
	_ =	strace $0x80000047;
	[dreg:$0x3] =	wrdreg s19  }
0xd: {  	s7 =	sadd.s32 s8, s7;
	s10 =	ssub.s32 s20, s10;
	s18 =	sadd.s32 s24, s2  }
0xe: {  	s0 =	sadd.s32 s0, s12;
	s19 =	simm.s32 $0x2800;
	s20 =	simm.s32 $0x2880  }
0xf: {  	s24 =	simm.s32 $0x6900;
	s9 =	sadd.s32 s5, s1;
	s7 =	sshrl.u32 s7, $0x3  }
0x10: {  	s23 =	sshrl.u32 s11, $0x3;
	s10 =	smax.u32 s10, $0x1;
	s25 =	sadd.s32 $0x280, s0  }
0x11: {  	s0 =	sadd.s32 $0x200, s0;
	s18 =	sshrl.u32 s18, $0x3;
	s1 =	sadd.s32 s7, s1  }
0x12: {  	s22 =	sadd.s32 $0x5800, s9;
	s7 =	sadd.s32 s15, s23;
	s0 =	sshrl.u32 s0, $0x3  }
0x13: {  	s23 =	simm.s32 $0x1;
	[dreg:$0x4] =	wrdreg s22;
	s8 =	sadd.s32 $0x10, s7  }
0x14: {  	s9 =	sadd.s32 $0x43000, s1;
	s11 =	sadd.s32 $0x20, s7;
	s12 =	sadd.s32 $0x30, s7  }
0x15: {  	s13 =	sadd.s32 $0x4E0, s7;
	s1 =	sshrl.u32 s25, $0x3;
	s22 =	simm.s32 $0x2900  }
0x16: {  	s25 =	simm.s32 $0x2;
	s14 =	sadd.s32 s1, s15;
	s15 =	sadd.s32 s0, s15  }
.LBB2_1:
0x17: {  	s0 =	rddreg [dreg:$0x4]  }
0x18: {  	[tilespmem:s3], [sflag:$0x7] =	stream.linear.gather [hbm4b:s0+s3], $0x2780, $0x38;
	[tilespmem:$0x1E500] =	vst v63  }
0x19: {  	_ =	swait.ge [sflag:s16], $0x2780  }
0x1a: {  	[sflag:s16] =	ssyncset.done $0x0  }
0x1b: {  	s5 =	rddreg [dreg:$0x3];
	[sflag:s16] =	ssyncadd.s32 $0xFFFFD880  }
0x1c: {  	[spmem:s18], [sflag:s17] =	dma.local [hbm:s5], $0x2780  }
0x1d: {  	_ =	swait.ge [sflag:s16], $0x2780  }
0x1e: {  	[sflag:s16] =	ssyncset.done $0x0  }
0x1f: {  	[sflag:s16] =	ssyncadd.s32 $0xFFFFD880  }
0x20: {  	[bflag:$0x0] =	sbarrier.arrive $0xFFFF  }
0x21: {  	[tilespmem:s19], [sflag:$0x7] =	stream.linear.gather [hbm4b:s7+s3], $0x80, $0x38;
	[tilespmem:$0x1E500] =	vst v63  }
0x22: {  	_ =	swait.ge [sflag:s16], $0x80  }
0x23: {  	[sflag:s16] =	ssyncset.done $0x0  }
0x24: {  	[sflag:s16] =	ssyncadd.s32 $0xFFFFFF80  }
0x25: {  	[tilespmem:s20], [sflag:$0x7] =	stream.linear.gather [hbm4b:s8+s3], $0x80, $0x38;
	[tilespmem:$0x1E500] =	vst v63  }
0x26: {  	_ =	swait.ge [sflag:s16], $0x80  }
0x27: {  	[sflag:s16] =	ssyncset.done $0x0  }
0x28: {  	[sflag:s16] =	ssyncadd.s32 $0xFFFFFF80  }
0x29: {  	[tilespmem:s22], [sflag:$0x1] =	stream.indirect.gather [hbm4b:s4+s21], $0x80, s19, s21, $0xb8;
	[tilespmem:$0x1E500] =	vst v63  }
0x2a: {  	_ =	swait.ge [sflag:s23], $0x4000  }
0x2b: {  	[sflag:s23] =	ssyncset.done $0x0  }
0x2c: {  	[sflag:s23] =	ssyncadd.s32 $0xFFFFC000  }
0x2d: {  	[tilespmem:s24], [sflag:$0x2] =	stream.indirect.gather [hbm4b:s4+s21], $0x80, s20, s21, $0xb8;
	[tilespmem:$0x1E500] =	vst v63  }
0x2e: {  	_ = 	snop  }
0x2f: {  	[spmem:s2] =	stream.indirect.scatter.add.f32 [tilespmem:s22], [sflag:$0x5], $0x80, s3, s21, $0xb8;
	[tilespmem:$0x1E500] =	vst v63  }
0x30: {  	_ = 	snop  }
0x31: {  	[tilespmem:s19], [sflag:$0x3] =	stream.linear.gather [hbm4b:s11+s3], $0x80, $0x38;
	[tilespmem:$0x1E500] =	vst v63  }
0x32: {  	_ =	swait.ge [sflag:s25], $0x4000  }
0x33: {  	[sflag:s25] =	ssyncset.done $0x0  }
0x34: {  	[sflag:s25] =	ssyncadd.s32 $0xFFFFC000  }
0x35: {  	[tilespmem:s20], [sflag:$0x4] =	stream.linear.gather [hbm4b:s12+s3], $0x80, $0x38;
	[tilespmem:$0x1E500] =	vst v63  }
0x36: {  	_ = 	snop  }
0x37: {  	[spmem:s2] =	stream.indirect.scatter.add.f32 [tilespmem:s24], [sflag:$0x6], $0x80, s21, s21, $0xb8;
	[tilespmem:$0x1E500] =	vst v63  }
0x38: {  	_ =	swait.ge [sflag:s26], $0x4000  }
0x39: {  	[sflag:s26] =	ssyncset.done $0x0  }
0x3a: {  	[sflag:s26] =	ssyncadd.s32 $0xFFFFC000  }
0x3b: {  	_ =	swait.ge [sflag:s28], $0x80  }
0x3c: {  	[sflag:s28] =	ssyncset.done $0x0  }
0x3d: {  	[sflag:s28] =	ssyncadd.s32 $0xFFFFFF80  }
0x3e: {  	[tilespmem:s22], [sflag:$0x1] =	stream.indirect.gather [hbm4b:s4+s21], $0x80, s19, s21, $0xb8;
	[tilespmem:$0x1E500] =	vst v63  }
0x3f: {  	_ =	swait.ge [sflag:s23], $0x4000  }
0x40: {  	[sflag:s23] =	ssyncset.done $0x0  }
0x41: {  	[sflag:s23] =	ssyncadd.s32 $0xFFFFC000  }
0x42: {  	_ =	swait.ge [sflag:s29], $0x4000  }
0x43: {  	[sflag:s29] =	ssyncset.done $0x0  }
0x44: {  	[sflag:s29] =	ssyncadd.s32 $0xFFFFC000  }
0x45: {  	_ =	swait.ge [sflag:s30], $0x80  }
0x46: {  	[sflag:s30] =	ssyncset.done $0x0  }
0x47: {  	[sflag:s30] =	ssyncadd.s32 $0xFFFFFF80  }
0x48: {  	[tilespmem:s24], [sflag:$0x2] =	stream.indirect.gather [hbm4b:s4+s21], $0x80, s20, s21, $0xb8;
	[tilespmem:$0x1E500] =	vst v63  }
0x49: {  	s6 =	simm.s32 $0x100  }
0x4a: {  	[spmem:s2] =	stream.indirect.scatter.add.f32 [tilespmem:s22], [sflag:$0x5], $0x80, s6, s21, $0xb8;
	[tilespmem:$0x1E500] =	vst v63  }
0x4b: {  	s1 =	sadd.s32 $0x0, s15  }
0x4c: {  	[tilespmem:s19], [sflag:$0x3] =	stream.linear.gather [hbm4b:s1+s3], $0x80, $0x38;
	[tilespmem:$0x1E500] =	vst v63  }
0x4d: {  	_ =	swait.ge [sflag:s25], $0x4000  }
0x4e: {  	[sflag:s25] =	ssyncset.done $0x0  }
0x4f: {  	s5 =	sadd.s32 $0x0, s14;
	[sflag:s25] =	ssyncadd.s32 $0xFFFFC000  }
0x50: {  	[tilespmem:s20], [sflag:$0x4] =	stream.linear.gather [hbm4b:s5+s3], $0x80, $0x38;
	[tilespmem:$0x1E500] =	vst v63  }
0x51: {  	s6 =	simm.s32 $0x180  }
0x52: {  	[spmem:s2] =	stream.indirect.scatter.add.f32 [tilespmem:s24], [sflag:$0x6], $0x80, s6, s21, $0xb8;
	[tilespmem:$0x1E500] =	vst v63  }
0x53: {  	_ =	swait.ge [sflag:s26], $0x4000  }
0x54: {  	[sflag:s26] =	ssyncset.done $0x0  }
0x55: {  	[sflag:s26] =	ssyncadd.s32 $0xFFFFC000  }
0x56: {  	_ =	swait.ge [sflag:s28], $0x80  }
0x57: {  	[sflag:s28] =	ssyncset.done $0x0  }
0x58: {  	s0 =	simm.s32 $0x280;
	s1 =	simm.s32 $0x20;
	[sflag:s28] =	ssyncadd.s32 $0xFFFFFF80  }
.LBB2_2:
0x59: {  	[tilespmem:s22], [sflag:$0x1] =	stream.indirect.gather [hbm4b:s4+s21], $0x80, s19, s21, $0xb8;
	[tilespmem:$0x1E500] =	vst v63  }
0x5a: {  	s5 =	smov.u32 s1  }
0x5b: {  	p0 =	sne.s32 s1, $0x480;
	s1 =	sadd.s32 $0x20, s1;
	_ =	swait.ge [sflag:s23], $0x4000  }
0x5c: {  	[sflag:s23] =	ssyncset.done $0x0  }
0x5d: {  	[sflag:s23] =	ssyncadd.s32 $0xFFFFC000  }
0x5e: {  	_ =	swait.ge [sflag:s29], $0x4000  }
0x5f: {  	[sflag:s29] =	ssyncset.done $0x0  }
0x60: {  	[sflag:s29] =	ssyncadd.s32 $0xFFFFC000  }
0x61: {  	_ =	swait.ge [sflag:s30], $0x80  }
0x62: {  	[sflag:s30] =	ssyncset.done $0x0  }
0x63: {  	[sflag:s30] =	ssyncadd.s32 $0xFFFFFF80  }
0x64: {  	[tilespmem:s24], [sflag:$0x2] =	stream.indirect.gather [hbm4b:s4+s21], $0x80, s20, s21, $0xb8;
	[tilespmem:$0x1E500] =	vst v63  }
0x65: {  	s6 =	sadd.s32 $0xFFFFFF80, s0  }
0x66: {  	[spmem:s2] =	stream.indirect.scatter.add.f32 [tilespmem:s22], [sflag:$0x5], $0x80, s6, s21, $0xb8;
	[tilespmem:$0x1E500] =	vst v63  }
0x67: {  	s6 =	sadd.s32 s5, s15  }
0x68: {  	[tilespmem:s19], [sflag:$0x3] =	stream.linear.gather [hbm4b:s6+s3], $0x80, $0x38;
	[tilespmem:$0x1E500] =	vst v63  }
0x69: {  	_ =	swait.ge [sflag:s25], $0x4000  }
0x6a: {  	[sflag:s25] =	ssyncset.done $0x0  }
0x6b: {  	s5 =	sadd.s32 s5, s14;
	[sflag:s25] =	ssyncadd.s32 $0xFFFFC000  }
0x6c: {  	[tilespmem:s20], [sflag:$0x4] =	stream.linear.gather [hbm4b:s5+s3], $0x80, $0x38;
	[tilespmem:$0x1E500] =	vst v63  }
0x6d: {  	_ = 	snop  }
0x6e: {  	[spmem:s2] =	stream.indirect.scatter.add.f32 [tilespmem:s24], [sflag:$0x6], $0x80, s0, s21, $0xb8;
	[tilespmem:$0x1E500] =	vst v63  }
0x6f: {  	_ =	swait.ge [sflag:s26], $0x4000  }
.Ltmp0:
0x70: {  	[sflag:s26] =	ssyncset.done $0x0;
	(pc) =	sbr.rel @p0 .LBB2_2-.Ltmp0, $4  }
0x71: {  	[sflag:s26] =	ssyncadd.s32 $0xFFFFC000  }
0x72: {  	_ =	swait.ge [sflag:s28], $0x80  }
0x73: {  	[sflag:s28] =	ssyncset.done $0x0  }
0x74: {  	s0 =	sadd.s32 $0x100, s0;
	[sflag:s28] =	ssyncadd.s32 $0xFFFFFF80  }
0x75: {  	[tilespmem:s22], [sflag:$0x1] =	stream.indirect.gather [hbm4b:s4+s21], $0x80, s19, s21, $0xb8;
	[tilespmem:$0x1E500] =	vst v63  }
0x76: {  	_ =	swait.ge [sflag:s23], $0x4000  }
0x77: {  	[sflag:s23] =	ssyncset.done $0x0  }
0x78: {  	[sflag:s23] =	ssyncadd.s32 $0xFFFFC000  }
0x79: {  	_ =	swait.ge [sflag:s29], $0x4000  }
0x7a: {  	[sflag:s29] =	ssyncset.done $0x0  }
0x7b: {  	[sflag:s29] =	ssyncadd.s32 $0xFFFFC000  }
0x7c: {  	_ =	swait.ge [sflag:s30], $0x80  }
0x7d: {  	[sflag:s30] =	ssyncset.done $0x0  }
0x7e: {  	[sflag:s30] =	ssyncadd.s32 $0xFFFFFF80  }
0x7f: {  	[tilespmem:s24], [sflag:$0x2] =	stream.indirect.gather [hbm4b:s4+s21], $0x80, s20, s21, $0xb8;
	[tilespmem:$0x1E500] =	vst v63  }
0x80: {  	s0 =	simm.s32 $0x2600  }
0x81: {  	[spmem:s2] =	stream.indirect.scatter.add.f32 [tilespmem:s22], [sflag:$0x5], $0x80, s0, s21, $0xb8;
	[tilespmem:$0x1E500] =	vst v63  }
0x82: {  	_ = 	snop  }
0x83: {  	[tilespmem:s19], [sflag:$0x3] =	stream.linear.gather [hbm4b:s13+s3], $0x80, $0x38;
	[tilespmem:$0x1E500] =	vst v63  }
0x84: {  	_ =	swait.ge [sflag:s25], $0x4000  }
0x85: {  	[sflag:s25] =	ssyncset.done $0x0  }
0x86: {  	s5 =	simm.s32 $0x2680;
	[sflag:s25] =	ssyncadd.s32 $0xFFFFC000  }
0x87: {  	[spmem:s2] =	stream.indirect.scatter.add.f32 [tilespmem:s24], [sflag:$0x6], $0x80, s5, s21, $0xb8;
	[tilespmem:$0x1E500] =	vst v63  }
0x88: {  	_ =	swait.ge [sflag:s26], $0x4000  }
0x89: {  	[sflag:s26] =	ssyncset.done $0x0  }
0x8a: {  	[sflag:s26] =	ssyncadd.s32 $0xFFFFC000  }
0x8b: {  	_ =	swait.ge [sflag:s28], $0x80  }
0x8c: {  	[sflag:s28] =	ssyncset.done $0x0  }
0x8d: {  	[sflag:s28] =	ssyncadd.s32 $0xFFFFFF80  }
0x8e: {  	[tilespmem:s22], [sflag:$0x1] =	stream.indirect.gather [hbm4b:s4+s21], $0x80, s19, s21, $0xb8;
	[tilespmem:$0x1E500] =	vst v63  }
0x8f: {  	_ =	swait.ge [sflag:s23], $0x4000  }
0x90: {  	[sflag:s23] =	ssyncset.done $0x0  }
0x91: {  	s6 =	simm.s32 $0x2700;
	[sflag:s23] =	ssyncadd.s32 $0xFFFFC000  }
0x92: {  	[spmem:s2] =	stream.indirect.scatter.add.f32 [tilespmem:s22], [sflag:$0x7], $0x80, s6, s21, $0xb8;
	[tilespmem:$0x1E500] =	vst v63  }
0x93: {  	_ =	swait.ge [sflag:s16], $0x4000  }
0x94: {  	[sflag:s16] =	ssyncset.done $0x0  }
0x95: {  	[sflag:s16] =	ssyncadd.s32 $0xFFFFC000  }
0x96: {  	_ =	swait.ge [sflag:s29], $0x4000  }
0x97: {  	s31 =	sadd.s32 $0x1, s31;
	[sflag:s29] =	ssyncset.done $0x0  }
0x98: {  	p0 =	sne.s32 s31, s10;
	[sflag:s29] =	ssyncadd.s32 $0xFFFFC000  }
.Ltmp1:
0x99: {  	[bflag:$0x0] =	sbarrier.arrive $0xFFFF;
	(pc) =	sbr.rel @p0 .LBB2_1-.Ltmp1, $4  }
0x9a: {  	[hbm:s9], [sflag:s17] =	dma.local [spmem:s18], $0x2780  }
0x9b: {  	_ =	swait.ge [sflag:s16], $0x2780  }
0x9c: {  	[sflag:s16] =	ssyncset.done $0x0  }
0x9d: {  	[sflag:s16] =	ssyncadd.s32 $0xFFFFD880  }
0x9e: {  	_ =	sfence.sel $0x180000  }
0x9f: {  	[bflag:$0x0] =	sbarrier.arrive $0xFFFF  }
0xa0: {  	_ =	strace $0x90000047  }
0xa1: {  	s0 =	stileid.u32;
	[bflag:$0x2] =	sbarrier.arrive $0xFFFF  }
0xa2: {  	p0 =	sne.s32 s0, $0x0;
	s0 =	rddreg [dreg:$0x2]  }
0xa3: {  	s0 =	sadd.s32 @!p0 $0x100000, s0  }
0xa4: {  	[sflag:s0] =	ssyncadd.tile.s32 @!p0 $0x1;
	_ =	shalt  }
.Lfunc_end2:
_tile_overlayer_lowered:
.L_overlay_start_2:
0xa5: {  	(tag) =	ssettag $0x2  }
0xa6: {  	s0 =	rddreg [dreg:$0x0];
	s2 =	stileid.u32  }
0xa7: {  	s1 =	rddreg [dreg:$0x1];
	p0 =	sne.s32 s2, $0x0  }
0xa8: {  	s3 =	rddreg [dreg:$0x2];
	[bflag:$0x3] =	sbarrier.arrive $0xFFFF;
	s2 =	simm.s32 @!p0 $0x1C07  }
0xa9: {  	[timem:s3], [sflag:s2] =	dma.local @!p0 [hbm:s0], s1  }
0xaa: {  	s0 =	simm.s32 @!p0 $0x7  }
0xab: {  	_ =	swait.ge @!p0 [sflag:s0], s1  }
0xac: {  	s1 =	ssub.s32 @!p0 $0x0, s1;
	[sflag:s0] =	ssyncset.done @!p0 $0x0  }
0xad: {  	[sflag:s0] =	ssyncadd.s32 @!p0 s1  }
0xae: {  	[bflag:$0x3] =	sbarrier.arrive $0xFFFF  }
0xaf: {  	_ =	shalt  }

// kernel: kernel.16.cloned.1.call-start
scs
__scs_entry_jumppad:
0x0: {  	(pc) =	sbr.rel $0x88, $3  }
0x1: {  	(tag) =	ssettag $0x0;
	lr =	simm.s32 $0x1  }
0x2: {  	[smem:$0x3F8B] =	sst lr;
	_ =	strace $0xD0000000  }
0x3: {  	_ = 	snop  }
0x4: {  	_ = 	snop  }
0x5: {  	_ = 	snop  }
0x6: {  	_ = 	snop  }
0x7: {  	_ = 	snop  }
__scs_overlays_trampoline_lowered:
0x8: {  	[smem:$0x3F9A] =	sst s0  }
0x9: {  	[smem:$0x3F9B] =	sst s1  }
0xa: {  	[smem:$0x3F9C] =	sst s2  }
0xb: {  	[smem:$0x3F9D] =	sst s3  }
0xc: {  	[smem:$0x3F9E] =	sst s4  }
0xd: {  	[smem:$0x3F9F] =	sst s5  }
0xe: {  	[smem:$0x3FA0] =	sst s6  }
0xf: {  	[smem:$0x3FA1] =	sst s7  }
0x10: {  	[smem:$0x3FA2] =	sst s8  }
0x11: {  	[smem:$0x3FA3] =	sst s9;
	s0 =	simm.s32 @!p0 $0x0  }
0x12: {  	s1 =	sld [smem:$0x3F89];
	s0 =	simm.s32 @p0 $0x1  }
0x13: {  	[smem:$0x3FA4] =	sst s0;
	s0 =	simm.s32 @!p1 $0x0  }
0x14: {  	s2 =	sld [smem:$0x3F88];
	s0 =	simm.s32 @p1 $0x1  }
0x15: {  	[smem:$0x3FA5] =	sst s0;
	s0 =	simm.s32 @!p2 $0x0  }
0x16: {  	s3 =	sld [smem:$0x3FDB];
	s0 =	simm.s32 @p2 $0x1  }
0x17: {  	s4 =	simm.s32 $0x1BF5;
	[smem:$0x3FA7] =	sst s0  }
0x18: {  	s0 =	sld [smem:$0x3F8A];
	_ =	swait.ge [sflag:s4], $0x0  }
0x19: {  	s7 =	sld [smem:$0x3F8B]  }
0x1a: {  	s8 =	sadd.s32 $0xFFFFE003, lr  }
0x1b: {  	s9 =	sadd.s32 $0xFFFFFEF7, lr;
	s5 =	simm.s32 $0xFFFFFFFF;
	p2 =	slt.u32 s8, $0xFFFFF086  }
0x1c: {  	p1 =	slt.u32 s9, $0xF7A;
	s5 =	simm.s32 @!p2 $0x0  }
0x1d: {  	s5 =	simm.s32 @p1 $0x1;
	p0 =	seq.s32 s7, s2  }
0x1e: {  	s7 =	smul.u32 @!p0 $0xF7A, s2;
	p2 =	seq.s32 @!p0 s5, $0x0  }
0x1f: {  	s9 =	smul.u32 $0xF7A, s1;
	s8 =	simm.s32 @!p0 $0x1BF5;
	p2 =	por !p2, p0  }
0x20: {  	[sflag:s8] =	ssyncset.s32 @!p0 $0xFFFFF086;
	s6 =	sadd.s32 @!p0 s3, s7;
	s7 =	simm.s32 @!p0 $0x108  }
0x21: {  	s3 =	sadd.s32 s3, s9;
	s6 =	sadd.s32 @!p0 $0x88, s6;
	s7 =	simm.s32 @p2 $0x1082  }
0x22: {  	[simem:s7], [sflag:s8] =	dma.local @!p0 [hbm:s6], $0xF7A  }
0x23: {  	s9 =	sor.u32 $0xD0000000, s2;
	s6 =	simm.s32 $0x108;
	_ =	swait.ge @!p0 [sflag:s8], $0x0  }
0x24: {  	s3 =	sadd.s32 $0x88, s3;
	s6 =	simm.s32 @!p1 $0x1082;
	[sflag:s4] =	ssyncset.s32 $0xFFFFF086  }
0x25: {  	[simem:s6], [sflag:s4] =	dma.local [hbm:s3], $0xF7A  }
0x26: {  	[smem:$0x3F8B] =	sst s1;
	(tag) =	ssettag s2;
	_ =	strace s9  }
0x27: {  	s1 =	sld [smem:$0x3F9B]  }
0x28: {  	s2 =	sld [smem:$0x3F9C]  }
0x29: {  	s4 =	sld [smem:$0x3F9E]  }
0x2a: {  	p0 =	seq.s32 s5, $0x0;
	s5 =	sld [smem:$0x3F9F]  }
0x2b: {  	s6 =	sld [smem:$0x3FA0]  }
0x2c: {  	s7 =	sld [smem:$0x3FA1]  }
0x2d: {  	s3 =	simm.s32 $0x108;
	s8 =	sld [smem:$0x3FA2]  }
0x2e: {  	s3 =	simm.s32 @!p0 $0x1082;
	s9 =	sld [smem:$0x3FA3]  }
0x2f: {  	lr =	sadd.s32 s0, s3;
	s0 =	sld [smem:$0x3F9A]  }
0x30: {  	s3 =	sld [smem:$0x3F9D]  }
0x31: {  	[smem:$0x3FA6] =	sst s10  }
0x32: {  	s10 =	sld [smem:$0x3FA4];
	_ =	sdelay $0x3  }
0x33: {  	p0 =	seq.s32 s10, $0x1;
	s10 =	sld [smem:$0x3FA6];
	_ =	sdelay $0x3  }
0x34: {  	[smem:$0x3FA6] =	sst s10  }
0x35: {  	s10 =	sld [smem:$0x3FA5];
	_ =	sdelay $0x3  }
0x36: {  	p1 =	seq.s32 s10, $0x1;
	s10 =	sld [smem:$0x3FA6];
	_ =	sdelay $0x3  }
0x37: {  	[smem:$0x3FA6] =	sst s10  }
0x38: {  	s10 =	sld [smem:$0x3FA7]  }
0x39: {  	_ = 	snop;
	(pc) =	sbr.ind lr, $3  }
0x3a: {  	_ = 	snop  }
0x3b: {  	_ = 	snop  }
0x3c: {  	p2 =	seq.s32 s10, $0x1;
	s10 =	sld [smem:$0x3FA6]  }
0x3d: {  	_ =	shalt  }
0x3e: {  	_ =	shalt  }
0x3f: {  	_ =	shalt  }
0x40: {  	_ =	shalt  }
0x41: {  	_ =	shalt  }
0x42: {  	_ =	shalt  }
0x43: {  	_ =	shalt  }
0x44: {  	_ =	shalt  }
0x45: {  	_ =	shalt  }
0x46: {  	_ =	shalt  }
0x47: {  	_ =	shalt  }
0x48: {  	_ =	shalt  }
0x49: {  	_ =	shalt  }
0x4a: {  	_ =	shalt  }
0x4b: {  	_ =	shalt  }
0x4c: {  	_ =	shalt  }
0x4d: {  	_ =	shalt  }
0x4e: {  	_ =	shalt  }
0x4f: {  	_ =	shalt  }
0x50: {  	_ =	shalt  }
0x51: {  	_ =	shalt  }
0x52: {  	_ =	shalt  }
0x53: {  	_ =	shalt  }
0x54: {  	_ =	shalt  }
0x55: {  	_ =	shalt  }
0x56: {  	_ =	shalt  }
0x57: {  	_ =	shalt  }
0x58: {  	_ =	shalt  }
0x59: {  	_ =	shalt  }
0x5a: {  	_ =	shalt  }
0x5b: {  	_ =	shalt  }
0x5c: {  	_ =	shalt  }
0x5d: {  	_ =	shalt  }
0x5e: {  	_ =	shalt  }
0x5f: {  	_ =	shalt  }
0x60: {  	_ =	shalt  }
0x61: {  	_ =	shalt  }
0x62: {  	_ =	shalt  }
0x63: {  	_ =	shalt  }
0x64: {  	_ =	shalt  }
0x65: {  	_ =	shalt  }
0x66: {  	_ =	shalt  }
0x67: {  	_ =	shalt  }
0x68: {  	_ =	shalt  }
0x69: {  	_ =	shalt  }
0x6a: {  	_ =	shalt  }
0x6b: {  	_ =	shalt  }
0x6c: {  	_ =	shalt  }
0x6d: {  	_ =	shalt  }
0x6e: {  	_ =	shalt  }
0x6f: {  	_ =	shalt  }
0x70: {  	_ =	shalt  }
0x71: {  	_ =	shalt  }
0x72: {  	_ =	shalt  }
0x73: {  	_ =	shalt  }
0x74: {  	_ =	shalt  }
0x75: {  	_ =	shalt  }
0x76: {  	_ =	shalt  }
0x77: {  	_ =	shalt  }
0x78: {  	_ =	shalt  }
0x79: {  	_ =	shalt  }
0x7a: {  	_ =	shalt  }
0x7b: {  	_ =	shalt  }
0x7c: {  	_ =	shalt  }
0x7d: {  	_ =	shalt  }
0x7e: {  	_ =	shalt  }
0x7f: {  	_ =	shalt  }
0x80: {  	_ =	shalt  }
0x81: {  	_ =	shalt  }
0x82: {  	_ =	shalt  }
0x83: {  	_ =	shalt  }
0x84: {  	_ =	shalt  }
0x85: {  	_ =	shalt  }
0x86: {  	_ =	shalt  }
0x87: {  	_ =	shalt  }
.Lfunc_end0:
.L_simem_size_0:
called_computation.2_lowered:
.L_overlay_start_0:
0x88: {  	s2 =	sld [smem:$0x3FD9]  }
0x89: {  	s3 =	sld [smem:$0x3FFE];
	_ =	sdelay $0x1  }
0x8a: {  	s1 =	srdreg.scid  }
0x8b: {  	s0 =	sand.u32 $0x1, s1  }
0x8c: {  	s16 =	sshll.u32 s0, $0xA;
	s2 =	sadd.s32 s3, s2  }
0x8d: {  	s2 =	sadd.s32 s2, s16  }
0x8e: {  	[smem:$0x3FB2] =	sst s2  }
0x8f: {  	_ = 	snop  }
0x90: {  	(tm) =	ssettm $0x1  }
0x91: {  	s17 =	sld [smem:$0x3FFB];
	_ =	sdelay $0x3  }
0x92: {  	_ =	strace s17  }
0x93: {  	s2 =	sld [smem:$0x3FFC];
	_ =	sdelay $0x3  }
0x94: {  	_ =	strace s2  }
0x95: {  	s2 =	sld [smem:$0x3FFD];
	_ =	sdelay $0x3  }
0x96: {  	_ =	strace s2  }
0x97: {  	_ =	strace $0x8FFFFFFF  }
0x98: {  	s18 =	sld [smem:$0x3FDB];
	_ =	sdelay $0x1  }
0x99: {  	s19 =	simm.s32 $_scs_section_size  }
0x9a: {  	s4 =	simm.s32 $_size__tile_overlayer_lowered;
	s5 =	simm.s32 $_tile_overlayer_lowered  }
0x9b: {  	s22 =	simm.s32 $0x1BFF;
	s21 =	sshll.u32 s5, $0x1;
	s2 =	sadd.s32 s19, s18  }
0x9c: {  	s6 =	simm.s32 $0x0;
	s20 =	sshll.u32 s4, $0x1;
	s4 =	sadd.s32 s21, s2  }
0x9d: {  	[timem:s6], [sflag:s22] =	dma.local [hbm:s4], s20  }
0x9e: {  	_ =	swait.ge [sflag:s22], s20  }
0x9f: {  	s3 =	ssub.s32 $0x0, s20;
	[sflag:s22] =	ssyncset.done $0x0  }
0xa0: {  	[sflag:s22] =	ssyncadd.s32 s3;
	_ =	sdelay $0x1  }
0xa1: {  	s23 =	simm.s32 $0x1B8B  }
0xa2: {  	_ =	swait.ge [sflag:s23], $0x1  }
0xa3: {  	[sflag:s23] =	ssyncset.done $0x0  }
0xa4: {  	s25 =	simm.s32 $0x1B8E;
	s24 =	sld [smem:$0x3FFE];
	[sflag:s23] =	ssyncadd.s32 $0xFFFFFFFF  }
0xa5: {  	s26 =	simm.s32 $execute0_lowered;
	[smem:$0x3FD2] =	sst s25  }
0xa6: {  	s4 =	sshll.u32 s26, $0x1;
	_ =	strace $0x8000004C;
	[dreg:$0x1] =	wrdreg $0xFFFFFFFF  }
0xa7: {  	s28 =	simm.s32 $_size_execute0_lowered;
	s2 =	sadd.s32 s2, s4;
	[dreg:$0x0] =	wrdreg $0x0  }
0xa8: {  	s4 =	sshll.u32 s28, $0x1;
	[dreg:$0x2] =	wrdreg s2  }
0xa9: {  	[dreg:$0x3] =	wrdreg s4  }
0xaa: {  	[dreg:$0x4] =	wrdreg $0xC0  }
0xab: {  	_ =	task [dreg:s6], $0x5FFFF  }
0xac: {  	[dreg:$0x1] =	wrdreg $0xFFFFFFFF  }
0xad: {  	[dreg:$0x0] =	wrdreg $0x60  }
0xae: {  	[dreg:$0x2] =	wrdreg s24  }
0xaf: {  	[dreg:$0x3] =	wrdreg $0xA9000  }
0xb0: {  	[dreg:$0x4] =	wrdreg $0x9  }
0xb1: {  	_ =	task.clear_ibuf [dreg:s6], $0x5FFFF;
	_ =	strace $0x9000004C  }
0xb2: {  	s29 =	simm.s32 $0x9;
	_ =	strace $0x8000004E  }
0xb3: {  	_ =	swait.ge [sflag:s29], $0x1  }
0xb4: {  	[sflag:s29] =	ssyncadd.s32 $0xFFFFFFFF  }
0xb5: {  	_ =	strace $0x9000004E  }
0xb6: {  	_ =	sfence  }
0xb7: {  	s30 =	sld [smem:$0x0];
	_ =	sdelay $0x2  }
0xb8: {  	s31 =	sshll.u32 s1, $0xD;
	s1 =	sshrl.u32 s1, $0x2  }
0xb9: {  	s3 =	sand.u32 $0x4000, s31;
	s1 =	sadd.s32 s1, s30  }
0xba: {  	s0 =	sor.u32 s3, s0;
	s1 =	sshll.u32 s1, $0x11  }
0xbb: {  	s0 =	sor.u32 s1, s0  }
0xbc: {  	s0 =	sadd.s32 $0x8F2B, s0  }
0xbd: {  	[sflag:s0] =	ssyncadd.remote.s32 $0x1  }
0xbe: {  	_ =	sfence.sel $0xFFFF  }
0xbf: {  	[dreg:$0x0] =	wrdreg $0xFFFFFFFF;
	(pc) =	sbr.abs _section_cstart, $3  }
0xc0: {  	[dreg:$0x1] =	wrdreg $0xFFFFFFFF  }
0xc1: {  	_ =	task.clear_ibuf [dreg:s6], $0x2FFFF;
	_ =	strace $0x9FFFFFFF  }
0xc2: {  	(tm) =	ssettm $0x7FFFFFFF  }
0xc3: {  	_ =	shalt  }
tec
execute0_lowered:
.L_overlay_start_1:
0x0: {  	(tag) =	ssettag $0x1  }
0x1: {  	s0 =	srdreg.scid  }
0x2: {  	s16 =	stileid.u32;
	s1 =	rddreg [dreg:$0x0]  }
0x3: {  	s2 =	rddreg [dreg:$0x1];
	s28 =	simm.s32 $0x3;
	s29 =	simm.s32 $0x6  }
0x4: {  	s30 =	simm.s32 $0x4;
	s31 =	simm.s32 $0x0;
	s0 =	sand.u32 $0x1, s0  }
0x5: {  	s3 =	sshll.u32 s16, $0x1;
	s8 =	smul.u32 $0x13C00, s16;
	s4 =	sadd.s32 $0x19600, s1  }
0x6: {  	s15 =	sadd.s32 $0xF800, s1;
	s19 =	sadd.s32 $0x40800, s1;
	s21 =	smul.u32 $0x4F000, s16  }
0x7: {  	s12 =	smul.u32 $0x4F00, s16;
	s26 =	sshll.u32 s16, $0x6;
	s16 =	simm.s32 $0x7  }
0x8: {  	s6 =	sor.u32 s0, s3;
	s3 =	simm.s32 $0x0;
	s7 =	smul.u32 $0x13C000, s0  }
0x9: {  	s20 =	ssub.s32 $0x2, s0;
	s0 =	smul.u32 $0x2780, s0;
	s17 =	sor.u32 $0x1C07, s26  }
0xa: {  	s26 =	simm.s32 $0x5;
	s5 =	smul.u32 $0x500, s6;
	[smem:$0x7FF] =	sst s3  }
0xb: {  	s10 =	sshrl.u32 s20, $0x1;
	s11 =	smul.u32 $0x2780, s6;
	s24 =	sshrl.u32 s21, $0x2  }
0xc: {  	s21 =	simm.s32 $0x80;
	_ =	strace $0x8000004D;
	[dreg:$0x3] =	wrdreg s19  }
0xd: {  	s7 =	sadd.s32 s8, s7;
	s10 =	ssub.s32 s20, s10;
	s18 =	sadd.s32 s24, s2  }
0xe: {  	s0 =	sadd.s32 s0, s12;
	s19 =	simm.s32 $0x2800;
	s20 =	simm.s32 $0x2880  }
0xf: {  	s24 =	simm.s32 $0x6900;
	s9 =	sadd.s32 s5, s1;
	s7 =	sshrl.u32 s7, $0x3  }
0x10: {  	s23 =	sshrl.u32 s11, $0x3;
	s10 =	smax.u32 s10, $0x1;
	s25 =	sadd.s32 $0x280, s0  }
0x11: {  	s0 =	sadd.s32 $0x200, s0;
	s18 =	sshrl.u32 s18, $0x3;
	s1 =	sadd.s32 s7, s1  }
0x12: {  	s22 =	sadd.s32 $0x5800, s9;
	s7 =	sadd.s32 s15, s23;
	s0 =	sshrl.u32 s0, $0x3  }
0x13: {  	s23 =	simm.s32 $0x1;
	[dreg:$0x4] =	wrdreg s22;
	s8 =	sadd.s32 $0x10, s7  }
0x14: {  	s9 =	sadd.s32 $0x43000, s1;
	s11 =	sadd.s32 $0x20, s7;
	s12 =	sadd.s32 $0x30, s7  }
0x15: {  	s13 =	sadd.s32 $0x4E0, s7;
	s1 =	sshrl.u32 s25, $0x3;
	s22 =	simm.s32 $0x2900  }
0x16: {  	s25 =	simm.s32 $0x2;
	s14 =	sadd.s32 s1, s15;
	s15 =	sadd.s32 s0, s15  }
.LBB2_1:
0x17: {  	s0 =	rddreg [dreg:$0x4]  }
0x18: {  	[tilespmem:s3], [sflag:$0x7] =	stream.linear.gather [hbm4b:s0+s3], $0x2780, $0x38;
	[tilespmem:$0x1E500] =	vst v63  }
0x19: {  	_ =	swait.ge [sflag:s16], $0x2780  }
0x1a: {  	[sflag:s16] =	ssyncset.done $0x0  }
0x1b: {  	s5 =	rddreg [dreg:$0x3];
	[sflag:s16] =	ssyncadd.s32 $0xFFFFD880  }
0x1c: {  	[spmem:s18], [sflag:s17] =	dma.local [hbm:s5], $0x2780  }
0x1d: {  	_ =	swait.ge [sflag:s16], $0x2780  }
0x1e: {  	[sflag:s16] =	ssyncset.done $0x0  }
0x1f: {  	[sflag:s16] =	ssyncadd.s32 $0xFFFFD880  }
0x20: {  	[bflag:$0x0] =	sbarrier.arrive $0xFFFF  }
0x21: {  	[tilespmem:s19], [sflag:$0x7] =	stream.linear.gather [hbm4b:s7+s3], $0x80, $0x38;
	[tilespmem:$0x1E500] =	vst v63  }
0x22: {  	_ =	swait.ge [sflag:s16], $0x80  }
0x23: {  	[sflag:s16] =	ssyncset.done $0x0  }
0x24: {  	[sflag:s16] =	ssyncadd.s32 $0xFFFFFF80  }
0x25: {  	[tilespmem:s20], [sflag:$0x7] =	stream.linear.gather [hbm4b:s8+s3], $0x80, $0x38;
	[tilespmem:$0x1E500] =	vst v63  }
0x26: {  	_ =	swait.ge [sflag:s16], $0x80  }
0x27: {  	[sflag:s16] =	ssyncset.done $0x0  }
0x28: {  	[sflag:s16] =	ssyncadd.s32 $0xFFFFFF80  }
0x29: {  	[tilespmem:s22], [sflag:$0x1] =	stream.indirect.gather [hbm4b:s4+s21], $0x80, s19, s21, $0xb8;
	[tilespmem:$0x1E500] =	vst v63  }
0x2a: {  	_ =	swait.ge [sflag:s23], $0x4000  }
0x2b: {  	[sflag:s23] =	ssyncset.done $0x0  }
0x2c: {  	[sflag:s23] =	ssyncadd.s32 $0xFFFFC000  }
0x2d: {  	[tilespmem:s24], [sflag:$0x2] =	stream.indirect.gather [hbm4b:s4+s21], $0x80, s20, s21, $0xb8;
	[tilespmem:$0x1E500] =	vst v63  }
0x2e: {  	_ = 	snop  }
0x2f: {  	[spmem:s2] =	stream.indirect.scatter.add.f32 [tilespmem:s22], [sflag:$0x5], $0x80, s3, s21, $0xb8;
	[tilespmem:$0x1E500] =	vst v63  }
0x30: {  	_ = 	snop  }
0x31: {  	[tilespmem:s19], [sflag:$0x3] =	stream.linear.gather [hbm4b:s11+s3], $0x80, $0x38;
	[tilespmem:$0x1E500] =	vst v63  }
0x32: {  	_ =	swait.ge [sflag:s25], $0x4000  }
0x33: {  	[sflag:s25] =	ssyncset.done $0x0  }
0x34: {  	[sflag:s25] =	ssyncadd.s32 $0xFFFFC000  }
0x35: {  	[tilespmem:s20], [sflag:$0x4] =	stream.linear.gather [hbm4b:s12+s3], $0x80, $0x38;
	[tilespmem:$0x1E500] =	vst v63  }
0x36: {  	_ = 	snop  }
0x37: {  	[spmem:s2] =	stream.indirect.scatter.add.f32 [tilespmem:s24], [sflag:$0x6], $0x80, s21, s21, $0xb8;
	[tilespmem:$0x1E500] =	vst v63  }
0x38: {  	_ =	swait.ge [sflag:s26], $0x4000  }
0x39: {  	[sflag:s26] =	ssyncset.done $0x0  }
0x3a: {  	[sflag:s26] =	ssyncadd.s32 $0xFFFFC000  }
0x3b: {  	_ =	swait.ge [sflag:s28], $0x80  }
0x3c: {  	[sflag:s28] =	ssyncset.done $0x0  }
0x3d: {  	[sflag:s28] =	ssyncadd.s32 $0xFFFFFF80  }
0x3e: {  	[tilespmem:s22], [sflag:$0x1] =	stream.indirect.gather [hbm4b:s4+s21], $0x80, s19, s21, $0xb8;
	[tilespmem:$0x1E500] =	vst v63  }
0x3f: {  	_ =	swait.ge [sflag:s23], $0x4000  }
0x40: {  	[sflag:s23] =	ssyncset.done $0x0  }
0x41: {  	[sflag:s23] =	ssyncadd.s32 $0xFFFFC000  }
0x42: {  	_ =	swait.ge [sflag:s29], $0x4000  }
0x43: {  	[sflag:s29] =	ssyncset.done $0x0  }
0x44: {  	[sflag:s29] =	ssyncadd.s32 $0xFFFFC000  }
0x45: {  	_ =	swait.ge [sflag:s30], $0x80  }
0x46: {  	[sflag:s30] =	ssyncset.done $0x0  }
0x47: {  	[sflag:s30] =	ssyncadd.s32 $0xFFFFFF80  }
0x48: {  	[tilespmem:s24], [sflag:$0x2] =	stream.indirect.gather [hbm4b:s4+s21], $0x80, s20, s21, $0xb8;
	[tilespmem:$0x1E500] =	vst v63  }
0x49: {  	s6 =	simm.s32 $0x100  }
0x4a: {  	[spmem:s2] =	stream.indirect.scatter.add.f32 [tilespmem:s22], [sflag:$0x5], $0x80, s6, s21, $0xb8;
	[tilespmem:$0x1E500] =	vst v63  }
0x4b: {  	s1 =	sadd.s32 $0x0, s15  }
0x4c: {  	[tilespmem:s19], [sflag:$0x3] =	stream.linear.gather [hbm4b:s1+s3], $0x80, $0x38;
	[tilespmem:$0x1E500] =	vst v63  }
0x4d: {  	_ =	swait.ge [sflag:s25], $0x4000  }
0x4e: {  	[sflag:s25] =	ssyncset.done $0x0  }
0x4f: {  	s5 =	sadd.s32 $0x0, s14;
	[sflag:s25] =	ssyncadd.s32 $0xFFFFC000  }
0x50: {  	[tilespmem:s20], [sflag:$0x4] =	stream.linear.gather [hbm4b:s5+s3], $0x80, $0x38;
	[tilespmem:$0x1E500] =	vst v63  }
0x51: {  	s6 =	simm.s32 $0x180  }
0x52: {  	[spmem:s2] =	stream.indirect.scatter.add.f32 [tilespmem:s24], [sflag:$0x6], $0x80, s6, s21, $0xb8;
	[tilespmem:$0x1E500] =	vst v63  }
0x53: {  	_ =	swait.ge [sflag:s26], $0x4000  }
0x54: {  	[sflag:s26] =	ssyncset.done $0x0  }
0x55: {  	[sflag:s26] =	ssyncadd.s32 $0xFFFFC000  }
0x56: {  	_ =	swait.ge [sflag:s28], $0x80  }
0x57: {  	[sflag:s28] =	ssyncset.done $0x0  }
0x58: {  	s0 =	simm.s32 $0x280;
	s1 =	simm.s32 $0x20;
	[sflag:s28] =	ssyncadd.s32 $0xFFFFFF80  }
.LBB2_2:
0x59: {  	[tilespmem:s22], [sflag:$0x1] =	stream.indirect.gather [hbm4b:s4+s21], $0x80, s19, s21, $0xb8;
	[tilespmem:$0x1E500] =	vst v63  }
0x5a: {  	s5 =	smov.u32 s1  }
0x5b: {  	p0 =	sne.s32 s1, $0x480;
	s1 =	sadd.s32 $0x20, s1;
	_ =	swait.ge [sflag:s23], $0x4000  }
0x5c: {  	[sflag:s23] =	ssyncset.done $0x0  }
0x5d: {  	[sflag:s23] =	ssyncadd.s32 $0xFFFFC000  }
0x5e: {  	_ =	swait.ge [sflag:s29], $0x4000  }
0x5f: {  	[sflag:s29] =	ssyncset.done $0x0  }
0x60: {  	[sflag:s29] =	ssyncadd.s32 $0xFFFFC000  }
0x61: {  	_ =	swait.ge [sflag:s30], $0x80  }
0x62: {  	[sflag:s30] =	ssyncset.done $0x0  }
0x63: {  	[sflag:s30] =	ssyncadd.s32 $0xFFFFFF80  }
0x64: {  	[tilespmem:s24], [sflag:$0x2] =	stream.indirect.gather [hbm4b:s4+s21], $0x80, s20, s21, $0xb8;
	[tilespmem:$0x1E500] =	vst v63  }
0x65: {  	s6 =	sadd.s32 $0xFFFFFF80, s0  }
0x66: {  	[spmem:s2] =	stream.indirect.scatter.add.f32 [tilespmem:s22], [sflag:$0x5], $0x80, s6, s21, $0xb8;
	[tilespmem:$0x1E500] =	vst v63  }
0x67: {  	s6 =	sadd.s32 s5, s15  }
0x68: {  	[tilespmem:s19], [sflag:$0x3] =	stream.linear.gather [hbm4b:s6+s3], $0x80, $0x38;
	[tilespmem:$0x1E500] =	vst v63  }
0x69: {  	_ =	swait.ge [sflag:s25], $0x4000  }
0x6a: {  	[sflag:s25] =	ssyncset.done $0x0  }
0x6b: {  	s5 =	sadd.s32 s5, s14;
	[sflag:s25] =	ssyncadd.s32 $0xFFFFC000  }
0x6c: {  	[tilespmem:s20], [sflag:$0x4] =	stream.linear.gather [hbm4b:s5+s3], $0x80, $0x38;
	[tilespmem:$0x1E500] =	vst v63  }
0x6d: {  	_ = 	snop  }
0x6e: {  	[spmem:s2] =	stream.indirect.scatter.add.f32 [tilespmem:s24], [sflag:$0x6], $0x80, s0, s21, $0xb8;
	[tilespmem:$0x1E500] =	vst v63  }
0x6f: {  	_ =	swait.ge [sflag:s26], $0x4000  }
.Ltmp0:
0x70: {  	[sflag:s26] =	ssyncset.done $0x0;
	(pc) =	sbr.rel @p0 .LBB2_2-.Ltmp0, $4  }
0x71: {  	[sflag:s26] =	ssyncadd.s32 $0xFFFFC000  }
0x72: {  	_ =	swait.ge [sflag:s28], $0x80  }
0x73: {  	[sflag:s28] =	ssyncset.done $0x0  }
0x74: {  	s0 =	sadd.s32 $0x100, s0;
	[sflag:s28] =	ssyncadd.s32 $0xFFFFFF80  }
0x75: {  	[tilespmem:s22], [sflag:$0x1] =	stream.indirect.gather [hbm4b:s4+s21], $0x80, s19, s21, $0xb8;
	[tilespmem:$0x1E500] =	vst v63  }
0x76: {  	_ =	swait.ge [sflag:s23], $0x4000  }
0x77: {  	[sflag:s23] =	ssyncset.done $0x0  }
0x78: {  	[sflag:s23] =	ssyncadd.s32 $0xFFFFC000  }
0x79: {  	_ =	swait.ge [sflag:s29], $0x4000  }
0x7a: {  	[sflag:s29] =	ssyncset.done $0x0  }
0x7b: {  	[sflag:s29] =	ssyncadd.s32 $0xFFFFC000  }
0x7c: {  	_ =	swait.ge [sflag:s30], $0x80  }
0x7d: {  	[sflag:s30] =	ssyncset.done $0x0  }
0x7e: {  	[sflag:s30] =	ssyncadd.s32 $0xFFFFFF80  }
0x7f: {  	[tilespmem:s24], [sflag:$0x2] =	stream.indirect.gather [hbm4b:s4+s21], $0x80, s20, s21, $0xb8;
	[tilespmem:$0x1E500] =	vst v63  }
0x80: {  	s0 =	simm.s32 $0x2600  }
0x81: {  	[spmem:s2] =	stream.indirect.scatter.add.f32 [tilespmem:s22], [sflag:$0x5], $0x80, s0, s21, $0xb8;
	[tilespmem:$0x1E500] =	vst v63  }
0x82: {  	_ = 	snop  }
0x83: {  	[tilespmem:s19], [sflag:$0x3] =	stream.linear.gather [hbm4b:s13+s3], $0x80, $0x38;
	[tilespmem:$0x1E500] =	vst v63  }
0x84: {  	_ =	swait.ge [sflag:s25], $0x4000  }
0x85: {  	[sflag:s25] =	ssyncset.done $0x0  }
0x86: {  	s5 =	simm.s32 $0x2680;
	[sflag:s25] =	ssyncadd.s32 $0xFFFFC000  }
0x87: {  	[spmem:s2] =	stream.indirect.scatter.add.f32 [tilespmem:s24], [sflag:$0x6], $0x80, s5, s21, $0xb8;
	[tilespmem:$0x1E500] =	vst v63  }
0x88: {  	_ =	swait.ge [sflag:s26], $0x4000  }
0x89: {  	[sflag:s26] =	ssyncset.done $0x0  }
0x8a: {  	[sflag:s26] =	ssyncadd.s32 $0xFFFFC000  }
0x8b: {  	_ =	swait.ge [sflag:s28], $0x80  }
0x8c: {  	[sflag:s28] =	ssyncset.done $0x0  }
0x8d: {  	[sflag:s28] =	ssyncadd.s32 $0xFFFFFF80  }
0x8e: {  	[tilespmem:s22], [sflag:$0x1] =	stream.indirect.gather [hbm4b:s4+s21], $0x80, s19, s21, $0xb8;
	[tilespmem:$0x1E500] =	vst v63  }
0x8f: {  	_ =	swait.ge [sflag:s23], $0x4000  }
0x90: {  	[sflag:s23] =	ssyncset.done $0x0  }
0x91: {  	s6 =	simm.s32 $0x2700;
	[sflag:s23] =	ssyncadd.s32 $0xFFFFC000  }
0x92: {  	[spmem:s2] =	stream.indirect.scatter.add.f32 [tilespmem:s22], [sflag:$0x7], $0x80, s6, s21, $0xb8;
	[tilespmem:$0x1E500] =	vst v63  }
0x93: {  	_ =	swait.ge [sflag:s16], $0x4000  }
0x94: {  	[sflag:s16] =	ssyncset.done $0x0  }
0x95: {  	[sflag:s16] =	ssyncadd.s32 $0xFFFFC000  }
0x96: {  	_ =	swait.ge [sflag:s29], $0x4000  }
0x97: {  	s31 =	sadd.s32 $0x1, s31;
	[sflag:s29] =	ssyncset.done $0x0  }
0x98: {  	p0 =	sne.s32 s31, s10;
	[sflag:s29] =	ssyncadd.s32 $0xFFFFC000  }
.Ltmp1:
0x99: {  	[bflag:$0x0] =	sbarrier.arrive $0xFFFF;
	(pc) =	sbr.rel @p0 .LBB2_1-.Ltmp1, $4  }
0x9a: {  	[hbm:s9], [sflag:s17] =	dma.local [spmem:s18], $0x2780  }
0x9b: {  	_ =	swait.ge [sflag:s16], $0x2780  }
0x9c: {  	[sflag:s16] =	ssyncset.done $0x0  }
0x9d: {  	[sflag:s16] =	ssyncadd.s32 $0xFFFFD880  }
0x9e: {  	_ =	sfence.sel $0x180000  }
0x9f: {  	[bflag:$0x0] =	sbarrier.arrive $0xFFFF  }
0xa0: {  	_ =	strace $0x9000004D  }
0xa1: {  	s0 =	stileid.u32;
	[bflag:$0x2] =	sbarrier.arrive $0xFFFF  }
0xa2: {  	p0 =	sne.s32 s0, $0x0;
	s0 =	rddreg [dreg:$0x2]  }
0xa3: {  	s0 =	sadd.s32 @!p0 $0x100000, s0  }
0xa4: {  	[sflag:s0] =	ssyncadd.tile.s32 @!p0 $0x1;
	_ =	shalt  }
.Lfunc_end2:
_tile_overlayer_lowered:
.L_overlay_start_2:
0xa5: {  	(tag) =	ssettag $0x2  }
0xa6: {  	s0 =	rddreg [dreg:$0x0];
	s2 =	stileid.u32  }
0xa7: {  	s1 =	rddreg [dreg:$0x1];
	p0 =	sne.s32 s2, $0x0  }
0xa8: {  	s3 =	rddreg [dreg:$0x2];
	[bflag:$0x3] =	sbarrier.arrive $0xFFFF;
	s2 =	simm.s32 @!p0 $0x1C07  }
0xa9: {  	[timem:s3], [sflag:s2] =	dma.local @!p0 [hbm:s0], s1  }
0xaa: {  	s0 =	simm.s32 @!p0 $0x7  }
0xab: {  	_ =	swait.ge @!p0 [sflag:s0], s1  }
0xac: {  	s1 =	ssub.s32 @!p0 $0x0, s1;
	[sflag:s0] =	ssyncset.done @!p0 $0x0  }
0xad: {  	[sflag:s0] =	ssyncadd.s32 @!p0 s1  }
0xae: {  	[bflag:$0x3] =	sbarrier.arrive $0xFFFF  }
0xaf: {  	_ =	shalt  }

// kernel: kernel.19.cloned.1.call-start
scs
__scs_entry_jumppad:
0x0: {  	(pc) =	sbr.rel $0x88, $3  }
0x1: {  	(tag) =	ssettag $0x0;
	lr =	simm.s32 $0x1  }
0x2: {  	[smem:$0x3F8B] =	sst lr;
	_ =	strace $0xD0000000  }
0x3: {  	_ = 	snop  }
0x4: {  	_ = 	snop  }
0x5: {  	_ = 	snop  }
0x6: {  	_ = 	snop  }
0x7: {  	_ = 	snop  }
__scs_overlays_trampoline_lowered:
0x8: {  	[smem:$0x3F9A] =	sst s0  }
0x9: {  	[smem:$0x3F9B] =	sst s1  }
0xa: {  	[smem:$0x3F9C] =	sst s2  }
0xb: {  	[smem:$0x3F9D] =	sst s3  }
0xc: {  	[smem:$0x3F9E] =	sst s4  }
0xd: {  	[smem:$0x3F9F] =	sst s5  }
0xe: {  	[smem:$0x3FA0] =	sst s6  }
0xf: {  	[smem:$0x3FA1] =	sst s7  }
0x10: {  	[smem:$0x3FA2] =	sst s8  }
0x11: {  	[smem:$0x3FA3] =	sst s9;
	s0 =	simm.s32 @!p0 $0x0  }
0x12: {  	s1 =	sld [smem:$0x3F89];
	s0 =	simm.s32 @p0 $0x1  }
0x13: {  	[smem:$0x3FA4] =	sst s0;
	s0 =	simm.s32 @!p1 $0x0  }
0x14: {  	s2 =	sld [smem:$0x3F88];
	s0 =	simm.s32 @p1 $0x1  }
0x15: {  	[smem:$0x3FA5] =	sst s0;
	s0 =	simm.s32 @!p2 $0x0  }
0x16: {  	s3 =	sld [smem:$0x3FDB];
	s0 =	simm.s32 @p2 $0x1  }
0x17: {  	s4 =	simm.s32 $0x1BF5;
	[smem:$0x3FA7] =	sst s0  }
0x18: {  	s0 =	sld [smem:$0x3F8A];
	_ =	swait.ge [sflag:s4], $0x0  }
0x19: {  	s7 =	sld [smem:$0x3F8B]  }
0x1a: {  	s8 =	sadd.s32 $0xFFFFE003, lr  }
0x1b: {  	s9 =	sadd.s32 $0xFFFFFEF7, lr;
	s5 =	simm.s32 $0xFFFFFFFF;
	p2 =	slt.u32 s8, $0xFFFFF086  }
0x1c: {  	p1 =	slt.u32 s9, $0xF7A;
	s5 =	simm.s32 @!p2 $0x0  }
0x1d: {  	s5 =	simm.s32 @p1 $0x1;
	p0 =	seq.s32 s7, s2  }
0x1e: {  	s7 =	smul.u32 @!p0 $0xF7A, s2;
	p2 =	seq.s32 @!p0 s5, $0x0  }
0x1f: {  	s9 =	smul.u32 $0xF7A, s1;
	s8 =	simm.s32 @!p0 $0x1BF5;
	p2 =	por !p2, p0  }
0x20: {  	[sflag:s8] =	ssyncset.s32 @!p0 $0xFFFFF086;
	s6 =	sadd.s32 @!p0 s3, s7;
	s7 =	simm.s32 @!p0 $0x108  }
0x21: {  	s3 =	sadd.s32 s3, s9;
	s6 =	sadd.s32 @!p0 $0x88, s6;
	s7 =	simm.s32 @p2 $0x1082  }
0x22: {  	[simem:s7], [sflag:s8] =	dma.local @!p0 [hbm:s6], $0xF7A  }
0x23: {  	s9 =	sor.u32 $0xD0000000, s2;
	s6 =	simm.s32 $0x108;
	_ =	swait.ge @!p0 [sflag:s8], $0x0  }
0x24: {  	s3 =	sadd.s32 $0x88, s3;
	s6 =	simm.s32 @!p1 $0x1082;
	[sflag:s4] =	ssyncset.s32 $0xFFFFF086  }
0x25: {  	[simem:s6], [sflag:s4] =	dma.local [hbm:s3], $0xF7A  }
0x26: {  	[smem:$0x3F8B] =	sst s1;
	(tag) =	ssettag s2;
	_ =	strace s9  }
0x27: {  	s1 =	sld [smem:$0x3F9B]  }
0x28: {  	s2 =	sld [smem:$0x3F9C]  }
0x29: {  	s4 =	sld [smem:$0x3F9E]  }
0x2a: {  	p0 =	seq.s32 s5, $0x0;
	s5 =	sld [smem:$0x3F9F]  }
0x2b: {  	s6 =	sld [smem:$0x3FA0]  }
0x2c: {  	s7 =	sld [smem:$0x3FA1]  }
0x2d: {  	s3 =	simm.s32 $0x108;
	s8 =	sld [smem:$0x3FA2]  }
0x2e: {  	s3 =	simm.s32 @!p0 $0x1082;
	s9 =	sld [smem:$0x3FA3]  }
0x2f: {  	lr =	sadd.s32 s0, s3;
	s0 =	sld [smem:$0x3F9A]  }
0x30: {  	s3 =	sld [smem:$0x3F9D]  }
0x31: {  	[smem:$0x3FA6] =	sst s10  }
0x32: {  	s10 =	sld [smem:$0x3FA4];
	_ =	sdelay $0x3  }
0x33: {  	p0 =	seq.s32 s10, $0x1;
	s10 =	sld [smem:$0x3FA6];
	_ =	sdelay $0x3  }
0x34: {  	[smem:$0x3FA6] =	sst s10  }
0x35: {  	s10 =	sld [smem:$0x3FA5];
	_ =	sdelay $0x3  }
0x36: {  	p1 =	seq.s32 s10, $0x1;
	s10 =	sld [smem:$0x3FA6];
	_ =	sdelay $0x3  }
0x37: {  	[smem:$0x3FA6] =	sst s10  }
0x38: {  	s10 =	sld [smem:$0x3FA7]  }
0x39: {  	_ = 	snop;
	(pc) =	sbr.ind lr, $3  }
0x3a: {  	_ = 	snop  }
0x3b: {  	_ = 	snop  }
0x3c: {  	p2 =	seq.s32 s10, $0x1;
	s10 =	sld [smem:$0x3FA6]  }
0x3d: {  	_ =	shalt  }
0x3e: {  	_ =	shalt  }
0x3f: {  	_ =	shalt  }
0x40: {  	_ =	shalt  }
0x41: {  	_ =	shalt  }
0x42: {  	_ =	shalt  }
0x43: {  	_ =	shalt  }
0x44: {  	_ =	shalt  }
0x45: {  	_ =	shalt  }
0x46: {  	_ =	shalt  }
0x47: {  	_ =	shalt  }
0x48: {  	_ =	shalt  }
0x49: {  	_ =	shalt  }
0x4a: {  	_ =	shalt  }
0x4b: {  	_ =	shalt  }
0x4c: {  	_ =	shalt  }
0x4d: {  	_ =	shalt  }
0x4e: {  	_ =	shalt  }
0x4f: {  	_ =	shalt  }
0x50: {  	_ =	shalt  }
0x51: {  	_ =	shalt  }
0x52: {  	_ =	shalt  }
0x53: {  	_ =	shalt  }
0x54: {  	_ =	shalt  }
0x55: {  	_ =	shalt  }
0x56: {  	_ =	shalt  }
0x57: {  	_ =	shalt  }
0x58: {  	_ =	shalt  }
0x59: {  	_ =	shalt  }
0x5a: {  	_ =	shalt  }
0x5b: {  	_ =	shalt  }
0x5c: {  	_ =	shalt  }
0x5d: {  	_ =	shalt  }
0x5e: {  	_ =	shalt  }
0x5f: {  	_ =	shalt  }
0x60: {  	_ =	shalt  }
0x61: {  	_ =	shalt  }
0x62: {  	_ =	shalt  }
0x63: {  	_ =	shalt  }
0x64: {  	_ =	shalt  }
0x65: {  	_ =	shalt  }
0x66: {  	_ =	shalt  }
0x67: {  	_ =	shalt  }
0x68: {  	_ =	shalt  }
0x69: {  	_ =	shalt  }
0x6a: {  	_ =	shalt  }
0x6b: {  	_ =	shalt  }
0x6c: {  	_ =	shalt  }
0x6d: {  	_ =	shalt  }
0x6e: {  	_ =	shalt  }
0x6f: {  	_ =	shalt  }
0x70: {  	_ =	shalt  }
0x71: {  	_ =	shalt  }
0x72: {  	_ =	shalt  }
0x73: {  	_ =	shalt  }
0x74: {  	_ =	shalt  }
0x75: {  	_ =	shalt  }
0x76: {  	_ =	shalt  }
0x77: {  	_ =	shalt  }
0x78: {  	_ =	shalt  }
0x79: {  	_ =	shalt  }
0x7a: {  	_ =	shalt  }
0x7b: {  	_ =	shalt  }
0x7c: {  	_ =	shalt  }
0x7d: {  	_ =	shalt  }
0x7e: {  	_ =	shalt  }
0x7f: {  	_ =	shalt  }
0x80: {  	_ =	shalt  }
0x81: {  	_ =	shalt  }
0x82: {  	_ =	shalt  }
0x83: {  	_ =	shalt  }
0x84: {  	_ =	shalt  }
0x85: {  	_ =	shalt  }
0x86: {  	_ =	shalt  }
0x87: {  	_ =	shalt  }
.Lfunc_end0:
.L_simem_size_0:
called_computation.3_lowered:
.L_overlay_start_0:
0x88: {  	s2 =	sld [smem:$0x3FD9]  }
0x89: {  	s3 =	sld [smem:$0x3FFE];
	_ =	sdelay $0x1  }
0x8a: {  	s1 =	srdreg.scid  }
0x8b: {  	s0 =	sand.u32 $0x1, s1  }
0x8c: {  	s16 =	sshll.u32 s0, $0xA;
	s2 =	sadd.s32 s3, s2  }
0x8d: {  	s2 =	sadd.s32 s2, s16  }
0x8e: {  	[smem:$0x3FB2] =	sst s2  }
0x8f: {  	_ = 	snop  }
0x90: {  	(tm) =	ssettm $0x1  }
0x91: {  	s17 =	sld [smem:$0x3FFB];
	_ =	sdelay $0x3  }
0x92: {  	_ =	strace s17  }
0x93: {  	s2 =	sld [smem:$0x3FFC];
	_ =	sdelay $0x3  }
0x94: {  	_ =	strace s2  }
0x95: {  	s2 =	sld [smem:$0x3FFD];
	_ =	sdelay $0x3  }
0x96: {  	_ =	strace s2  }
0x97: {  	_ =	strace $0x8FFFFFFF  }
0x98: {  	s18 =	sld [smem:$0x3FDB];
	_ =	sdelay $0x1  }
0x99: {  	s19 =	simm.s32 $_scs_section_size  }
0x9a: {  	s4 =	simm.s32 $_size__tile_overlayer_lowered;
	s5 =	simm.s32 $_tile_overlayer_lowered  }
0x9b: {  	s22 =	simm.s32 $0x1BFF;
	s21 =	sshll.u32 s5, $0x1;
	s2 =	sadd.s32 s19, s18  }
0x9c: {  	s6 =	simm.s32 $0x0;
	s20 =	sshll.u32 s4, $0x1;
	s4 =	sadd.s32 s21, s2  }
0x9d: {  	[timem:s6], [sflag:s22] =	dma.local [hbm:s4], s20  }
0x9e: {  	_ =	swait.ge [sflag:s22], s20  }
0x9f: {  	s3 =	ssub.s32 $0x0, s20;
	[sflag:s22] =	ssyncset.done $0x0  }
0xa0: {  	[sflag:s22] =	ssyncadd.s32 s3;
	_ =	sdelay $0x1  }
0xa1: {  	s23 =	simm.s32 $0x1B8B  }
0xa2: {  	_ =	swait.ge [sflag:s23], $0x1  }
0xa3: {  	[sflag:s23] =	ssyncset.done $0x0  }
0xa4: {  	s25 =	simm.s32 $0x1B8E;
	s24 =	sld [smem:$0x3FFE];
	[sflag:s23] =	ssyncadd.s32 $0xFFFFFFFF  }
0xa5: {  	s26 =	simm.s32 $execute0_lowered;
	[smem:$0x3FD2] =	sst s25  }
0xa6: {  	s4 =	sshll.u32 s26, $0x1;
	_ =	strace $0x8000004F;
	[dreg:$0x1] =	wrdreg $0xFFFFFFFF  }
0xa7: {  	s28 =	simm.s32 $_size_execute0_lowered;
	s2 =	sadd.s32 s2, s4;
	[dreg:$0x0] =	wrdreg $0x0  }
0xa8: {  	s4 =	sshll.u32 s28, $0x1;
	[dreg:$0x2] =	wrdreg s2  }
0xa9: {  	[dreg:$0x3] =	wrdreg s4  }
0xaa: {  	[dreg:$0x4] =	wrdreg $0xC0  }
0xab: {  	_ =	task [dreg:s6], $0x5FFFF  }
0xac: {  	[dreg:$0x1] =	wrdreg $0xFFFFFFFF  }
0xad: {  	[dreg:$0x0] =	wrdreg $0x60  }
0xae: {  	[dreg:$0x2] =	wrdreg s24  }
0xaf: {  	[dreg:$0x3] =	wrdreg $0xA9000  }
0xb0: {  	[dreg:$0x4] =	wrdreg $0x9  }
0xb1: {  	_ =	task.clear_ibuf [dreg:s6], $0x5FFFF;
	_ =	strace $0x9000004F  }
0xb2: {  	s29 =	simm.s32 $0x9;
	_ =	strace $0x80000051  }
0xb3: {  	_ =	swait.ge [sflag:s29], $0x1  }
0xb4: {  	[sflag:s29] =	ssyncadd.s32 $0xFFFFFFFF  }
0xb5: {  	_ =	strace $0x90000051  }
0xb6: {  	_ =	sfence  }
0xb7: {  	s30 =	sld [smem:$0x0];
	_ =	sdelay $0x2  }
0xb8: {  	s31 =	sshll.u32 s1, $0xD;
	s1 =	sshrl.u32 s1, $0x2  }
0xb9: {  	s3 =	sand.u32 $0x4000, s31;
	s1 =	sadd.s32 s1, s30  }
0xba: {  	s0 =	sor.u32 s3, s0;
	s1 =	sshll.u32 s1, $0x11  }
0xbb: {  	s0 =	sor.u32 s1, s0  }
0xbc: {  	s0 =	sadd.s32 $0x8F2B, s0  }
0xbd: {  	[sflag:s0] =	ssyncadd.remote.s32 $0x1  }
0xbe: {  	_ =	sfence.sel $0xFFFF  }
0xbf: {  	[dreg:$0x0] =	wrdreg $0xFFFFFFFF;
	(pc) =	sbr.abs _section_cstart, $3  }
0xc0: {  	[dreg:$0x1] =	wrdreg $0xFFFFFFFF  }
0xc1: {  	_ =	task.clear_ibuf [dreg:s6], $0x2FFFF;
	_ =	strace $0x9FFFFFFF  }
0xc2: {  	(tm) =	ssettm $0x7FFFFFFF  }
0xc3: {  	_ =	shalt  }
tec
execute0_lowered:
.L_overlay_start_1:
0x0: {  	(tag) =	ssettag $0x1  }
0x1: {  	s0 =	srdreg.scid  }
0x2: {  	s16 =	stileid.u32;
	s1 =	rddreg [dreg:$0x0]  }
0x3: {  	s2 =	rddreg [dreg:$0x1];
	s28 =	simm.s32 $0x3;
	s29 =	simm.s32 $0x6  }
0x4: {  	s30 =	simm.s32 $0x4;
	s31 =	simm.s32 $0x0;
	s0 =	sand.u32 $0x1, s0  }
0x5: {  	s3 =	sshll.u32 s16, $0x1;
	s8 =	smul.u32 $0x13C00, s16;
	s4 =	sadd.s32 $0x19600, s1  }
0x6: {  	s15 =	sadd.s32 $0xF800, s1;
	s19 =	sadd.s32 $0x40800, s1;
	s21 =	smul.u32 $0x4F000, s16  }
0x7: {  	s12 =	smul.u32 $0x4F00, s16;
	s26 =	sshll.u32 s16, $0x6;
	s16 =	simm.s32 $0x7  }
0x8: {  	s6 =	sor.u32 s0, s3;
	s3 =	simm.s32 $0x0;
	s7 =	smul.u32 $0x13C000, s0  }
0x9: {  	s20 =	ssub.s32 $0x2, s0;
	s0 =	smul.u32 $0x2780, s0;
	s17 =	sor.u32 $0x1C07, s26  }
0xa: {  	s26 =	simm.s32 $0x5;
	s5 =	smul.u32 $0x500, s6;
	[smem:$0x7FF] =	sst s3  }
0xb: {  	s10 =	sshrl.u32 s20, $0x1;
	s11 =	smul.u32 $0x2780, s6;
	s24 =	sshrl.u32 s21, $0x2  }
0xc: {  	s21 =	simm.s32 $0x80;
	_ =	strace $0x80000050;
	[dreg:$0x3] =	wrdreg s19  }
0xd: {  	s7 =	sadd.s32 s8, s7;
	s10 =	ssub.s32 s20, s10;
	s18 =	sadd.s32 s24, s2  }
0xe: {  	s0 =	sadd.s32 s0, s12;
	s19 =	simm.s32 $0x2800;
	s20 =	simm.s32 $0x2880  }
0xf: {  	s24 =	simm.s32 $0x6900;
	s9 =	sadd.s32 s5, s1;
	s7 =	sshrl.u32 s7, $0x3  }
0x10: {  	s23 =	sshrl.u32 s11, $0x3;
	s10 =	smax.u32 s10, $0x1;
	s25 =	sadd.s32 $0x280, s0  }
0x11: {  	s0 =	sadd.s32 $0x200, s0;
	s18 =	sshrl.u32 s18, $0x3;
	s1 =	sadd.s32 s7, s1  }
0x12: {  	s22 =	sadd.s32 $0x5800, s9;
	s7 =	sadd.s32 s15, s23;
	s0 =	sshrl.u32 s0, $0x3  }
0x13: {  	s23 =	simm.s32 $0x1;
	[dreg:$0x4] =	wrdreg s22;
	s8 =	sadd.s32 $0x10, s7  }
0x14: {  	s9 =	sadd.s32 $0x43000, s1;
	s11 =	sadd.s32 $0x20, s7;
	s12 =	sadd.s32 $0x30, s7  }
0x15: {  	s13 =	sadd.s32 $0x4E0, s7;
	s1 =	sshrl.u32 s25, $0x3;
	s22 =	simm.s32 $0x2900  }
0x16: {  	s25 =	simm.s32 $0x2;
	s14 =	sadd.s32 s1, s15;
	s15 =	sadd.s32 s0, s15  }
.LBB2_1:
0x17: {  	s0 =	rddreg [dreg:$0x4]  }
0x18: {  	[tilespmem:s3], [sflag:$0x7] =	stream.linear.gather [hbm4b:s0+s3], $0x2780, $0x38;
	[tilespmem:$0x1E500] =	vst v63  }
0x19: {  	_ =	swait.ge [sflag:s16], $0x2780  }
0x1a: {  	[sflag:s16] =	ssyncset.done $0x0  }
0x1b: {  	s5 =	rddreg [dreg:$0x3];
	[sflag:s16] =	ssyncadd.s32 $0xFFFFD880  }
0x1c: {  	[spmem:s18], [sflag:s17] =	dma.local [hbm:s5], $0x2780  }
0x1d: {  	_ =	swait.ge [sflag:s16], $0x2780  }
0x1e: {  	[sflag:s16] =	ssyncset.done $0x0  }
0x1f: {  	[sflag:s16] =	ssyncadd.s32 $0xFFFFD880  }
0x20: {  	[bflag:$0x0] =	sbarrier.arrive $0xFFFF  }
0x21: {  	[tilespmem:s19], [sflag:$0x7] =	stream.linear.gather [hbm4b:s7+s3], $0x80, $0x38;
	[tilespmem:$0x1E500] =	vst v63  }
0x22: {  	_ =	swait.ge [sflag:s16], $0x80  }
0x23: {  	[sflag:s16] =	ssyncset.done $0x0  }
0x24: {  	[sflag:s16] =	ssyncadd.s32 $0xFFFFFF80  }
0x25: {  	[tilespmem:s20], [sflag:$0x7] =	stream.linear.gather [hbm4b:s8+s3], $0x80, $0x38;
	[tilespmem:$0x1E500] =	vst v63  }
0x26: {  	_ =	swait.ge [sflag:s16], $0x80  }
0x27: {  	[sflag:s16] =	ssyncset.done $0x0  }
0x28: {  	[sflag:s16] =	ssyncadd.s32 $0xFFFFFF80  }
0x29: {  	[tilespmem:s22], [sflag:$0x1] =	stream.indirect.gather [hbm4b:s4+s21], $0x80, s19, s21, $0xb8;
	[tilespmem:$0x1E500] =	vst v63  }
0x2a: {  	_ =	swait.ge [sflag:s23], $0x4000  }
0x2b: {  	[sflag:s23] =	ssyncset.done $0x0  }
0x2c: {  	[sflag:s23] =	ssyncadd.s32 $0xFFFFC000  }
0x2d: {  	[tilespmem:s24], [sflag:$0x2] =	stream.indirect.gather [hbm4b:s4+s21], $0x80, s20, s21, $0xb8;
	[tilespmem:$0x1E500] =	vst v63  }
0x2e: {  	_ = 	snop  }
0x2f: {  	[spmem:s2] =	stream.indirect.scatter.add.f32 [tilespmem:s22], [sflag:$0x5], $0x80, s3, s21, $0xb8;
	[tilespmem:$0x1E500] =	vst v63  }
0x30: {  	_ = 	snop  }
0x31: {  	[tilespmem:s19], [sflag:$0x3] =	stream.linear.gather [hbm4b:s11+s3], $0x80, $0x38;
	[tilespmem:$0x1E500] =	vst v63  }
0x32: {  	_ =	swait.ge [sflag:s25], $0x4000  }
0x33: {  	[sflag:s25] =	ssyncset.done $0x0  }
0x34: {  	[sflag:s25] =	ssyncadd.s32 $0xFFFFC000  }
0x35: {  	[tilespmem:s20], [sflag:$0x4] =	stream.linear.gather [hbm4b:s12+s3], $0x80, $0x38;
	[tilespmem:$0x1E500] =	vst v63  }
0x36: {  	_ = 	snop  }
0x37: {  	[spmem:s2] =	stream.indirect.scatter.add.f32 [tilespmem:s24], [sflag:$0x6], $0x80, s21, s21, $0xb8;
	[tilespmem:$0x1E500] =	vst v63  }
0x38: {  	_ =	swait.ge [sflag:s26], $0x4000  }
0x39: {  	[sflag:s26] =	ssyncset.done $0x0  }
0x3a: {  	[sflag:s26] =	ssyncadd.s32 $0xFFFFC000  }
0x3b: {  	_ =	swait.ge [sflag:s28], $0x80  }
0x3c: {  	[sflag:s28] =	ssyncset.done $0x0  }
0x3d: {  	[sflag:s28] =	ssyncadd.s32 $0xFFFFFF80  }
0x3e: {  	[tilespmem:s22], [sflag:$0x1] =	stream.indirect.gather [hbm4b:s4+s21], $0x80, s19, s21, $0xb8;
	[tilespmem:$0x1E500] =	vst v63  }
0x3f: {  	_ =	swait.ge [sflag:s23], $0x4000  }
0x40: {  	[sflag:s23] =	ssyncset.done $0x0  }
0x41: {  	[sflag:s23] =	ssyncadd.s32 $0xFFFFC000  }
0x42: {  	_ =	swait.ge [sflag:s29], $0x4000  }
0x43: {  	[sflag:s29] =	ssyncset.done $0x0  }
0x44: {  	[sflag:s29] =	ssyncadd.s32 $0xFFFFC000  }
0x45: {  	_ =	swait.ge [sflag:s30], $0x80  }
0x46: {  	[sflag:s30] =	ssyncset.done $0x0  }
0x47: {  	[sflag:s30] =	ssyncadd.s32 $0xFFFFFF80  }
0x48: {  	[tilespmem:s24], [sflag:$0x2] =	stream.indirect.gather [hbm4b:s4+s21], $0x80, s20, s21, $0xb8;
	[tilespmem:$0x1E500] =	vst v63  }
0x49: {  	s6 =	simm.s32 $0x100  }
0x4a: {  	[spmem:s2] =	stream.indirect.scatter.add.f32 [tilespmem:s22], [sflag:$0x5], $0x80, s6, s21, $0xb8;
	[tilespmem:$0x1E500] =	vst v63  }
0x4b: {  	s1 =	sadd.s32 $0x0, s15  }
0x4c: {  	[tilespmem:s19], [sflag:$0x3] =	stream.linear.gather [hbm4b:s1+s3], $0x80, $0x38;
	[tilespmem:$0x1E500] =	vst v63  }
0x4d: {  	_ =	swait.ge [sflag:s25], $0x4000  }
0x4e: {  	[sflag:s25] =	ssyncset.done $0x0  }
0x4f: {  	s5 =	sadd.s32 $0x0, s14;
	[sflag:s25] =	ssyncadd.s32 $0xFFFFC000  }
0x50: {  	[tilespmem:s20], [sflag:$0x4] =	stream.linear.gather [hbm4b:s5+s3], $0x80, $0x38;
	[tilespmem:$0x1E500] =	vst v63  }
0x51: {  	s6 =	simm.s32 $0x180  }
0x52: {  	[spmem:s2] =	stream.indirect.scatter.add.f32 [tilespmem:s24], [sflag:$0x6], $0x80, s6, s21, $0xb8;
	[tilespmem:$0x1E500] =	vst v63  }
0x53: {  	_ =	swait.ge [sflag:s26], $0x4000  }
0x54: {  	[sflag:s26] =	ssyncset.done $0x0  }
0x55: {  	[sflag:s26] =	ssyncadd.s32 $0xFFFFC000  }
0x56: {  	_ =	swait.ge [sflag:s28], $0x80  }
0x57: {  	[sflag:s28] =	ssyncset.done $0x0  }
0x58: {  	s0 =	simm.s32 $0x280;
	s1 =	simm.s32 $0x20;
	[sflag:s28] =	ssyncadd.s32 $0xFFFFFF80  }
.LBB2_2:
0x59: {  	[tilespmem:s22], [sflag:$0x1] =	stream.indirect.gather [hbm4b:s4+s21], $0x80, s19, s21, $0xb8;
	[tilespmem:$0x1E500] =	vst v63  }
0x5a: {  	s5 =	smov.u32 s1  }
0x5b: {  	p0 =	sne.s32 s1, $0x480;
	s1 =	sadd.s32 $0x20, s1;
	_ =	swait.ge [sflag:s23], $0x4000  }
0x5c: {  	[sflag:s23] =	ssyncset.done $0x0  }
0x5d: {  	[sflag:s23] =	ssyncadd.s32 $0xFFFFC000  }
0x5e: {  	_ =	swait.ge [sflag:s29], $0x4000  }
0x5f: {  	[sflag:s29] =	ssyncset.done $0x0  }
0x60: {  	[sflag:s29] =	ssyncadd.s32 $0xFFFFC000  }
0x61: {  	_ =	swait.ge [sflag:s30], $0x80  }
0x62: {  	[sflag:s30] =	ssyncset.done $0x0  }
0x63: {  	[sflag:s30] =	ssyncadd.s32 $0xFFFFFF80  }
0x64: {  	[tilespmem:s24], [sflag:$0x2] =	stream.indirect.gather [hbm4b:s4+s21], $0x80, s20, s21, $0xb8;
	[tilespmem:$0x1E500] =	vst v63  }
0x65: {  	s6 =	sadd.s32 $0xFFFFFF80, s0  }
0x66: {  	[spmem:s2] =	stream.indirect.scatter.add.f32 [tilespmem:s22], [sflag:$0x5], $0x80, s6, s21, $0xb8;
	[tilespmem:$0x1E500] =	vst v63  }
0x67: {  	s6 =	sadd.s32 s5, s15  }
0x68: {  	[tilespmem:s19], [sflag:$0x3] =	stream.linear.gather [hbm4b:s6+s3], $0x80, $0x38;
	[tilespmem:$0x1E500] =	vst v63  }
0x69: {  	_ =	swait.ge [sflag:s25], $0x4000  }
0x6a: {  	[sflag:s25] =	ssyncset.done $0x0  }
0x6b: {  	s5 =	sadd.s32 s5, s14;
	[sflag:s25] =	ssyncadd.s32 $0xFFFFC000  }
0x6c: {  	[tilespmem:s20], [sflag:$0x4] =	stream.linear.gather [hbm4b:s5+s3], $0x80, $0x38;
	[tilespmem:$0x1E500] =	vst v63  }
0x6d: {  	_ = 	snop  }
0x6e: {  	[spmem:s2] =	stream.indirect.scatter.add.f32 [tilespmem:s24], [sflag:$0x6], $0x80, s0, s21, $0xb8;
	[tilespmem:$0x1E500] =	vst v63  }
0x6f: {  	_ =	swait.ge [sflag:s26], $0x4000  }
.Ltmp0:
0x70: {  	[sflag:s26] =	ssyncset.done $0x0;
	(pc) =	sbr.rel @p0 .LBB2_2-.Ltmp0, $4  }
0x71: {  	[sflag:s26] =	ssyncadd.s32 $0xFFFFC000  }
0x72: {  	_ =	swait.ge [sflag:s28], $0x80  }
0x73: {  	[sflag:s28] =	ssyncset.done $0x0  }
0x74: {  	s0 =	sadd.s32 $0x100, s0;
	[sflag:s28] =	ssyncadd.s32 $0xFFFFFF80  }
0x75: {  	[tilespmem:s22], [sflag:$0x1] =	stream.indirect.gather [hbm4b:s4+s21], $0x80, s19, s21, $0xb8;
	[tilespmem:$0x1E500] =	vst v63  }
0x76: {  	_ =	swait.ge [sflag:s23], $0x4000  }
0x77: {  	[sflag:s23] =	ssyncset.done $0x0  }
0x78: {  	[sflag:s23] =	ssyncadd.s32 $0xFFFFC000  }
0x79: {  	_ =	swait.ge [sflag:s29], $0x4000  }
0x7a: {  	[sflag:s29] =	ssyncset.done $0x0  }
0x7b: {  	[sflag:s29] =	ssyncadd.s32 $0xFFFFC000  }
0x7c: {  	_ =	swait.ge [sflag:s30], $0x80  }
0x7d: {  	[sflag:s30] =	ssyncset.done $0x0  }
0x7e: {  	[sflag:s30] =	ssyncadd.s32 $0xFFFFFF80  }
0x7f: {  	[tilespmem:s24], [sflag:$0x2] =	stream.indirect.gather [hbm4b:s4+s21], $0x80, s20, s21, $0xb8;
	[tilespmem:$0x1E500] =	vst v63  }
0x80: {  	s0 =	simm.s32 $0x2600  }
0x81: {  	[spmem:s2] =	stream.indirect.scatter.add.f32 [tilespmem:s22], [sflag:$0x5], $0x80, s0, s21, $0xb8;
	[tilespmem:$0x1E500] =	vst v63  }
0x82: {  	_ = 	snop  }
0x83: {  	[tilespmem:s19], [sflag:$0x3] =	stream.linear.gather [hbm4b:s13+s3], $0x80, $0x38;
	[tilespmem:$0x1E500] =	vst v63  }
0x84: {  	_ =	swait.ge [sflag:s25], $0x4000  }
0x85: {  	[sflag:s25] =	ssyncset.done $0x0  }
0x86: {  	s5 =	simm.s32 $0x2680;
	[sflag:s25] =	ssyncadd.s32 $0xFFFFC000  }
0x87: {  	[spmem:s2] =	stream.indirect.scatter.add.f32 [tilespmem:s24], [sflag:$0x6], $0x80, s5, s21, $0xb8;
	[tilespmem:$0x1E500] =	vst v63  }
0x88: {  	_ =	swait.ge [sflag:s26], $0x4000  }
0x89: {  	[sflag:s26] =	ssyncset.done $0x0  }
0x8a: {  	[sflag:s26] =	ssyncadd.s32 $0xFFFFC000  }
0x8b: {  	_ =	swait.ge [sflag:s28], $0x80  }
0x8c: {  	[sflag:s28] =	ssyncset.done $0x0  }
0x8d: {  	[sflag:s28] =	ssyncadd.s32 $0xFFFFFF80  }
0x8e: {  	[tilespmem:s22], [sflag:$0x1] =	stream.indirect.gather [hbm4b:s4+s21], $0x80, s19, s21, $0xb8;
	[tilespmem:$0x1E500] =	vst v63  }
0x8f: {  	_ =	swait.ge [sflag:s23], $0x4000  }
0x90: {  	[sflag:s23] =	ssyncset.done $0x0  }
0x91: {  	s6 =	simm.s32 $0x2700;
	[sflag:s23] =	ssyncadd.s32 $0xFFFFC000  }
0x92: {  	[spmem:s2] =	stream.indirect.scatter.add.f32 [tilespmem:s22], [sflag:$0x7], $0x80, s6, s21, $0xb8;
	[tilespmem:$0x1E500] =	vst v63  }
0x93: {  	_ =	swait.ge [sflag:s16], $0x4000  }
0x94: {  	[sflag:s16] =	ssyncset.done $0x0  }
0x95: {  	[sflag:s16] =	ssyncadd.s32 $0xFFFFC000  }
0x96: {  	_ =	swait.ge [sflag:s29], $0x4000  }
0x97: {  	s31 =	sadd.s32 $0x1, s31;
	[sflag:s29] =	ssyncset.done $0x0  }
0x98: {  	p0 =	sne.s32 s31, s10;
	[sflag:s29] =	ssyncadd.s32 $0xFFFFC000  }
.Ltmp1:
0x99: {  	[bflag:$0x0] =	sbarrier.arrive $0xFFFF;
	(pc) =	sbr.rel @p0 .LBB2_1-.Ltmp1, $4  }
0x9a: {  	[hbm:s9], [sflag:s17] =	dma.local [spmem:s18], $0x2780  }
0x9b: {  	_ =	swait.ge [sflag:s16], $0x2780  }
0x9c: {  	[sflag:s16] =	ssyncset.done $0x0  }
0x9d: {  	[sflag:s16] =	ssyncadd.s32 $0xFFFFD880  }
0x9e: {  	_ =	sfence.sel $0x180000  }
0x9f: {  	[bflag:$0x0] =	sbarrier.arrive $0xFFFF  }
0xa0: {  	_ =	strace $0x90000050  }
0xa1: {  	s0 =	stileid.u32;
	[bflag:$0x2] =	sbarrier.arrive $0xFFFF  }
0xa2: {  	p0 =	sne.s32 s0, $0x0;
	s0 =	rddreg [dreg:$0x2]  }
0xa3: {  	s0 =	sadd.s32 @!p0 $0x100000, s0  }
0xa4: {  	[sflag:s0] =	ssyncadd.tile.s32 @!p0 $0x1;
	_ =	shalt  }
.Lfunc_end2:
_tile_overlayer_lowered:
.L_overlay_start_2:
0xa5: {  	(tag) =	ssettag $0x2  }
0xa6: {  	s0 =	rddreg [dreg:$0x0];
	s2 =	stileid.u32  }
0xa7: {  	s1 =	rddreg [dreg:$0x1];
	p0 =	sne.s32 s2, $0x0  }
0xa8: {  	s3 =	rddreg [dreg:$0x2];
	[bflag:$0x3] =	sbarrier.arrive $0xFFFF;
	s2 =	simm.s32 @!p0 $0x1C07  }
0xa9: {  	[timem:s3], [sflag:s2] =	dma.local @!p0 [hbm:s0], s1  }
0xaa: {  	s0 =	simm.s32 @!p0 $0x7  }
0xab: {  	_ =	swait.ge @!p0 [sflag:s0], s1  }
0xac: {  	s1 =	ssub.s32 @!p0 $0x0, s1;
	[sflag:s0] =	ssyncset.done @!p0 $0x0  }
0xad: {  	[sflag:s0] =	ssyncadd.s32 @!p0 s1  }
0xae: {  	[bflag:$0x3] =	sbarrier.arrive $0xFFFF  }
0xaf: {  	_ =	shalt  }

</sc_bundles>
